<compile_context>
chip_gen: v7x
topology: tpu7x:2x2x1
jax: 0.10.2.dev20260603
libtpu: 0.0.44.dev20260713+nightly
codegen_flags: <defaults>
</compile_context>

<pallas_src>
import functools

import jax
import jax.numpy as jnp
from jax import lax
from jax.experimental import pallas as pl
from jax.experimental.pallas import tpu as pltpu
from jax.experimental.pallas import tpu_sc as plsc

N = 10000
E = 320000
HID = 32
DIM = 4
D = HID * DIM
L = 3
G = 256
VOCAB = 28
VOCAB_PAD = 32

NC = 2
NS = 16
NW = NC * NS
CHUNK = 80
EPW0 = 17760
EPW1 = 2400
NG0 = EPW0 // (3 * CHUNK)
NG1 = EPW1 // (3 * CHUNK)
OFF1 = NS * EPW0
E_PAD = NS * (EPW0 + EPW1)
N_ACC = 10240
ROWS_PER_TILE = N_ACC // NS

BN = 1000
NB = N // BN


def _spmm_body(z_hbm, src_hbm, dst_hbm, zeros_hbm, out_hbm,
               src_all, d0, d1, d2, r0, r1, r2, acc,
               gs0, gs1, gs2, ds0, ds1, ds2, ss0, ss1, ss2):
    c = lax.axis_index("c")
    s = lax.axis_index("s")
    pltpu.sync_copy(zeros_hbm,
                    acc.at[pl.ds(s * ROWS_PER_TILE, ROWS_PER_TILE)])
    plsc.subcore_barrier()

    rows = (r0, r1, r2)
    dsts = (d0, d1, d2)
    gsems = (gs0, gs1, gs2)
    dsems = (ds0, ds1, ds2)
    ssems = (ss0, ss1, ss2)

    def run(ebase, ngroups):
        nch = ngroups * 3

        def gstart(j, k):
            off = pl.multiple_of(j * CHUNK, 8)
            pltpu.async_copy(dst_hbm.at[pl.ds(ebase + off, CHUNK)],
                             dsts[k], dsems[k])
            pltpu.async_copy(z_hbm.at[src_all.at[pl.ds(off, CHUNK)]],
                             rows[k], gsems[k])

        def gwait(k):
            pltpu.make_async_copy(dst_hbm.at[pl.ds(ebase, CHUNK)],
                                  dsts[k], dsems[k]).wait()
            pltpu.make_async_copy(z_hbm.at[src_all.at[pl.ds(0, CHUNK)]],
                                  rows[k], gsems[k]).wait()

        def sstart(k):
            pltpu.async_copy(rows[k], acc.at[dsts[k]], ssems[k], add=True)

        def swait(k):
            pltpu.make_async_copy(rows[k], acc.at[dsts[k]], ssems[k]).wait()

        pltpu.sync_copy(src_hbm.at[pl.ds(ebase, nch * CHUNK)],
                        src_all.at[pl.ds(0, nch * CHUNK)])
        for k in range(3):
            gstart(k, k)

        def body(g, carry):
            j = 3 * g
            for k in range(3):
                gwait(k)
                sstart(k)
            for k in range(3):
                swait(k)
                gstart(j + 3 + k, k)
            return carry

        lax.fori_loop(0, ngroups - 1, body, 0)
        for k in range(3):
            gwait(k)
            sstart(k)
        for k in range(3):
            swait(k)

    @pl.when(c == 0)
    def _core0():
        run(pl.multiple_of(s * EPW0, 8), NG0)

    @pl.when(c == 1)
    def _core1():
        run(pl.multiple_of(OFF1 + s * EPW1, 8), NG1)

    plsc.subcore_barrier()
    pltpu.sync_copy(acc.at[pl.ds(s * ROWS_PER_TILE, ROWS_PER_TILE)],
                    out_hbm.at[c, pl.ds(s * ROWS_PER_TILE, ROWS_PER_TILE)])


_spmm = functools.partial(
    pl.kernel,
    out_type=jax.ShapeDtypeStruct((NC, N_ACC, D), jnp.float32),
    mesh=plsc.VectorSubcoreMesh(core_axis_name="c", subcore_axis_name="s"),
    scratch_types=[
        pltpu.VMEM((EPW0,), jnp.int32),
        pltpu.VMEM((CHUNK,), jnp.int32),
        pltpu.VMEM((CHUNK,), jnp.int32),
        pltpu.VMEM((CHUNK,), jnp.int32),
        pltpu.VMEM((CHUNK, D), jnp.float32),
        pltpu.VMEM((CHUNK, D), jnp.float32),
        pltpu.VMEM((CHUNK, D), jnp.float32),
        pltpu.VMEM_SHARED((N_ACC, D), jnp.float32),
        pltpu.SemaphoreType.DMA,
        pltpu.SemaphoreType.DMA,
        pltpu.SemaphoreType.DMA,
        pltpu.SemaphoreType.DMA,
        pltpu.SemaphoreType.DMA,
        pltpu.SemaphoreType.DMA,
        pltpu.SemaphoreType.DMA,
        pltpu.SemaphoreType.DMA,
        pltpu.SemaphoreType.DMA,
    ],
)(_spmm_body)


def _embed_tc(x_ref, embed_ref, m_ref, z_ref):
    xb = x_ref[...][:, 0]
    onehot = (xb[:, None]
              == lax.broadcasted_iota(jnp.int32, (BN, VOCAB_PAD), 1)
              ).astype(jnp.float32)
    em = jnp.dot(embed_ref[...], m_ref[...],
                 preferred_element_type=jnp.float32)
    z_ref[...] = jnp.dot(onehot, em, preferred_element_type=jnp.float32)


def _combine_tc(p_ref, m_ref, d0, z_ref):
    del d0
    h = jnp.maximum(p_ref[0] + p_ref[1], 0.0)
    z_ref[...] = jnp.dot(h, m_ref[...], preferred_element_type=jnp.float32)


def _final_tc(p_ref, b_ref, w1_ref, b1_ref, w2t_ref, b2_ref,
              d0, d1, d2, d3, d4, o_ref, y_acc):
    del d0, d1, d2, d3, d4
    i = pl.program_id(0)

    @pl.when(i == 0)
    def _init():
        y_acc[...] = jnp.zeros_like(y_acc)

    h = jnp.maximum(p_ref[0] + p_ref[1], 0.0)
    bb = b_ref[0, 0, :]
    mask = (bb[None, :]
            == lax.broadcasted_iota(jnp.int32, (G, BN), 0)).astype(jnp.float32)
    y_acc[...] += jnp.dot(mask, h, preferred_element_type=jnp.float32)

    @pl.when(i == NB - 1)
    def _readout():
        y = y_acc[...]
        t = jnp.maximum(
            jnp.dot(y, w1_ref[...], preferred_element_type=jnp.float32)
            + b1_ref[...], 0.0)
        o_ref[...] = (jnp.sum(t * w2t_ref[...], axis=1) + b2_ref[0, 0])[None, :]


def kernel(x, edge_index, batch, embed, Rs, Ws, W1, b1, W2, b2):
    Ms = (jnp.transpose(Rs, (0, 2, 1))[:, :, None, :, None]
          * Ws[:, None, :, None, :]).reshape(L, D, D)
    embed_p = jnp.pad(embed, ((0, VOCAB_PAD - VOCAB), (0, 0)))

    src = jnp.concatenate([edge_index[0],
                           jnp.zeros((E_PAD - E,), jnp.int32)])
    dst = jnp.concatenate([edge_index[1],
                           jnp.full((E_PAD - E,), N, jnp.int32)])
    zeros = jnp.zeros((ROWS_PER_TILE, D), jnp.float32)
    batch3 = batch.reshape(NB, 1, BN)

    z = pl.pallas_call(
        _embed_tc,
        grid=(NB,),
        in_specs=[
            pl.BlockSpec((BN, 1), lambda i: (i, 0)),
            pl.BlockSpec((VOCAB_PAD, D), lambda i: (0, 0)),
            pl.BlockSpec((D, D), lambda i: (0, 0)),
        ],
        out_specs=pl.BlockSpec((BN, D), lambda i: (i, 0)),
        out_shape=jax.ShapeDtypeStruct((N, D), jnp.float32),
    )(x, embed_p, Ms[0])

    p1keep = None
    for i in range(L):
        zp = z
        p = _spmm(z, src, dst, zeros)
        if p1keep is None:
            p1keep = p
        if i < L - 1:
            z = pl.pallas_call(
                _combine_tc,
                grid=(NB,),
                in_specs=[
                    pl.BlockSpec((NC, BN, D), lambda j: (0, j, 0)),
                    pl.BlockSpec((D, D), lambda j: (0, 0)),
                    pl.BlockSpec(memory_space=pl.ANY),
                ],
                out_specs=pl.BlockSpec((BN, D), lambda j: (j, 0)),
                out_shape=jax.ShapeDtypeStruct((N, D), jnp.float32),
            )(p, Ms[i + 1], zp)

    out2d = pl.pallas_call(
        _final_tc,
        grid=(NB,),
        in_specs=[
            pl.BlockSpec((NC, BN, D), lambda j: (0, j, 0)),
            pl.BlockSpec((1, 1, BN), lambda j: (j, 0, 0)),
            pl.BlockSpec((D, HID), lambda j: (0, 0)),
            pl.BlockSpec((1, HID), lambda j: (0, 0)),
            pl.BlockSpec((1, HID), lambda j: (0, 0)),
            pl.BlockSpec((1, 1), lambda j: (0, 0)),
            pl.BlockSpec(memory_space=pl.ANY),
            pl.BlockSpec(memory_space=pl.ANY),
            pl.BlockSpec(memory_space=pl.ANY),
            pl.BlockSpec(memory_space=pl.ANY),
            pl.BlockSpec(memory_space=pl.ANY),
        ],
        out_specs=pl.BlockSpec((1, G), lambda j: (0, 0)),
        out_shape=jax.ShapeDtypeStruct((1, G), jnp.float32),
        scratch_shapes=[pltpu.VMEM((G, D), jnp.float32)],
    )(p, batch3, W1, b1.reshape(1, HID), W2.reshape(1, HID), b2.reshape(1, 1),
      zp, src, dst, zeros, p1keep)

    return out2d[0]

# --- scband reference (transcript-rebuilt; emitter-appended) ---
"""Pipeline reference for scband-test-sheaf-conv-89850715832320 (READ-ONLY COPY).

The authoritative reference and input builder live on the scoring server;
editing this copy changes nothing except your own understanding.
"""

import jax, jax.numpy as jnp
import numpy as np

N = 10000
E = 320000
HID = 32
DIM = 4
D = HID * DIM  # 128
L = 3
OUT = 1
G = 256  # number of graphs in the batch
VOCAB = 28


def setup_inputs(seed: int = 0) -> dict:
    key = jax.random.key(seed)
    ks = jax.random.split(key, 10)
    x = jax.random.randint(ks[0], (N, 1), 0, VOCAB, dtype=jnp.int32)
    edge_index = jax.random.randint(ks[1], (2, E), 0, N, dtype=jnp.int32)
    batch = jnp.sort(jax.random.randint(ks[2], (N,), 0, G, dtype=jnp.int32))
    # learned parameters
    embed = jax.random.normal(ks[3], (VOCAB, D), dtype=jnp.float32) * 0.1
    # per-layer sheaf restriction maps (dim x dim) and per-stalk feature transforms
    Rs = jax.random.normal(ks[4], (L, DIM, DIM), dtype=jnp.float32) * 0.3
    Ws = jax.random.normal(ks[5], (L, HID, HID), dtype=jnp.float32) * 0.1
    # readout MLP: Linear(D, HID) -> ReLU -> Linear(HID, OUT)
    W1 = jax.random.normal(ks[6], (D, HID), dtype=jnp.float32) * 0.1
    b1 = jnp.zeros((HID,), dtype=jnp.float32)
    W2 = jax.random.normal(ks[7], (HID, OUT), dtype=jnp.float32) * 0.1
    b2 = jnp.zeros((OUT,), dtype=jnp.float32)
    return {"x": x, "edge_index": edge_index, "batch": batch,
            "embed": embed, "Rs": Rs, "Ws": Ws,
            "W1": W1, "b1": b1, "W2": W2, "b2": b2}


def reference(x, edge_index, batch, embed, Rs, Ws, W1, b1, W2, b2):
    # x = self.embed(x.long()).squeeze(1): [N,1] -> [N,1,D] -> [N,D]
    h = jnp.take(embed, x[:, 0], axis=0)
    src = edge_index[0]
    dst = edge_index[1]
    for i in range(L):
        # SheafConv(in=D, out=HID, dim=DIM): view features as DIM stalks of HID,
        # apply restriction map R (dim x dim) across stalks and feature transform W,
        # then sum-aggregate messages from source to destination nodes.
        z = h.reshape(N, DIM, HID)
        z = jnp.einsum('de,neh->ndh', Rs[i], z)
        z = jnp.einsum('ndh,ho->ndo', z, Ws[i])
        z = z.reshape(N, D)
        msg = jnp.take(z, src, axis=0)
        h = jnp.zeros((N, D), dtype=z.dtype).at[dst].add(msg)
        h = jax.nn.relu(h)
    # y = scatter_sum(x, batch, dim=0): graph-level sum pooling
    y = jax.ops.segment_sum(h, batch, num_segments=G)
    y = jax.nn.relu(y @ W1 + b1) @ W2 + b2
    return y.squeeze(-1)

if __name__ == "__main__":
    import jax
    _d = setup_inputs()
    print(jax.jit(kernel)(*tuple(_d.values())))

</pallas_src>

<mosaic_0001>
#map = affine_map<(d0, d1) -> (0, 0)>
#map1 = affine_map<(d0, d1) -> (0)>
#map2 = affine_map<(d0, d1) -> (0, 0, 0)>
module attributes {stable_mosaic.version = 14 : i64} {
  func.func @_spmm_body(%arg0: i32, %arg1: i32, %arg2: memref<10000x128xf32, #tpu.memory_space<hbm>>, %arg3: memref<322560xi32, #tpu.memory_space<hbm>>, %arg4: memref<322560xi32, #tpu.memory_space<hbm>>, %arg5: memref<640x128xf32, #tpu.memory_space<hbm>>, %arg6: memref<2x10240x128xf32, #tpu.memory_space<hbm>>, %arg7: memref<17760xi32, #tpu.memory_space<vmem>>, %arg8: memref<80xi32, #tpu.memory_space<vmem>>, %arg9: memref<80xi32, #tpu.memory_space<vmem>>, %arg10: memref<80xi32, #tpu.memory_space<vmem>>, %arg11: memref<80x128xf32, #tpu.memory_space<vmem>>, %arg12: memref<80x128xf32, #tpu.memory_space<vmem>>, %arg13: memref<80x128xf32, #tpu.memory_space<vmem>>, %arg14: memref<10240x128xf32, #tpu.memory_space<vmem_shared>>, %arg15: memref<!tpu.dma_semaphore, #tpu.memory_space<semaphore_mem>>, %arg16: memref<!tpu.dma_semaphore, #tpu.memory_space<semaphore_mem>>, %arg17: memref<!tpu.dma_semaphore, #tpu.memory_space<semaphore_mem>>, %arg18: memref<!tpu.dma_semaphore, #tpu.memory_space<semaphore_mem>>, %arg19: memref<!tpu.dma_semaphore, #tpu.memory_space<semaphore_mem>>, %arg20: memref<!tpu.dma_semaphore, #tpu.memory_space<semaphore_mem>>, %arg21: memref<!tpu.dma_semaphore, #tpu.memory_space<semaphore_mem>>, %arg22: memref<!tpu.dma_semaphore, #tpu.memory_space<semaphore_mem>>, %arg23: memref<!tpu.dma_semaphore, #tpu.memory_space<semaphore_mem>>) attributes {dimension_semantics = [#tpu.dimension_semantics<core_parallel>, #tpu.dimension_semantics<subcore_parallel>], iteration_bounds = array<i64: 2, 16>, scalar_prefetch = 0 : i64, scratch_operands = 17 : i64, tpu.core_type = #tpu.core_type<sc_vector_subcore>, window_params = [{transform_indices = #map}, {transform_indices = #map1}, {transform_indices = #map1}, {transform_indices = #map}, {transform_indices = #map2}]} {
    %mul3A = arith.constant 640 : i32
    %mul3A_0 = arith.muli %arg1, %mul3A : i32
    "tpu.region"() ({
      %run_scoped3A = tpu.sem_alloc : memref<!tpu.dma_semaphore, #tpu.memory_space<semaphore_mem>>
      %dma_start3A = arith.constant 0 : i32
      %dma_start3A_13 = tpu.memref_slice %arg14[%mul3A_0, %dma_start3A] : memref<10240x128xf32, #tpu.memory_space<vmem_shared>> -> memref<640x128xf32, #tpu.memory_space<vmem_shared>>
      tpu.enqueue_dma source(%arg5 : memref<640x128xf32, #tpu.memory_space<hbm>>) target(%dma_start3A_13 : memref<640x128xf32, #tpu.memory_space<vmem_shared>>) target_semaphore(%run_scoped3A : memref<!tpu.dma_semaphore, #tpu.memory_space<semaphore_mem>>)
      %dma_wait3A = arith.constant 0 : i32
      %dma_wait3A_14 = tpu.memref_slice %arg14[%mul3A_0, %dma_wait3A] : memref<10240x128xf32, #tpu.memory_space<vmem_shared>> -> memref<640x128xf32, #tpu.memory_space<vmem_shared>>
      tpu.wait_dma2 semaphore(%run_scoped3A : memref<!tpu.dma_semaphore, #tpu.memory_space<semaphore_mem>>) src(%arg5 : memref<640x128xf32, #tpu.memory_space<hbm>>) dst(%dma_wait3A_14 : memref<640x128xf32, #tpu.memory_space<vmem_shared>>)
      tpu.yield
    }) : () -> ()
    %barrier3A = arith.constant 0 : index
    tpu.barrier barrier_id(%barrier3A)
    %eq3A = arith.constant 0 : i32
    %eq3A_1 = arith.cmpi eq, %arg0, %eq3A : i32
    %convert_element_type3A = arith.extui %eq3A_1 : i1 to i32
    %cond3A = arith.constant 0 : i32
    %cond3A_2 = arith.cmpi ne, %convert_element_type3A, %cond3A : i32
    scf.if %cond3A_2 {
      %mul3A_13 = arith.constant 17760 : i32
      %mul3A_14 = arith.muli %arg1, %mul3A_13 : i32
      %multiple_of3A = tpu.assume_multiple %mul3A_14, 8 : i32
      "tpu.region"() ({
        %run_scoped3A = tpu.sem_alloc : memref<!tpu.dma_semaphore, #tpu.memory_space<semaphore_mem>>
        %dma_start3A_83 = arith.constant 0 : i32
        %dma_start3A_84 = tpu.memref_slice %arg7[%dma_start3A_83] : memref<17760xi32, #tpu.memory_space<vmem>> -> memref<17760xi32, #tpu.memory_space<vmem>>
        %dma_start3A_85 = tpu.memref_slice %arg3[%multiple_of3A] : memref<322560xi32, #tpu.memory_space<hbm>> -> memref<17760xi32, #tpu.memory_space<hbm>>
        %dma_start3A_86 = arith.constant 0 : i32
        %dma_start3A_87 = tpu.memref_slice %arg7[%dma_start3A_86] : memref<17760xi32, #tpu.memory_space<vmem>> -> memref<17760xi32, #tpu.memory_space<vmem>>
        %dma_start3A_88 = tpu.memref_slice %arg3[%multiple_of3A] : memref<322560xi32, #tpu.memory_space<hbm>> -> memref<17760xi32, #tpu.memory_space<hbm>>
        tpu.enqueue_dma source(%dma_start3A_88 : memref<17760xi32, #tpu.memory_space<hbm>>) target(%dma_start3A_87 : memref<17760xi32, #tpu.memory_space<vmem>>) target_semaphore(%run_scoped3A : memref<!tpu.dma_semaphore, #tpu.memory_space<semaphore_mem>>)
        %dma_wait3A_89 = arith.constant 0 : i32
        %dma_wait3A_90 = tpu.memref_slice %arg7[%dma_wait3A_89] : memref<17760xi32, #tpu.memory_space<vmem>> -> memref<17760xi32, #tpu.memory_space<vmem>>
        %dma_wait3A_91 = tpu.memref_slice %arg3[%multiple_of3A] : memref<322560xi32, #tpu.memory_space<hbm>> -> memref<17760xi32, #tpu.memory_space<hbm>>
        %dma_wait3A_92 = arith.constant 0 : i32
        %dma_wait3A_93 = tpu.memref_slice %arg7[%dma_wait3A_92] : memref<17760xi32, #tpu.memory_space<vmem>> -> memref<17760xi32, #tpu.memory_space<vmem>>
        %dma_wait3A_94 = tpu.memref_slice %arg3[%multiple_of3A] : memref<322560xi32, #tpu.memory_space<hbm>> -> memref<17760xi32, #tpu.memory_space<hbm>>
        tpu.wait_dma2 semaphore(%run_scoped3A : memref<!tpu.dma_semaphore, #tpu.memory_space<semaphore_mem>>) src(%dma_wait3A_94 : memref<17760xi32, #tpu.memory_space<hbm>>) dst(%dma_wait3A_93 : memref<17760xi32, #tpu.memory_space<vmem>>)
        tpu.yield
      }) : () -> ()
      %multiple_of3A_15 = arith.constant 0 : i32
      %multiple_of3A_16 = tpu.assume_multiple %multiple_of3A_15, 8 : i32
      %add3A = arith.addi %multiple_of3A, %multiple_of3A_16 : i32
      %dma_start3A = tpu.memref_slice %arg4[%add3A] : memref<322560xi32, #tpu.memory_space<hbm>> -> memref<80xi32, #tpu.memory_space<hbm>>
      %dma_start3A_17 = tpu.memref_slice %arg4[%add3A] : memref<322560xi32, #tpu.memory_space<hbm>> -> memref<80xi32, #tpu.memory_space<hbm>>
      tpu.enqueue_dma source(%dma_start3A_17 : memref<80xi32, #tpu.memory_space<hbm>>) target(%arg8 : memref<80xi32, #tpu.memory_space<vmem>>) target_semaphore(%arg18 : memref<!tpu.dma_semaphore, #tpu.memory_space<semaphore_mem>>)
      %dma_start3A_18 = tpu.memref_slice %arg7[%multiple_of3A_16] : memref<17760xi32, #tpu.memory_space<vmem>> -> memref<80xi32, #tpu.memory_space<vmem>>
      %dma_start3A_19 = arith.constant 0 : i32
      %dma_start3A_20 = arith.constant 0 : i32
      %dma_start3A_21 = tpu.memref_slice %arg2[%dma_start3A_19, %dma_start3A_20] : memref<10000x128xf32, #tpu.memory_space<hbm>> -> memref<10000x128xf32, #tpu.memory_space<hbm>>
      tpu.enqueue_indirect_dma source(%dma_start3A_21 : memref<10000x128xf32, #tpu.memory_space<hbm>>) target(%arg11 : memref<80x128xf32, #tpu.memory_space<vmem>>) offsets(%dma_start3A_18 : memref<80xi32, #tpu.memory_space<vmem>>) semaphore(%arg15 : memref<!tpu.dma_semaphore, #tpu.memory_space<semaphore_mem>>)
      %multiple_of3A_22 = arith.constant 80 : i32
      %multiple_of3A_23 = tpu.assume_multiple %multiple_of3A_22, 8 : i32
      %add3A_24 = arith.addi %multiple_of3A, %multiple_of3A_23 : i32
      %dma_start3A_25 = tpu.memref_slice %arg4[%add3A_24] : memref<322560xi32, #tpu.memory_space<hbm>> -> memref<80xi32, #tpu.memory_space<hbm>>
      %dma_start3A_26 = tpu.memref_slice %arg4[%add3A_24] : memref<322560xi32, #tpu.memory_space<hbm>> -> memref<80xi32, #tpu.memory_space<hbm>>
      tpu.enqueue_dma source(%dma_start3A_26 : memref<80xi32, #tpu.memory_space<hbm>>) target(%arg9 : memref<80xi32, #tpu.memory_space<vmem>>) target_semaphore(%arg19 : memref<!tpu.dma_semaphore, #tpu.memory_space<semaphore_mem>>)
      %dma_start3A_27 = tpu.memref_slice %arg7[%multiple_of3A_23] : memref<17760xi32, #tpu.memory_space<vmem>> -> memref<80xi32, #tpu.memory_space<vmem>>
      %dma_start3A_28 = arith.constant 0 : i32
      %dma_start3A_29 = arith.constant 0 : i32
      %dma_start3A_30 = tpu.memref_slice %arg2[%dma_start3A_28, %dma_start3A_29] : memref<10000x128xf32, #tpu.memory_space<hbm>> -> memref<10000x128xf32, #tpu.memory_space<hbm>>
      tpu.enqueue_indirect_dma source(%dma_start3A_30 : memref<10000x128xf32, #tpu.memory_space<hbm>>) target(%arg12 : memref<80x128xf32, #tpu.memory_space<vmem>>) offsets(%dma_start3A_27 : memref<80xi32, #tpu.memory_space<vmem>>) semaphore(%arg16 : memref<!tpu.dma_semaphore, #tpu.memory_space<semaphore_mem>>)
      %multiple_of3A_31 = arith.constant 160 : i32
      %multiple_of3A_32 = tpu.assume_multiple %multiple_of3A_31, 8 : i32
      %add3A_33 = arith.addi %multiple_of3A, %multiple_of3A_32 : i32
      %dma_start3A_34 = tpu.memref_slice %arg4[%add3A_33] : memref<322560xi32, #tpu.memory_space<hbm>> -> memref<80xi32, #tpu.memory_space<hbm>>
      %dma_start3A_35 = tpu.memref_slice %arg4[%add3A_33] : memref<322560xi32, #tpu.memory_space<hbm>> -> memref<80xi32, #tpu.memory_space<hbm>>
      tpu.enqueue_dma source(%dma_start3A_35 : memref<80xi32, #tpu.memory_space<hbm>>) target(%arg10 : memref<80xi32, #tpu.memory_space<vmem>>) target_semaphore(%arg20 : memref<!tpu.dma_semaphore, #tpu.memory_space<semaphore_mem>>)
      %dma_start3A_36 = tpu.memref_slice %arg7[%multiple_of3A_32] : memref<17760xi32, #tpu.memory_space<vmem>> -> memref<80xi32, #tpu.memory_space<vmem>>
      %dma_start3A_37 = arith.constant 0 : i32
      %dma_start3A_38 = arith.constant 0 : i32
      %dma_start3A_39 = tpu.memref_slice %arg2[%dma_start3A_37, %dma_start3A_38] : memref<10000x128xf32, #tpu.memory_space<hbm>> -> memref<10000x128xf32, #tpu.memory_space<hbm>>
      tpu.enqueue_indirect_dma source(%dma_start3A_39 : memref<10000x128xf32, #tpu.memory_space<hbm>>) target(%arg13 : memref<80x128xf32, #tpu.memory_space<vmem>>) offsets(%dma_start3A_36 : memref<80xi32, #tpu.memory_space<vmem>>) semaphore(%arg17 : memref<!tpu.dma_semaphore, #tpu.memory_space<semaphore_mem>>)
      %scan3A = arith.constant 0 : i32
      %scan3A_40 = arith.constant 0 : i32
      %scan3A_41 = arith.constant 73 : i32
      %scan3A_42 = arith.addi %scan3A_40, %scan3A_41 : i32
      %scan3A_43 = arith.constant 1 : i32
      scf.for %scan3A_83 = %scan3A_40 to %scan3A_42 step %scan3A_43  : i32 {
        %mul3A_84 = arith.constant 3 : i32
        %mul3A_85 = arith.muli %mul3A_84, %scan3A_83 : i32
        %dma_wait3A_86 = tpu.memref_slice %arg4[%multiple_of3A] : memref<322560xi32, #tpu.memory_space<hbm>> -> memref<80xi32, #tpu.memory_space<hbm>>
        %dma_wait3A_87 = tpu.memref_slice %arg4[%multiple_of3A] : memref<322560xi32, #tpu.memory_space<hbm>> -> memref<80xi32, #tpu.memory_space<hbm>>
        tpu.wait_dma2 semaphore(%arg18 : memref<!tpu.dma_semaphore, #tpu.memory_space<semaphore_mem>>) src(%dma_wait3A_87 : memref<80xi32, #tpu.memory_space<hbm>>) dst(%arg8 : memref<80xi32, #tpu.memory_space<vmem>>)
        %dma_wait3A_88 = arith.constant 0 : i32
        %dma_wait3A_89 = tpu.memref_slice %arg7[%dma_wait3A_88] : memref<17760xi32, #tpu.memory_space<vmem>> -> memref<80xi32, #tpu.memory_space<vmem>>
        %dma_wait3A_90 = arith.constant 0 : i32
        %dma_wait3A_91 = arith.constant 0 : i32
        %dma_wait3A_92 = tpu.memref_slice %arg2[%dma_wait3A_90, %dma_wait3A_91] : memref<10000x128xf32, #tpu.memory_space<hbm>> -> memref<10000x128xf32, #tpu.memory_space<hbm>>
        tpu.wait_indirect_dma semaphore(%arg15 : memref<!tpu.dma_semaphore, #tpu.memory_space<semaphore_mem>>) src(%dma_wait3A_92 : memref<10000x128xf32, #tpu.memory_space<hbm>>) dst(%arg11 : memref<80x128xf32, #tpu.memory_space<vmem>>)
        %dma_start3A_93 = arith.constant 0 : i32
        %dma_start3A_94 = arith.constant 0 : i32
        %dma_start3A_95 = tpu.memref_slice %arg14[%dma_start3A_93, %dma_start3A_94] : memref<10240x128xf32, #tpu.memory_space<vmem_shared>> -> memref<10240x128xf32, #tpu.memory_space<vmem_shared>>
        tpu.enqueue_indirect_dma source(%arg11 : memref<80x128xf32, #tpu.memory_space<vmem>>) target(%dma_start3A_95 : memref<10240x128xf32, #tpu.memory_space<vmem_shared>>) offsets(%arg8 : memref<80xi32, #tpu.memory_space<vmem>>) semaphore(%arg21 : memref<!tpu.dma_semaphore, #tpu.memory_space<semaphore_mem>>) {add = true}
        %dma_wait3A_96 = tpu.memref_slice %arg4[%multiple_of3A] : memref<322560xi32, #tpu.memory_space<hbm>> -> memref<80xi32, #tpu.memory_space<hbm>>
        %dma_wait3A_97 = tpu.memref_slice %arg4[%multiple_of3A] : memref<322560xi32, #tpu.memory_space<hbm>> -> memref<80xi32, #tpu.memory_space<hbm>>
        tpu.wait_dma2 semaphore(%arg19 : memref<!tpu.dma_semaphore, #tpu.memory_space<semaphore_mem>>) src(%dma_wait3A_97 : memref<80xi32, #tpu.memory_space<hbm>>) dst(%arg9 : memref<80xi32, #tpu.memory_space<vmem>>)
        %dma_wait3A_98 = arith.constant 0 : i32
        %dma_wait3A_99 = tpu.memref_slice %arg7[%dma_wait3A_98] : memref<17760xi32, #tpu.memory_space<vmem>> -> memref<80xi32, #tpu.memory_space<vmem>>
        %dma_wait3A_100 = arith.constant 0 : i32
        %dma_wait3A_101 = arith.constant 0 : i32
        %dma_wait3A_102 = tpu.memref_slice %arg2[%dma_wait3A_100, %dma_wait3A_101] : memref<10000x128xf32, #tpu.memory_space<hbm>> -> memref<10000x128xf32, #tpu.memory_space<hbm>>
        tpu.wait_indirect_dma semaphore(%arg16 : memref<!tpu.dma_semaphore, #tpu.memory_space<semaphore_mem>>) src(%dma_wait3A_102 : memref<10000x128xf32, #tpu.memory_space<hbm>>) dst(%arg12 : memref<80x128xf32, #tpu.memory_space<vmem>>)
        %dma_start3A_103 = arith.constant 0 : i32
        %dma_start3A_104 = arith.constant 0 : i32
        %dma_start3A_105 = tpu.memref_slice %arg14[%dma_start3A_103, %dma_start3A_104] : memref<10240x128xf32, #tpu.memory_space<vmem_shared>> -> memref<10240x128xf32, #tpu.memory_space<vmem_shared>>
        tpu.enqueue_indirect_dma source(%arg12 : memref<80x128xf32, #tpu.memory_space<vmem>>) target(%dma_start3A_105 : memref<10240x128xf32, #tpu.memory_space<vmem_shared>>) offsets(%arg9 : memref<80xi32, #tpu.memory_space<vmem>>) semaphore(%arg22 : memref<!tpu.dma_semaphore, #tpu.memory_space<semaphore_mem>>) {add = true}
        %dma_wait3A_106 = tpu.memref_slice %arg4[%multiple_of3A] : memref<322560xi32, #tpu.memory_space<hbm>> -> memref<80xi32, #tpu.memory_space<hbm>>
        %dma_wait3A_107 = tpu.memref_slice %arg4[%multiple_of3A] : memref<322560xi32, #tpu.memory_space<hbm>> -> memref<80xi32, #tpu.memory_space<hbm>>
        tpu.wait_dma2 semaphore(%arg20 : memref<!tpu.dma_semaphore, #tpu.memory_space<semaphore_mem>>) src(%dma_wait3A_107 : memref<80xi32, #tpu.memory_space<hbm>>) dst(%arg10 : memref<80xi32, #tpu.memory_space<vmem>>)
        %dma_wait3A_108 = arith.constant 0 : i32
        %dma_wait3A_109 = tpu.memref_slice %arg7[%dma_wait3A_108] : memref<17760xi32, #tpu.memory_space<vmem>> -> memref<80xi32, #tpu.memory_space<vmem>>
        %dma_wait3A_110 = arith.constant 0 : i32
        %dma_wait3A_111 = arith.constant 0 : i32
        %dma_wait3A_112 = tpu.memref_slice %arg2[%dma_wait3A_110, %dma_wait3A_111] : memref<10000x128xf32, #tpu.memory_space<hbm>> -> memref<10000x128xf32, #tpu.memory_space<hbm>>
        tpu.wait_indirect_dma semaphore(%arg17 : memref<!tpu.dma_semaphore, #tpu.memory_space<semaphore_mem>>) src(%dma_wait3A_112 : memref<10000x128xf32, #tpu.memory_space<hbm>>) dst(%arg13 : memref<80x128xf32, #tpu.memory_space<vmem>>)
        %dma_start3A_113 = arith.constant 0 : i32
        %dma_start3A_114 = arith.constant 0 : i32
        %dma_start3A_115 = tpu.memref_slice %arg14[%dma_start3A_113, %dma_start3A_114] : memref<10240x128xf32, #tpu.memory_space<vmem_shared>> -> memref<10240x128xf32, #tpu.memory_space<vmem_shared>>
        tpu.enqueue_indirect_dma source(%arg13 : memref<80x128xf32, #tpu.memory_space<vmem>>) target(%dma_start3A_115 : memref<10240x128xf32, #tpu.memory_space<vmem_shared>>) offsets(%arg10 : memref<80xi32, #tpu.memory_space<vmem>>) semaphore(%arg23 : memref<!tpu.dma_semaphore, #tpu.memory_space<semaphore_mem>>) {add = true}
        %dma_wait3A_116 = arith.constant 0 : i32
        %dma_wait3A_117 = arith.constant 0 : i32
        %dma_wait3A_118 = tpu.memref_slice %arg14[%dma_wait3A_116, %dma_wait3A_117] : memref<10240x128xf32, #tpu.memory_space<vmem_shared>> -> memref<10240x128xf32, #tpu.memory_space<vmem_shared>>
        tpu.wait_indirect_dma semaphore(%arg21 : memref<!tpu.dma_semaphore, #tpu.memory_space<semaphore_mem>>) src(%arg11 : memref<80x128xf32, #tpu.memory_space<vmem>>) dst(%dma_wait3A_118 : memref<10240x128xf32, #tpu.memory_space<vmem_shared>>)
        %add3A_119 = arith.constant 3 : i32
        %add3A_120 = arith.addi %mul3A_85, %add3A_119 : i32
        %add3A_121 = arith.constant 0 : i32
        %add3A_122 = arith.addi %add3A_120, %add3A_121 : i32
        %mul3A_123 = arith.constant 80 : i32
        %mul3A_124 = arith.muli %add3A_122, %mul3A_123 : i32
        %multiple_of3A_125 = tpu.assume_multiple %mul3A_124, 8 : i32
        %add3A_126 = arith.addi %multiple_of3A, %multiple_of3A_125 : i32
        %dma_start3A_127 = tpu.memref_slice %arg4[%add3A_126] : memref<322560xi32, #tpu.memory_space<hbm>> -> memref<80xi32, #tpu.memory_space<hbm>>
        %dma_start3A_128 = tpu.memref_slice %arg4[%add3A_126] : memref<322560xi32, #tpu.memory_space<hbm>> -> memref<80xi32, #tpu.memory_space<hbm>>
        tpu.enqueue_dma source(%dma_start3A_128 : memref<80xi32, #tpu.memory_space<hbm>>) target(%arg8 : memref<80xi32, #tpu.memory_space<vmem>>) target_semaphore(%arg18 : memref<!tpu.dma_semaphore, #tpu.memory_space<semaphore_mem>>)
        %dma_start3A_129 = tpu.memref_slice %arg7[%multiple_of3A_125] : memref<17760xi32, #tpu.memory_space<vmem>> -> memref<80xi32, #tpu.memory_space<vmem>>
        %dma_start3A_130 = arith.constant 0 : i32
        %dma_start3A_131 = arith.constant 0 : i32
        %dma_start3A_132 = tpu.memref_slice %arg2[%dma_start3A_130, %dma_start3A_131] : memref<10000x128xf32, #tpu.memory_space<hbm>> -> memref<10000x128xf32, #tpu.memory_space<hbm>>
        tpu.enqueue_indirect_dma source(%dma_start3A_132 : memref<10000x128xf32, #tpu.memory_space<hbm>>) target(%arg11 : memref<80x128xf32, #tpu.memory_space<vmem>>) offsets(%dma_start3A_129 : memref<80xi32, #tpu.memory_space<vmem>>) semaphore(%arg15 : memref<!tpu.dma_semaphore, #tpu.memory_space<semaphore_mem>>)
        %dma_wait3A_133 = arith.constant 0 : i32
        %dma_wait3A_134 = arith.constant 0 : i32
        %dma_wait3A_135 = tpu.memref_slice %arg14[%dma_wait3A_133, %dma_wait3A_134] : memref<10240x128xf32, #tpu.memory_space<vmem_shared>> -> memref<10240x128xf32, #tpu.memory_space<vmem_shared>>
        tpu.wait_indirect_dma semaphore(%arg22 : memref<!tpu.dma_semaphore, #tpu.memory_space<semaphore_mem>>) src(%arg12 : memref<80x128xf32, #tpu.memory_space<vmem>>) dst(%dma_wait3A_135 : memref<10240x128xf32, #tpu.memory_space<vmem_shared>>)
        %add3A_136 = arith.constant 3 : i32
        %add3A_137 = arith.addi %mul3A_85, %add3A_136 : i32
        %add3A_138 = arith.constant 1 : i32
        %add3A_139 = arith.addi %add3A_137, %add3A_138 : i32
        %mul3A_140 = arith.constant 80 : i32
        %mul3A_141 = arith.muli %add3A_139, %mul3A_140 : i32
        %multiple_of3A_142 = tpu.assume_multiple %mul3A_141, 8 : i32
        %add3A_143 = arith.addi %multiple_of3A, %multiple_of3A_142 : i32
        %dma_start3A_144 = tpu.memref_slice %arg4[%add3A_143] : memref<322560xi32, #tpu.memory_space<hbm>> -> memref<80xi32, #tpu.memory_space<hbm>>
        %dma_start3A_145 = tpu.memref_slice %arg4[%add3A_143] : memref<322560xi32, #tpu.memory_space<hbm>> -> memref<80xi32, #tpu.memory_space<hbm>>
        tpu.enqueue_dma source(%dma_start3A_145 : memref<80xi32, #tpu.memory_space<hbm>>) target(%arg9 : memref<80xi32, #tpu.memory_space<vmem>>) target_semaphore(%arg19 : memref<!tpu.dma_semaphore, #tpu.memory_space<semaphore_mem>>)
        %dma_start3A_146 = tpu.memref_slice %arg7[%multiple_of3A_142] : memref<17760xi32, #tpu.memory_space<vmem>> -> memref<80xi32, #tpu.memory_space<vmem>>
        %dma_start3A_147 = arith.constant 0 : i32
        %dma_start3A_148 = arith.constant 0 : i32
        %dma_start3A_149 = tpu.memref_slice %arg2[%dma_start3A_147, %dma_start3A_148] : memref<10000x128xf32, #tpu.memory_space<hbm>> -> memref<10000x128xf32, #tpu.memory_space<hbm>>
        tpu.enqueue_indirect_dma source(%dma_start3A_149 : memref<10000x128xf32, #tpu.memory_space<hbm>>) target(%arg12 : memref<80x128xf32, #tpu.memory_space<vmem>>) offsets(%dma_start3A_146 : memref<80xi32, #tpu.memory_space<vmem>>) semaphore(%arg16 : memref<!tpu.dma_semaphore, #tpu.memory_space<semaphore_mem>>)
        %dma_wait3A_150 = arith.constant 0 : i32
        %dma_wait3A_151 = arith.constant 0 : i32
        %dma_wait3A_152 = tpu.memref_slice %arg14[%dma_wait3A_150, %dma_wait3A_151] : memref<10240x128xf32, #tpu.memory_space<vmem_shared>> -> memref<10240x128xf32, #tpu.memory_space<vmem_shared>>
        tpu.wait_indirect_dma semaphore(%arg23 : memref<!tpu.dma_semaphore, #tpu.memory_space<semaphore_mem>>) src(%arg13 : memref<80x128xf32, #tpu.memory_space<vmem>>) dst(%dma_wait3A_152 : memref<10240x128xf32, #tpu.memory_space<vmem_shared>>)
        %add3A_153 = arith.constant 3 : i32
        %add3A_154 = arith.addi %mul3A_85, %add3A_153 : i32
        %add3A_155 = arith.constant 2 : i32
        %add3A_156 = arith.addi %add3A_154, %add3A_155 : i32
        %mul3A_157 = arith.constant 80 : i32
        %mul3A_158 = arith.muli %add3A_156, %mul3A_157 : i32
        %multiple_of3A_159 = tpu.assume_multiple %mul3A_158, 8 : i32
        %add3A_160 = arith.addi %multiple_of3A, %multiple_of3A_159 : i32
        %dma_start3A_161 = tpu.memref_slice %arg4[%add3A_160] : memref<322560xi32, #tpu.memory_space<hbm>> -> memref<80xi32, #tpu.memory_space<hbm>>
        %dma_start3A_162 = tpu.memref_slice %arg4[%add3A_160] : memref<322560xi32, #tpu.memory_space<hbm>> -> memref<80xi32, #tpu.memory_space<hbm>>
        tpu.enqueue_dma source(%dma_start3A_162 : memref<80xi32, #tpu.memory_space<hbm>>) target(%arg10 : memref<80xi32, #tpu.memory_space<vmem>>) target_semaphore(%arg20 : memref<!tpu.dma_semaphore, #tpu.memory_space<semaphore_mem>>)
        %dma_start3A_163 = tpu.memref_slice %arg7[%multiple_of3A_159] : memref<17760xi32, #tpu.memory_space<vmem>> -> memref<80xi32, #tpu.memory_space<vmem>>
        %dma_start3A_164 = arith.constant 0 : i32
        %dma_start3A_165 = arith.constant 0 : i32
        %dma_start3A_166 = tpu.memref_slice %arg2[%dma_start3A_164, %dma_start3A_165] : memref<10000x128xf32, #tpu.memory_space<hbm>> -> memref<10000x128xf32, #tpu.memory_space<hbm>>
        tpu.enqueue_indirect_dma source(%dma_start3A_166 : memref<10000x128xf32, #tpu.memory_space<hbm>>) target(%arg13 : memref<80x128xf32, #tpu.memory_space<vmem>>) offsets(%dma_start3A_163 : memref<80xi32, #tpu.memory_space<vmem>>) semaphore(%arg17 : memref<!tpu.dma_semaphore, #tpu.memory_space<semaphore_mem>>)
      }
      %scan3A_44 = arith.constant 73 : i32
      %dma_wait3A = tpu.memref_slice %arg4[%multiple_of3A] : memref<322560xi32, #tpu.memory_space<hbm>> -> memref<80xi32, #tpu.memory_space<hbm>>
      %dma_wait3A_45 = tpu.memref_slice %arg4[%multiple_of3A] : memref<322560xi32, #tpu.memory_space<hbm>> -> memref<80xi32, #tpu.memory_space<hbm>>
      tpu.wait_dma2 semaphore(%arg18 : memref<!tpu.dma_semaphore, #tpu.memory_space<semaphore_mem>>) src(%dma_wait3A_45 : memref<80xi32, #tpu.memory_space<hbm>>) dst(%arg8 : memref<80xi32, #tpu.memory_space<vmem>>)
      %dma_wait3A_46 = arith.constant 0 : i32
      %dma_wait3A_47 = tpu.memref_slice %arg7[%dma_wait3A_46] : memref<17760xi32, #tpu.memory_space<vmem>> -> memref<80xi32, #tpu.memory_space<vmem>>
      %dma_wait3A_48 = arith.constant 0 : i32
      %dma_wait3A_49 = arith.constant 0 : i32
      %dma_wait3A_50 = tpu.memref_slice %arg2[%dma_wait3A_48, %dma_wait3A_49] : memref<10000x128xf32, #tpu.memory_space<hbm>> -> memref<10000x128xf32, #tpu.memory_space<hbm>>
      tpu.wait_indirect_dma semaphore(%arg15 : memref<!tpu.dma_semaphore, #tpu.memory_space<semaphore_mem>>) src(%dma_wait3A_50 : memref<10000x128xf32, #tpu.memory_space<hbm>>) dst(%arg11 : memref<80x128xf32, #tpu.memory_space<vmem>>)
      %dma_start3A_51 = arith.constant 0 : i32
      %dma_start3A_52 = arith.constant 0 : i32
      %dma_start3A_53 = tpu.memref_slice %arg14[%dma_start3A_51, %dma_start3A_52] : memref<10240x128xf32, #tpu.memory_space<vmem_shared>> -> memref<10240x128xf32, #tpu.memory_space<vmem_shared>>
      tpu.enqueue_indirect_dma source(%arg11 : memref<80x128xf32, #tpu.memory_space<vmem>>) target(%dma_start3A_53 : memref<10240x128xf32, #tpu.memory_space<vmem_shared>>) offsets(%arg8 : memref<80xi32, #tpu.memory_space<vmem>>) semaphore(%arg21 : memref<!tpu.dma_semaphore, #tpu.memory_space<semaphore_mem>>) {add = true}
      %dma_wait3A_54 = tpu.memref_slice %arg4[%multiple_of3A] : memref<322560xi32, #tpu.memory_space<hbm>> -> memref<80xi32, #tpu.memory_space<hbm>>
      %dma_wait3A_55 = tpu.memref_slice %arg4[%multiple_of3A] : memref<322560xi32, #tpu.memory_space<hbm>> -> memref<80xi32, #tpu.memory_space<hbm>>
      tpu.wait_dma2 semaphore(%arg19 : memref<!tpu.dma_semaphore, #tpu.memory_space<semaphore_mem>>) src(%dma_wait3A_55 : memref<80xi32, #tpu.memory_space<hbm>>) dst(%arg9 : memref<80xi32, #tpu.memory_space<vmem>>)
      %dma_wait3A_56 = arith.constant 0 : i32
      %dma_wait3A_57 = tpu.memref_slice %arg7[%dma_wait3A_56] : memref<17760xi32, #tpu.memory_space<vmem>> -> memref<80xi32, #tpu.memory_space<vmem>>
      %dma_wait3A_58 = arith.constant 0 : i32
      %dma_wait3A_59 = arith.constant 0 : i32
      %dma_wait3A_60 = tpu.memref_slice %arg2[%dma_wait3A_58, %dma_wait3A_59] : memref<10000x128xf32, #tpu.memory_space<hbm>> -> memref<10000x128xf32, #tpu.memory_space<hbm>>
      tpu.wait_indirect_dma semaphore(%arg16 : memref<!tpu.dma_semaphore, #tpu.memory_space<semaphore_mem>>) src(%dma_wait3A_60 : memref<10000x128xf32, #tpu.memory_space<hbm>>) dst(%arg12 : memref<80x128xf32, #tpu.memory_space<vmem>>)
      %dma_start3A_61 = arith.constant 0 : i32
      %dma_start3A_62 = arith.constant 0 : i32
      %dma_start3A_63 = tpu.memref_slice %arg14[%dma_start3A_61, %dma_start3A_62] : memref<10240x128xf32, #tpu.memory_space<vmem_shared>> -> memref<10240x128xf32, #tpu.memory_space<vmem_shared>>
      tpu.enqueue_indirect_dma source(%arg12 : memref<80x128xf32, #tpu.memory_space<vmem>>) target(%dma_start3A_63 : memref<10240x128xf32, #tpu.memory_space<vmem_shared>>) offsets(%arg9 : memref<80xi32, #tpu.memory_space<vmem>>) semaphore(%arg22 : memref<!tpu.dma_semaphore, #tpu.memory_space<semaphore_mem>>) {add = true}
      %dma_wait3A_64 = tpu.memref_slice %arg4[%multiple_of3A] : memref<322560xi32, #tpu.memory_space<hbm>> -> memref<80xi32, #tpu.memory_space<hbm>>
      %dma_wait3A_65 = tpu.memref_slice %arg4[%multiple_of3A] : memref<322560xi32, #tpu.memory_space<hbm>> -> memref<80xi32, #tpu.memory_space<hbm>>
      tpu.wait_dma2 semaphore(%arg20 : memref<!tpu.dma_semaphore, #tpu.memory_space<semaphore_mem>>) src(%dma_wait3A_65 : memref<80xi32, #tpu.memory_space<hbm>>) dst(%arg10 : memref<80xi32, #tpu.memory_space<vmem>>)
      %dma_wait3A_66 = arith.constant 0 : i32
      %dma_wait3A_67 = tpu.memref_slice %arg7[%dma_wait3A_66] : memref<17760xi32, #tpu.memory_space<vmem>> -> memref<80xi32, #tpu.memory_space<vmem>>
      %dma_wait3A_68 = arith.constant 0 : i32
      %dma_wait3A_69 = arith.constant 0 : i32
      %dma_wait3A_70 = tpu.memref_slice %arg2[%dma_wait3A_68, %dma_wait3A_69] : memref<10000x128xf32, #tpu.memory_space<hbm>> -> memref<10000x128xf32, #tpu.memory_space<hbm>>
      tpu.wait_indirect_dma semaphore(%arg17 : memref<!tpu.dma_semaphore, #tpu.memory_space<semaphore_mem>>) src(%dma_wait3A_70 : memref<10000x128xf32, #tpu.memory_space<hbm>>) dst(%arg13 : memref<80x128xf32, #tpu.memory_space<vmem>>)
      %dma_start3A_71 = arith.constant 0 : i32
      %dma_start3A_72 = arith.constant 0 : i32
      %dma_start3A_73 = tpu.memref_slice %arg14[%dma_start3A_71, %dma_start3A_72] : memref<10240x128xf32, #tpu.memory_space<vmem_shared>> -> memref<10240x128xf32, #tpu.memory_space<vmem_shared>>
      tpu.enqueue_indirect_dma source(%arg13 : memref<80x128xf32, #tpu.memory_space<vmem>>) target(%dma_start3A_73 : memref<10240x128xf32, #tpu.memory_space<vmem_shared>>) offsets(%arg10 : memref<80xi32, #tpu.memory_space<vmem>>) semaphore(%arg23 : memref<!tpu.dma_semaphore, #tpu.memory_space<semaphore_mem>>) {add = true}
      %dma_wait3A_74 = arith.constant 0 : i32
      %dma_wait3A_75 = arith.constant 0 : i32
      %dma_wait3A_76 = tpu.memref_slice %arg14[%dma_wait3A_74, %dma_wait3A_75] : memref<10240x128xf32, #tpu.memory_space<vmem_shared>> -> memref<10240x128xf32, #tpu.memory_space<vmem_shared>>
      tpu.wait_indirect_dma semaphore(%arg21 : memref<!tpu.dma_semaphore, #tpu.memory_space<semaphore_mem>>) src(%arg11 : memref<80x128xf32, #tpu.memory_space<vmem>>) dst(%dma_wait3A_76 : memref<10240x128xf32, #tpu.memory_space<vmem_shared>>)
      %dma_wait3A_77 = arith.constant 0 : i32
      %dma_wait3A_78 = arith.constant 0 : i32
      %dma_wait3A_79 = tpu.memref_slice %arg14[%dma_wait3A_77, %dma_wait3A_78] : memref<10240x128xf32, #tpu.memory_space<vmem_shared>> -> memref<10240x128xf32, #tpu.memory_space<vmem_shared>>
      tpu.wait_indirect_dma semaphore(%arg22 : memref<!tpu.dma_semaphore, #tpu.memory_space<semaphore_mem>>) src(%arg12 : memref<80x128xf32, #tpu.memory_space<vmem>>) dst(%dma_wait3A_79 : memref<10240x128xf32, #tpu.memory_space<vmem_shared>>)
      %dma_wait3A_80 = arith.constant 0 : i32
      %dma_wait3A_81 = arith.constant 0 : i32
      %dma_wait3A_82 = tpu.memref_slice %arg14[%dma_wait3A_80, %dma_wait3A_81] : memref<10240x128xf32, #tpu.memory_space<vmem_shared>> -> memref<10240x128xf32, #tpu.memory_space<vmem_shared>>
      tpu.wait_indirect_dma semaphore(%arg23 : memref<!tpu.dma_semaphore, #tpu.memory_space<semaphore_mem>>) src(%arg13 : memref<80x128xf32, #tpu.memory_space<vmem>>) dst(%dma_wait3A_82 : memref<10240x128xf32, #tpu.memory_space<vmem_shared>>)
    } else {
    }
    %eq3A_3 = arith.constant 1 : i32
    %eq3A_4 = arith.cmpi eq, %arg0, %eq3A_3 : i32
    %convert_element_type3A_5 = arith.extui %eq3A_4 : i1 to i32
    %cond3A_6 = arith.constant 0 : i32
    %cond3A_7 = arith.cmpi ne, %convert_element_type3A_5, %cond3A_6 : i32
    scf.if %cond3A_7 {
      %mul3A_13 = arith.constant 2400 : i32
      %mul3A_14 = arith.muli %arg1, %mul3A_13 : i32
      %add3A = arith.constant 284160 : i32
      %add3A_15 = arith.addi %add3A, %mul3A_14 : i32
      %multiple_of3A = tpu.assume_multiple %add3A_15, 8 : i32
      "tpu.region"() ({
        %run_scoped3A = tpu.sem_alloc : memref<!tpu.dma_semaphore, #tpu.memory_space<semaphore_mem>>
        %dma_start3A_85 = arith.constant 0 : i32
        %dma_start3A_86 = tpu.memref_slice %arg7[%dma_start3A_85] : memref<17760xi32, #tpu.memory_space<vmem>> -> memref<2400xi32, #tpu.memory_space<vmem>>
        %dma_start3A_87 = tpu.memref_slice %arg3[%multiple_of3A] : memref<322560xi32, #tpu.memory_space<hbm>> -> memref<2400xi32, #tpu.memory_space<hbm>>
        %dma_start3A_88 = arith.constant 0 : i32
        %dma_start3A_89 = tpu.memref_slice %arg7[%dma_start3A_88] : memref<17760xi32, #tpu.memory_space<vmem>> -> memref<2400xi32, #tpu.memory_space<vmem>>
        %dma_start3A_90 = tpu.memref_slice %arg3[%multiple_of3A] : memref<322560xi32, #tpu.memory_space<hbm>> -> memref<2400xi32, #tpu.memory_space<hbm>>
        tpu.enqueue_dma source(%dma_start3A_90 : memref<2400xi32, #tpu.memory_space<hbm>>) target(%dma_start3A_89 : memref<2400xi32, #tpu.memory_space<vmem>>) target_semaphore(%run_scoped3A : memref<!tpu.dma_semaphore, #tpu.memory_space<semaphore_mem>>)
        %dma_wait3A_91 = arith.constant 0 : i32
        %dma_wait3A_92 = tpu.memref_slice %arg7[%dma_wait3A_91] : memref<17760xi32, #tpu.memory_space<vmem>> -> memref<2400xi32, #tpu.memory_space<vmem>>
        %dma_wait3A_93 = tpu.memref_slice %arg3[%multiple_of3A] : memref<322560xi32, #tpu.memory_space<hbm>> -> memref<2400xi32, #tpu.memory_space<hbm>>
        %dma_wait3A_94 = arith.constant 0 : i32
        %dma_wait3A_95 = tpu.memref_slice %arg7[%dma_wait3A_94] : memref<17760xi32, #tpu.memory_space<vmem>> -> memref<2400xi32, #tpu.memory_space<vmem>>
        %dma_wait3A_96 = tpu.memref_slice %arg3[%multiple_of3A] : memref<322560xi32, #tpu.memory_space<hbm>> -> memref<2400xi32, #tpu.memory_space<hbm>>
        tpu.wait_dma2 semaphore(%run_scoped3A : memref<!tpu.dma_semaphore, #tpu.memory_space<semaphore_mem>>) src(%dma_wait3A_96 : memref<2400xi32, #tpu.memory_space<hbm>>) dst(%dma_wait3A_95 : memref<2400xi32, #tpu.memory_space<vmem>>)
        tpu.yield
      }) : () -> ()
      %multiple_of3A_16 = arith.constant 0 : i32
      %multiple_of3A_17 = tpu.assume_multiple %multiple_of3A_16, 8 : i32
      %add3A_18 = arith.addi %multiple_of3A, %multiple_of3A_17 : i32
      %dma_start3A = tpu.memref_slice %arg4[%add3A_18] : memref<322560xi32, #tpu.memory_space<hbm>> -> memref<80xi32, #tpu.memory_space<hbm>>
      %dma_start3A_19 = tpu.memref_slice %arg4[%add3A_18] : memref<322560xi32, #tpu.memory_space<hbm>> -> memref<80xi32, #tpu.memory_space<hbm>>
      tpu.enqueue_dma source(%dma_start3A_19 : memref<80xi32, #tpu.memory_space<hbm>>) target(%arg8 : memref<80xi32, #tpu.memory_space<vmem>>) target_semaphore(%arg18 : memref<!tpu.dma_semaphore, #tpu.memory_space<semaphore_mem>>)
      %dma_start3A_20 = tpu.memref_slice %arg7[%multiple_of3A_17] : memref<17760xi32, #tpu.memory_space<vmem>> -> memref<80xi32, #tpu.memory_space<vmem>>
      %dma_start3A_21 = arith.constant 0 : i32
      %dma_start3A_22 = arith.constant 0 : i32
      %dma_start3A_23 = tpu.memref_slice %arg2[%dma_start3A_21, %dma_start3A_22] : memref<10000x128xf32, #tpu.memory_space<hbm>> -> memref<10000x128xf32, #tpu.memory_space<hbm>>
      tpu.enqueue_indirect_dma source(%dma_start3A_23 : memref<10000x128xf32, #tpu.memory_space<hbm>>) target(%arg11 : memref<80x128xf32, #tpu.memory_space<vmem>>) offsets(%dma_start3A_20 : memref<80xi32, #tpu.memory_space<vmem>>) semaphore(%arg15 : memref<!tpu.dma_semaphore, #tpu.memory_space<semaphore_mem>>)
      %multiple_of3A_24 = arith.constant 80 : i32
      %multiple_of3A_25 = tpu.assume_multiple %multiple_of3A_24, 8 : i32
      %add3A_26 = arith.addi %multiple_of3A, %multiple_of3A_25 : i32
      %dma_start3A_27 = tpu.memref_slice %arg4[%add3A_26] : memref<322560xi32, #tpu.memory_space<hbm>> -> memref<80xi32, #tpu.memory_space<hbm>>
      %dma_start3A_28 = tpu.memref_slice %arg4[%add3A_26] : memref<322560xi32, #tpu.memory_space<hbm>> -> memref<80xi32, #tpu.memory_space<hbm>>
      tpu.enqueue_dma source(%dma_start3A_28 : memref<80xi32, #tpu.memory_space<hbm>>) target(%arg9 : memref<80xi32, #tpu.memory_space<vmem>>) target_semaphore(%arg19 : memref<!tpu.dma_semaphore, #tpu.memory_space<semaphore_mem>>)
      %dma_start3A_29 = tpu.memref_slice %arg7[%multiple_of3A_25] : memref<17760xi32, #tpu.memory_space<vmem>> -> memref<80xi32, #tpu.memory_space<vmem>>
      %dma_start3A_30 = arith.constant 0 : i32
      %dma_start3A_31 = arith.constant 0 : i32
      %dma_start3A_32 = tpu.memref_slice %arg2[%dma_start3A_30, %dma_start3A_31] : memref<10000x128xf32, #tpu.memory_space<hbm>> -> memref<10000x128xf32, #tpu.memory_space<hbm>>
      tpu.enqueue_indirect_dma source(%dma_start3A_32 : memref<10000x128xf32, #tpu.memory_space<hbm>>) target(%arg12 : memref<80x128xf32, #tpu.memory_space<vmem>>) offsets(%dma_start3A_29 : memref<80xi32, #tpu.memory_space<vmem>>) semaphore(%arg16 : memref<!tpu.dma_semaphore, #tpu.memory_space<semaphore_mem>>)
      %multiple_of3A_33 = arith.constant 160 : i32
      %multiple_of3A_34 = tpu.assume_multiple %multiple_of3A_33, 8 : i32
      %add3A_35 = arith.addi %multiple_of3A, %multiple_of3A_34 : i32
      %dma_start3A_36 = tpu.memref_slice %arg4[%add3A_35] : memref<322560xi32, #tpu.memory_space<hbm>> -> memref<80xi32, #tpu.memory_space<hbm>>
      %dma_start3A_37 = tpu.memref_slice %arg4[%add3A_35] : memref<322560xi32, #tpu.memory_space<hbm>> -> memref<80xi32, #tpu.memory_space<hbm>>
      tpu.enqueue_dma source(%dma_start3A_37 : memref<80xi32, #tpu.memory_space<hbm>>) target(%arg10 : memref<80xi32, #tpu.memory_space<vmem>>) target_semaphore(%arg20 : memref<!tpu.dma_semaphore, #tpu.memory_space<semaphore_mem>>)
      %dma_start3A_38 = tpu.memref_slice %arg7[%multiple_of3A_34] : memref<17760xi32, #tpu.memory_space<vmem>> -> memref<80xi32, #tpu.memory_space<vmem>>
      %dma_start3A_39 = arith.constant 0 : i32
      %dma_start3A_40 = arith.constant 0 : i32
      %dma_start3A_41 = tpu.memref_slice %arg2[%dma_start3A_39, %dma_start3A_40] : memref<10000x128xf32, #tpu.memory_space<hbm>> -> memref<10000x128xf32, #tpu.memory_space<hbm>>
      tpu.enqueue_indirect_dma source(%dma_start3A_41 : memref<10000x128xf32, #tpu.memory_space<hbm>>) target(%arg13 : memref<80x128xf32, #tpu.memory_space<vmem>>) offsets(%dma_start3A_38 : memref<80xi32, #tpu.memory_space<vmem>>) semaphore(%arg17 : memref<!tpu.dma_semaphore, #tpu.memory_space<semaphore_mem>>)
      %scan3A = arith.constant 0 : i32
      %scan3A_42 = arith.constant 0 : i32
      %scan3A_43 = arith.constant 9 : i32
      %scan3A_44 = arith.addi %scan3A_42, %scan3A_43 : i32
      %scan3A_45 = arith.constant 1 : i32
      scf.for %scan3A_85 = %scan3A_42 to %scan3A_44 step %scan3A_45  : i32 {
        %mul3A_86 = arith.constant 3 : i32
        %mul3A_87 = arith.muli %mul3A_86, %scan3A_85 : i32
        %dma_wait3A_88 = tpu.memref_slice %arg4[%multiple_of3A] : memref<322560xi32, #tpu.memory_space<hbm>> -> memref<80xi32, #tpu.memory_space<hbm>>
        %dma_wait3A_89 = tpu.memref_slice %arg4[%multiple_of3A] : memref<322560xi32, #tpu.memory_space<hbm>> -> memref<80xi32, #tpu.memory_space<hbm>>
        tpu.wait_dma2 semaphore(%arg18 : memref<!tpu.dma_semaphore, #tpu.memory_space<semaphore_mem>>) src(%dma_wait3A_89 : memref<80xi32, #tpu.memory_space<hbm>>) dst(%arg8 : memref<80xi32, #tpu.memory_space<vmem>>)
        %dma_wait3A_90 = arith.constant 0 : i32
        %dma_wait3A_91 = tpu.memref_slice %arg7[%dma_wait3A_90] : memref<17760xi32, #tpu.memory_space<vmem>> -> memref<80xi32, #tpu.memory_space<vmem>>
        %dma_wait3A_92 = arith.constant 0 : i32
        %dma_wait3A_93 = arith.constant 0 : i32
        %dma_wait3A_94 = tpu.memref_slice %arg2[%dma_wait3A_92, %dma_wait3A_93] : memref<10000x128xf32, #tpu.memory_space<hbm>> -> memref<10000x128xf32, #tpu.memory_space<hbm>>
        tpu.wait_indirect_dma semaphore(%arg15 : memref<!tpu.dma_semaphore, #tpu.memory_space<semaphore_mem>>) src(%dma_wait3A_94 : memref<10000x128xf32, #tpu.memory_space<hbm>>) dst(%arg11 : memref<80x128xf32, #tpu.memory_space<vmem>>)
        %dma_start3A_95 = arith.constant 0 : i32
        %dma_start3A_96 = arith.constant 0 : i32
        %dma_start3A_97 = tpu.memref_slice %arg14[%dma_start3A_95, %dma_start3A_96] : memref<10240x128xf32, #tpu.memory_space<vmem_shared>> -> memref<10240x128xf32, #tpu.memory_space<vmem_shared>>
        tpu.enqueue_indirect_dma source(%arg11 : memref<80x128xf32, #tpu.memory_space<vmem>>) target(%dma_start3A_97 : memref<10240x128xf32, #tpu.memory_space<vmem_shared>>) offsets(%arg8 : memref<80xi32, #tpu.memory_space<vmem>>) semaphore(%arg21 : memref<!tpu.dma_semaphore, #tpu.memory_space<semaphore_mem>>) {add = true}
        %dma_wait3A_98 = tpu.memref_slice %arg4[%multiple_of3A] : memref<322560xi32, #tpu.memory_space<hbm>> -> memref<80xi32, #tpu.memory_space<hbm>>
        %dma_wait3A_99 = tpu.memref_slice %arg4[%multiple_of3A] : memref<322560xi32, #tpu.memory_space<hbm>> -> memref<80xi32, #tpu.memory_space<hbm>>
        tpu.wait_dma2 semaphore(%arg19 : memref<!tpu.dma_semaphore, #tpu.memory_space<semaphore_mem>>) src(%dma_wait3A_99 : memref<80xi32, #tpu.memory_space<hbm>>) dst(%arg9 : memref<80xi32, #tpu.memory_space<vmem>>)
        %dma_wait3A_100 = arith.constant 0 : i32
        %dma_wait3A_101 = tpu.memref_slice %arg7[%dma_wait3A_100] : memref<17760xi32, #tpu.memory_space<vmem>> -> memref<80xi32, #tpu.memory_space<vmem>>
        %dma_wait3A_102 = arith.constant 0 : i32
        %dma_wait3A_103 = arith.constant 0 : i32
        %dma_wait3A_104 = tpu.memref_slice %arg2[%dma_wait3A_102, %dma_wait3A_103] : memref<10000x128xf32, #tpu.memory_space<hbm>> -> memref<10000x128xf32, #tpu.memory_space<hbm>>
        tpu.wait_indirect_dma semaphore(%arg16 : memref<!tpu.dma_semaphore, #tpu.memory_space<semaphore_mem>>) src(%dma_wait3A_104 : memref<10000x128xf32, #tpu.memory_space<hbm>>) dst(%arg12 : memref<80x128xf32, #tpu.memory_space<vmem>>)
        %dma_start3A_105 = arith.constant 0 : i32
        %dma_start3A_106 = arith.constant 0 : i32
        %dma_start3A_107 = tpu.memref_slice %arg14[%dma_start3A_105, %dma_start3A_106] : memref<10240x128xf32, #tpu.memory_space<vmem_shared>> -> memref<10240x128xf32, #tpu.memory_space<vmem_shared>>
        tpu.enqueue_indirect_dma source(%arg12 : memref<80x128xf32, #tpu.memory_space<vmem>>) target(%dma_start3A_107 : memref<10240x128xf32, #tpu.memory_space<vmem_shared>>) offsets(%arg9 : memref<80xi32, #tpu.memory_space<vmem>>) semaphore(%arg22 : memref<!tpu.dma_semaphore, #tpu.memory_space<semaphore_mem>>) {add = true}
        %dma_wait3A_108 = tpu.memref_slice %arg4[%multiple_of3A] : memref<322560xi32, #tpu.memory_space<hbm>> -> memref<80xi32, #tpu.memory_space<hbm>>
        %dma_wait3A_109 = tpu.memref_slice %arg4[%multiple_of3A] : memref<322560xi32, #tpu.memory_space<hbm>> -> memref<80xi32, #tpu.memory_space<hbm>>
        tpu.wait_dma2 semaphore(%arg20 : memref<!tpu.dma_semaphore, #tpu.memory_space<semaphore_mem>>) src(%dma_wait3A_109 : memref<80xi32, #tpu.memory_space<hbm>>) dst(%arg10 : memref<80xi32, #tpu.memory_space<vmem>>)
        %dma_wait3A_110 = arith.constant 0 : i32
        %dma_wait3A_111 = tpu.memref_slice %arg7[%dma_wait3A_110] : memref<17760xi32, #tpu.memory_space<vmem>> -> memref<80xi32, #tpu.memory_space<vmem>>
        %dma_wait3A_112 = arith.constant 0 : i32
        %dma_wait3A_113 = arith.constant 0 : i32
        %dma_wait3A_114 = tpu.memref_slice %arg2[%dma_wait3A_112, %dma_wait3A_113] : memref<10000x128xf32, #tpu.memory_space<hbm>> -> memref<10000x128xf32, #tpu.memory_space<hbm>>
        tpu.wait_indirect_dma semaphore(%arg17 : memref<!tpu.dma_semaphore, #tpu.memory_space<semaphore_mem>>) src(%dma_wait3A_114 : memref<10000x128xf32, #tpu.memory_space<hbm>>) dst(%arg13 : memref<80x128xf32, #tpu.memory_space<vmem>>)
        %dma_start3A_115 = arith.constant 0 : i32
        %dma_start3A_116 = arith.constant 0 : i32
        %dma_start3A_117 = tpu.memref_slice %arg14[%dma_start3A_115, %dma_start3A_116] : memref<10240x128xf32, #tpu.memory_space<vmem_shared>> -> memref<10240x128xf32, #tpu.memory_space<vmem_shared>>
        tpu.enqueue_indirect_dma source(%arg13 : memref<80x128xf32, #tpu.memory_space<vmem>>) target(%dma_start3A_117 : memref<10240x128xf32, #tpu.memory_space<vmem_shared>>) offsets(%arg10 : memref<80xi32, #tpu.memory_space<vmem>>) semaphore(%arg23 : memref<!tpu.dma_semaphore, #tpu.memory_space<semaphore_mem>>) {add = true}
        %dma_wait3A_118 = arith.constant 0 : i32
        %dma_wait3A_119 = arith.constant 0 : i32
        %dma_wait3A_120 = tpu.memref_slice %arg14[%dma_wait3A_118, %dma_wait3A_119] : memref<10240x128xf32, #tpu.memory_space<vmem_shared>> -> memref<10240x128xf32, #tpu.memory_space<vmem_shared>>
        tpu.wait_indirect_dma semaphore(%arg21 : memref<!tpu.dma_semaphore, #tpu.memory_space<semaphore_mem>>) src(%arg11 : memref<80x128xf32, #tpu.memory_space<vmem>>) dst(%dma_wait3A_120 : memref<10240x128xf32, #tpu.memory_space<vmem_shared>>)
        %add3A_121 = arith.constant 3 : i32
        %add3A_122 = arith.addi %mul3A_87, %add3A_121 : i32
        %add3A_123 = arith.constant 0 : i32
        %add3A_124 = arith.addi %add3A_122, %add3A_123 : i32
        %mul3A_125 = arith.constant 80 : i32
        %mul3A_126 = arith.muli %add3A_124, %mul3A_125 : i32
        %multiple_of3A_127 = tpu.assume_multiple %mul3A_126, 8 : i32
        %add3A_128 = arith.addi %multiple_of3A, %multiple_of3A_127 : i32
        %dma_start3A_129 = tpu.memref_slice %arg4[%add3A_128] : memref<322560xi32, #tpu.memory_space<hbm>> -> memref<80xi32, #tpu.memory_space<hbm>>
        %dma_start3A_130 = tpu.memref_slice %arg4[%add3A_128] : memref<322560xi32, #tpu.memory_space<hbm>> -> memref<80xi32, #tpu.memory_space<hbm>>
        tpu.enqueue_dma source(%dma_start3A_130 : memref<80xi32, #tpu.memory_space<hbm>>) target(%arg8 : memref<80xi32, #tpu.memory_space<vmem>>) target_semaphore(%arg18 : memref<!tpu.dma_semaphore, #tpu.memory_space<semaphore_mem>>)
        %dma_start3A_131 = tpu.memref_slice %arg7[%multiple_of3A_127] : memref<17760xi32, #tpu.memory_space<vmem>> -> memref<80xi32, #tpu.memory_space<vmem>>
        %dma_start3A_132 = arith.constant 0 : i32
        %dma_start3A_133 = arith.constant 0 : i32
        %dma_start3A_134 = tpu.memref_slice %arg2[%dma_start3A_132, %dma_start3A_133] : memref<10000x128xf32, #tpu.memory_space<hbm>> -> memref<10000x128xf32, #tpu.memory_space<hbm>>
        tpu.enqueue_indirect_dma source(%dma_start3A_134 : memref<10000x128xf32, #tpu.memory_space<hbm>>) target(%arg11 : memref<80x128xf32, #tpu.memory_space<vmem>>) offsets(%dma_start3A_131 : memref<80xi32, #tpu.memory_space<vmem>>) semaphore(%arg15 : memref<!tpu.dma_semaphore, #tpu.memory_space<semaphore_mem>>)
        %dma_wait3A_135 = arith.constant 0 : i32
        %dma_wait3A_136 = arith.constant 0 : i32
        %dma_wait3A_137 = tpu.memref_slice %arg14[%dma_wait3A_135, %dma_wait3A_136] : memref<10240x128xf32, #tpu.memory_space<vmem_shared>> -> memref<10240x128xf32, #tpu.memory_space<vmem_shared>>
        tpu.wait_indirect_dma semaphore(%arg22 : memref<!tpu.dma_semaphore, #tpu.memory_space<semaphore_mem>>) src(%arg12 : memref<80x128xf32, #tpu.memory_space<vmem>>) dst(%dma_wait3A_137 : memref<10240x128xf32, #tpu.memory_space<vmem_shared>>)
        %add3A_138 = arith.constant 3 : i32
        %add3A_139 = arith.addi %mul3A_87, %add3A_138 : i32
        %add3A_140 = arith.constant 1 : i32
        %add3A_141 = arith.addi %add3A_139, %add3A_140 : i32
        %mul3A_142 = arith.constant 80 : i32
        %mul3A_143 = arith.muli %add3A_141, %mul3A_142 : i32
        %multiple_of3A_144 = tpu.assume_multiple %mul3A_143, 8 : i32
        %add3A_145 = arith.addi %multiple_of3A, %multiple_of3A_144 : i32
        %dma_start3A_146 = tpu.memref_slice %arg4[%add3A_145] : memref<322560xi32, #tpu.memory_space<hbm>> -> memref<80xi32, #tpu.memory_space<hbm>>
        %dma_start3A_147 = tpu.memref_slice %arg4[%add3A_145] : memref<322560xi32, #tpu.memory_space<hbm>> -> memref<80xi32, #tpu.memory_space<hbm>>
        tpu.enqueue_dma source(%dma_start3A_147 : memref<80xi32, #tpu.memory_space<hbm>>) target(%arg9 : memref<80xi32, #tpu.memory_space<vmem>>) target_semaphore(%arg19 : memref<!tpu.dma_semaphore, #tpu.memory_space<semaphore_mem>>)
        %dma_start3A_148 = tpu.memref_slice %arg7[%multiple_of3A_144] : memref<17760xi32, #tpu.memory_space<vmem>> -> memref<80xi32, #tpu.memory_space<vmem>>
        %dma_start3A_149 = arith.constant 0 : i32
        %dma_start3A_150 = arith.constant 0 : i32
        %dma_start3A_151 = tpu.memref_slice %arg2[%dma_start3A_149, %dma_start3A_150] : memref<10000x128xf32, #tpu.memory_space<hbm>> -> memref<10000x128xf32, #tpu.memory_space<hbm>>
        tpu.enqueue_indirect_dma source(%dma_start3A_151 : memref<10000x128xf32, #tpu.memory_space<hbm>>) target(%arg12 : memref<80x128xf32, #tpu.memory_space<vmem>>) offsets(%dma_start3A_148 : memref<80xi32, #tpu.memory_space<vmem>>) semaphore(%arg16 : memref<!tpu.dma_semaphore, #tpu.memory_space<semaphore_mem>>)
        %dma_wait3A_152 = arith.constant 0 : i32
        %dma_wait3A_153 = arith.constant 0 : i32
        %dma_wait3A_154 = tpu.memref_slice %arg14[%dma_wait3A_152, %dma_wait3A_153] : memref<10240x128xf32, #tpu.memory_space<vmem_shared>> -> memref<10240x128xf32, #tpu.memory_space<vmem_shared>>
        tpu.wait_indirect_dma semaphore(%arg23 : memref<!tpu.dma_semaphore, #tpu.memory_space<semaphore_mem>>) src(%arg13 : memref<80x128xf32, #tpu.memory_space<vmem>>) dst(%dma_wait3A_154 : memref<10240x128xf32, #tpu.memory_space<vmem_shared>>)
        %add3A_155 = arith.constant 3 : i32
        %add3A_156 = arith.addi %mul3A_87, %add3A_155 : i32
        %add3A_157 = arith.constant 2 : i32
        %add3A_158 = arith.addi %add3A_156, %add3A_157 : i32
        %mul3A_159 = arith.constant 80 : i32
        %mul3A_160 = arith.muli %add3A_158, %mul3A_159 : i32
        %multiple_of3A_161 = tpu.assume_multiple %mul3A_160, 8 : i32
        %add3A_162 = arith.addi %multiple_of3A, %multiple_of3A_161 : i32
        %dma_start3A_163 = tpu.memref_slice %arg4[%add3A_162] : memref<322560xi32, #tpu.memory_space<hbm>> -> memref<80xi32, #tpu.memory_space<hbm>>
        %dma_start3A_164 = tpu.memref_slice %arg4[%add3A_162] : memref<322560xi32, #tpu.memory_space<hbm>> -> memref<80xi32, #tpu.memory_space<hbm>>
        tpu.enqueue_dma source(%dma_start3A_164 : memref<80xi32, #tpu.memory_space<hbm>>) target(%arg10 : memref<80xi32, #tpu.memory_space<vmem>>) target_semaphore(%arg20 : memref<!tpu.dma_semaphore, #tpu.memory_space<semaphore_mem>>)
        %dma_start3A_165 = tpu.memref_slice %arg7[%multiple_of3A_161] : memref<17760xi32, #tpu.memory_space<vmem>> -> memref<80xi32, #tpu.memory_space<vmem>>
        %dma_start3A_166 = arith.constant 0 : i32
        %dma_start3A_167 = arith.constant 0 : i32
        %dma_start3A_168 = tpu.memref_slice %arg2[%dma_start3A_166, %dma_start3A_167] : memref<10000x128xf32, #tpu.memory_space<hbm>> -> memref<10000x128xf32, #tpu.memory_space<hbm>>
        tpu.enqueue_indirect_dma source(%dma_start3A_168 : memref<10000x128xf32, #tpu.memory_space<hbm>>) target(%arg13 : memref<80x128xf32, #tpu.memory_space<vmem>>) offsets(%dma_start3A_165 : memref<80xi32, #tpu.memory_space<vmem>>) semaphore(%arg17 : memref<!tpu.dma_semaphore, #tpu.memory_space<semaphore_mem>>)
      }
      %scan3A_46 = arith.constant 9 : i32
      %dma_wait3A = tpu.memref_slice %arg4[%multiple_of3A] : memref<322560xi32, #tpu.memory_space<hbm>> -> memref<80xi32, #tpu.memory_space<hbm>>
      %dma_wait3A_47 = tpu.memref_slice %arg4[%multiple_of3A] : memref<322560xi32, #tpu.memory_space<hbm>> -> memref<80xi32, #tpu.memory_space<hbm>>
      tpu.wait_dma2 semaphore(%arg18 : memref<!tpu.dma_semaphore, #tpu.memory_space<semaphore_mem>>) src(%dma_wait3A_47 : memref<80xi32, #tpu.memory_space<hbm>>) dst(%arg8 : memref<80xi32, #tpu.memory_space<vmem>>)
      %dma_wait3A_48 = arith.constant 0 : i32
      %dma_wait3A_49 = tpu.memref_slice %arg7[%dma_wait3A_48] : memref<17760xi32, #tpu.memory_space<vmem>> -> memref<80xi32, #tpu.memory_space<vmem>>
      %dma_wait3A_50 = arith.constant 0 : i32
      %dma_wait3A_51 = arith.constant 0 : i32
      %dma_wait3A_52 = tpu.memref_slice %arg2[%dma_wait3A_50, %dma_wait3A_51] : memref<10000x128xf32, #tpu.memory_space<hbm>> -> memref<10000x128xf32, #tpu.memory_space<hbm>>
      tpu.wait_indirect_dma semaphore(%arg15 : memref<!tpu.dma_semaphore, #tpu.memory_space<semaphore_mem>>) src(%dma_wait3A_52 : memref<10000x128xf32, #tpu.memory_space<hbm>>) dst(%arg11 : memref<80x128xf32, #tpu.memory_space<vmem>>)
      %dma_start3A_53 = arith.constant 0 : i32
      %dma_start3A_54 = arith.constant 0 : i32
      %dma_start3A_55 = tpu.memref_slice %arg14[%dma_start3A_53, %dma_start3A_54] : memref<10240x128xf32, #tpu.memory_space<vmem_shared>> -> memref<10240x128xf32, #tpu.memory_space<vmem_shared>>
      tpu.enqueue_indirect_dma source(%arg11 : memref<80x128xf32, #tpu.memory_space<vmem>>) target(%dma_start3A_55 : memref<10240x128xf32, #tpu.memory_space<vmem_shared>>) offsets(%arg8 : memref<80xi32, #tpu.memory_space<vmem>>) semaphore(%arg21 : memref<!tpu.dma_semaphore, #tpu.memory_space<semaphore_mem>>) {add = true}
      %dma_wait3A_56 = tpu.memref_slice %arg4[%multiple_of3A] : memref<322560xi32, #tpu.memory_space<hbm>> -> memref<80xi32, #tpu.memory_space<hbm>>
      %dma_wait3A_57 = tpu.memref_slice %arg4[%multiple_of3A] : memref<322560xi32, #tpu.memory_space<hbm>> -> memref<80xi32, #tpu.memory_space<hbm>>
      tpu.wait_dma2 semaphore(%arg19 : memref<!tpu.dma_semaphore, #tpu.memory_space<semaphore_mem>>) src(%dma_wait3A_57 : memref<80xi32, #tpu.memory_space<hbm>>) dst(%arg9 : memref<80xi32, #tpu.memory_space<vmem>>)
      %dma_wait3A_58 = arith.constant 0 : i32
      %dma_wait3A_59 = tpu.memref_slice %arg7[%dma_wait3A_58] : memref<17760xi32, #tpu.memory_space<vmem>> -> memref<80xi32, #tpu.memory_space<vmem>>
      %dma_wait3A_60 = arith.constant 0 : i32
      %dma_wait3A_61 = arith.constant 0 : i32
      %dma_wait3A_62 = tpu.memref_slice %arg2[%dma_wait3A_60, %dma_wait3A_61] : memref<10000x128xf32, #tpu.memory_space<hbm>> -> memref<10000x128xf32, #tpu.memory_space<hbm>>
      tpu.wait_indirect_dma semaphore(%arg16 : memref<!tpu.dma_semaphore, #tpu.memory_space<semaphore_mem>>) src(%dma_wait3A_62 : memref<10000x128xf32, #tpu.memory_space<hbm>>) dst(%arg12 : memref<80x128xf32, #tpu.memory_space<vmem>>)
      %dma_start3A_63 = arith.constant 0 : i32
      %dma_start3A_64 = arith.constant 0 : i32
      %dma_start3A_65 = tpu.memref_slice %arg14[%dma_start3A_63, %dma_start3A_64] : memref<10240x128xf32, #tpu.memory_space<vmem_shared>> -> memref<10240x128xf32, #tpu.memory_space<vmem_shared>>
      tpu.enqueue_indirect_dma source(%arg12 : memref<80x128xf32, #tpu.memory_space<vmem>>) target(%dma_start3A_65 : memref<10240x128xf32, #tpu.memory_space<vmem_shared>>) offsets(%arg9 : memref<80xi32, #tpu.memory_space<vmem>>) semaphore(%arg22 : memref<!tpu.dma_semaphore, #tpu.memory_space<semaphore_mem>>) {add = true}
      %dma_wait3A_66 = tpu.memref_slice %arg4[%multiple_of3A] : memref<322560xi32, #tpu.memory_space<hbm>> -> memref<80xi32, #tpu.memory_space<hbm>>
      %dma_wait3A_67 = tpu.memref_slice %arg4[%multiple_of3A] : memref<322560xi32, #tpu.memory_space<hbm>> -> memref<80xi32, #tpu.memory_space<hbm>>
      tpu.wait_dma2 semaphore(%arg20 : memref<!tpu.dma_semaphore, #tpu.memory_space<semaphore_mem>>) src(%dma_wait3A_67 : memref<80xi32, #tpu.memory_space<hbm>>) dst(%arg10 : memref<80xi32, #tpu.memory_space<vmem>>)
      %dma_wait3A_68 = arith.constant 0 : i32
      %dma_wait3A_69 = tpu.memref_slice %arg7[%dma_wait3A_68] : memref<17760xi32, #tpu.memory_space<vmem>> -> memref<80xi32, #tpu.memory_space<vmem>>
      %dma_wait3A_70 = arith.constant 0 : i32
      %dma_wait3A_71 = arith.constant 0 : i32
      %dma_wait3A_72 = tpu.memref_slice %arg2[%dma_wait3A_70, %dma_wait3A_71] : memref<10000x128xf32, #tpu.memory_space<hbm>> -> memref<10000x128xf32, #tpu.memory_space<hbm>>
      tpu.wait_indirect_dma semaphore(%arg17 : memref<!tpu.dma_semaphore, #tpu.memory_space<semaphore_mem>>) src(%dma_wait3A_72 : memref<10000x128xf32, #tpu.memory_space<hbm>>) dst(%arg13 : memref<80x128xf32, #tpu.memory_space<vmem>>)
      %dma_start3A_73 = arith.constant 0 : i32
      %dma_start3A_74 = arith.constant 0 : i32
      %dma_start3A_75 = tpu.memref_slice %arg14[%dma_start3A_73, %dma_start3A_74] : memref<10240x128xf32, #tpu.memory_space<vmem_shared>> -> memref<10240x128xf32, #tpu.memory_space<vmem_shared>>
      tpu.enqueue_indirect_dma source(%arg13 : memref<80x128xf32, #tpu.memory_space<vmem>>) target(%dma_start3A_75 : memref<10240x128xf32, #tpu.memory_space<vmem_shared>>) offsets(%arg10 : memref<80xi32, #tpu.memory_space<vmem>>) semaphore(%arg23 : memref<!tpu.dma_semaphore, #tpu.memory_space<semaphore_mem>>) {add = true}
      %dma_wait3A_76 = arith.constant 0 : i32
      %dma_wait3A_77 = arith.constant 0 : i32
      %dma_wait3A_78 = tpu.memref_slice %arg14[%dma_wait3A_76, %dma_wait3A_77] : memref<10240x128xf32, #tpu.memory_space<vmem_shared>> -> memref<10240x128xf32, #tpu.memory_space<vmem_shared>>
      tpu.wait_indirect_dma semaphore(%arg21 : memref<!tpu.dma_semaphore, #tpu.memory_space<semaphore_mem>>) src(%arg11 : memref<80x128xf32, #tpu.memory_space<vmem>>) dst(%dma_wait3A_78 : memref<10240x128xf32, #tpu.memory_space<vmem_shared>>)
      %dma_wait3A_79 = arith.constant 0 : i32
      %dma_wait3A_80 = arith.constant 0 : i32
      %dma_wait3A_81 = tpu.memref_slice %arg14[%dma_wait3A_79, %dma_wait3A_80] : memref<10240x128xf32, #tpu.memory_space<vmem_shared>> -> memref<10240x128xf32, #tpu.memory_space<vmem_shared>>
      tpu.wait_indirect_dma semaphore(%arg22 : memref<!tpu.dma_semaphore, #tpu.memory_space<semaphore_mem>>) src(%arg12 : memref<80x128xf32, #tpu.memory_space<vmem>>) dst(%dma_wait3A_81 : memref<10240x128xf32, #tpu.memory_space<vmem_shared>>)
      %dma_wait3A_82 = arith.constant 0 : i32
      %dma_wait3A_83 = arith.constant 0 : i32
      %dma_wait3A_84 = tpu.memref_slice %arg14[%dma_wait3A_82, %dma_wait3A_83] : memref<10240x128xf32, #tpu.memory_space<vmem_shared>> -> memref<10240x128xf32, #tpu.memory_space<vmem_shared>>
      tpu.wait_indirect_dma semaphore(%arg23 : memref<!tpu.dma_semaphore, #tpu.memory_space<semaphore_mem>>) src(%arg13 : memref<80x128xf32, #tpu.memory_space<vmem>>) dst(%dma_wait3A_84 : memref<10240x128xf32, #tpu.memory_space<vmem_shared>>)
    } else {
    }
    %barrier3A_8 = arith.constant 0 : index
    tpu.barrier barrier_id(%barrier3A_8)
    %mul3A_9 = arith.constant 640 : i32
    %mul3A_10 = arith.muli %arg1, %mul3A_9 : i32
    %mul3A_11 = arith.constant 640 : i32
    %mul3A_12 = arith.muli %arg1, %mul3A_11 : i32
    "tpu.region"() ({
      %run_scoped3A = tpu.sem_alloc : memref<!tpu.dma_semaphore, #tpu.memory_space<semaphore_mem>>
      %dma_start3A = arith.constant 0 : i32
      %dma_start3A_13 = tpu.memref_slice %arg6[%arg0, %mul3A_12, %dma_start3A] : memref<2x10240x128xf32, #tpu.memory_space<hbm>> -> memref<1x640x128xf32, #tpu.memory_space<hbm>>
      %dma_start3A_14 = tpu.memref_squeeze %dma_start3A_13 : memref<1x640x128xf32, #tpu.memory_space<hbm>> -> memref<640x128xf32, #tpu.memory_space<hbm>>
      %dma_start3A_15 = arith.constant 0 : i32
      %dma_start3A_16 = tpu.memref_slice %arg14[%mul3A_10, %dma_start3A_15] : memref<10240x128xf32, #tpu.memory_space<vmem_shared>> -> memref<640x128xf32, #tpu.memory_space<vmem_shared>>
      tpu.enqueue_dma source(%dma_start3A_16 : memref<640x128xf32, #tpu.memory_space<vmem_shared>>) target(%dma_start3A_14 : memref<640x128xf32, #tpu.memory_space<hbm>>) target_semaphore(%run_scoped3A : memref<!tpu.dma_semaphore, #tpu.memory_space<semaphore_mem>>)
      %dma_wait3A = arith.constant 0 : i32
      %dma_wait3A_17 = tpu.memref_slice %arg6[%arg0, %mul3A_12, %dma_wait3A] : memref<2x10240x128xf32, #tpu.memory_space<hbm>> -> memref<1x640x128xf32, #tpu.memory_space<hbm>>
      %dma_wait3A_18 = tpu.memref_squeeze %dma_wait3A_17 : memref<1x640x128xf32, #tpu.memory_space<hbm>> -> memref<640x128xf32, #tpu.memory_space<hbm>>
      %dma_wait3A_19 = arith.constant 0 : i32
      %dma_wait3A_20 = tpu.memref_slice %arg14[%mul3A_10, %dma_wait3A_19] : memref<10240x128xf32, #tpu.memory_space<vmem_shared>> -> memref<640x128xf32, #tpu.memory_space<vmem_shared>>
      tpu.wait_dma2 semaphore(%run_scoped3A : memref<!tpu.dma_semaphore, #tpu.memory_space<semaphore_mem>>) src(%dma_wait3A_20 : memref<640x128xf32, #tpu.memory_space<vmem_shared>>) dst(%dma_wait3A_18 : memref<640x128xf32, #tpu.memory_space<hbm>>)
      tpu.yield
    }) : () -> ()
    return
  }
}

#map = affine_map<(d0, d1) -> (0, 0)>
#map1 = affine_map<(d0, d1) -> (0)>
#map2 = affine_map<(d0, d1) -> (0, 0, 0)>
module attributes {stable_mosaic.version = 14 : i64} {
  func.func @_spmm_body(%arg0: i32, %arg1: i32, %arg2: memref<10000x128xf32, #tpu.memory_space<hbm>>, %arg3: memref<322560xi32, #tpu.memory_space<hbm>>, %arg4: memref<322560xi32, #tpu.memory_space<hbm>>, %arg5: memref<640x128xf32, #tpu.memory_space<hbm>>, %arg6: memref<2x10240x128xf32, #tpu.memory_space<hbm>>, %arg7: memref<17760xi32, #tpu.memory_space<vmem>>, %arg8: memref<80xi32, #tpu.memory_space<vmem>>, %arg9: memref<80xi32, #tpu.memory_space<vmem>>, %arg10: memref<80xi32, #tpu.memory_space<vmem>>, %arg11: memref<80x128xf32, #tpu.memory_space<vmem>>, %arg12: memref<80x128xf32, #tpu.memory_space<vmem>>, %arg13: memref<80x128xf32, #tpu.memory_space<vmem>>, %arg14: memref<10240x128xf32, #tpu.memory_space<vmem_shared>>, %arg15: memref<!tpu.dma_semaphore, #tpu.memory_space<semaphore_mem>>, %arg16: memref<!tpu.dma_semaphore, #tpu.memory_space<semaphore_mem>>, %arg17: memref<!tpu.dma_semaphore, #tpu.memory_space<semaphore_mem>>, %arg18: memref<!tpu.dma_semaphore, #tpu.memory_space<semaphore_mem>>, %arg19: memref<!tpu.dma_semaphore, #tpu.memory_space<semaphore_mem>>, %arg20: memref<!tpu.dma_semaphore, #tpu.memory_space<semaphore_mem>>, %arg21: memref<!tpu.dma_semaphore, #tpu.memory_space<semaphore_mem>>, %arg22: memref<!tpu.dma_semaphore, #tpu.memory_space<semaphore_mem>>, %arg23: memref<!tpu.dma_semaphore, #tpu.memory_space<semaphore_mem>>) attributes {dimension_semantics = [#tpu.dimension_semantics<core_parallel>, #tpu.dimension_semantics<subcore_parallel>], iteration_bounds = array<i64: 2, 16>, scalar_prefetch = 0 : i64, scratch_operands = 17 : i64, tpu.core_type = #tpu.core_type<sc_vector_subcore>, window_params = [{transform_indices = #map}, {transform_indices = #map1}, {transform_indices = #map1}, {transform_indices = #map}, {transform_indices = #map2}]} {
    %mul3A = arith.constant 640 : i32
    %mul3A_0 = arith.muli %arg1, %mul3A : i32
    "tpu.region"() ({
      %run_scoped3A = tpu.sem_alloc : memref<!tpu.dma_semaphore, #tpu.memory_space<semaphore_mem>>
      %dma_start3A = arith.constant 0 : i32
      %dma_start3A_13 = tpu.memref_slice %arg14[%mul3A_0, %dma_start3A] : memref<10240x128xf32, #tpu.memory_space<vmem_shared>> -> memref<640x128xf32, #tpu.memory_space<vmem_shared>>
      tpu.enqueue_dma source(%arg5 : memref<640x128xf32, #tpu.memory_space<hbm>>) target(%dma_start3A_13 : memref<640x128xf32, #tpu.memory_space<vmem_shared>>) target_semaphore(%run_scoped3A : memref<!tpu.dma_semaphore, #tpu.memory_space<semaphore_mem>>)
      %dma_wait3A = arith.constant 0 : i32
      %dma_wait3A_14 = tpu.memref_slice %arg14[%mul3A_0, %dma_wait3A] : memref<10240x128xf32, #tpu.memory_space<vmem_shared>> -> memref<640x128xf32, #tpu.memory_space<vmem_shared>>
      tpu.wait_dma2 semaphore(%run_scoped3A : memref<!tpu.dma_semaphore, #tpu.memory_space<semaphore_mem>>) src(%arg5 : memref<640x128xf32, #tpu.memory_space<hbm>>) dst(%dma_wait3A_14 : memref<640x128xf32, #tpu.memory_space<vmem_shared>>)
      tpu.yield
    }) : () -> ()
    %barrier3A = arith.constant 0 : index
    tpu.barrier barrier_id(%barrier3A)
    %eq3A = arith.constant 0 : i32
    %eq3A_1 = arith.cmpi eq, %arg0, %eq3A : i32
    %convert_element_type3A = arith.extui %eq3A_1 : i1 to i32
    %cond3A = arith.constant 0 : i32
    %cond3A_2 = arith.cmpi ne, %convert_element_type3A, %cond3A : i32
    scf.if %cond3A_2 {
      %mul3A_13 = arith.constant 17760 : i32
      %mul3A_14 = arith.muli %arg1, %mul3A_13 : i32
      %multiple_of3A = tpu.assume_multiple %mul3A_14, 8 : i32
      "tpu.region"() ({
        %run_scoped3A = tpu.sem_alloc : memref<!tpu.dma_semaphore, #tpu.memory_space<semaphore_mem>>
        %dma_start3A_83 = arith.constant 0 : i32
        %dma_start3A_84 = tpu.memref_slice %arg7[%dma_start3A_83] : memref<17760xi32, #tpu.memory_space<vmem>> -> memref<17760xi32, #tpu.memory_space<vmem>>
        %dma_start3A_85 = tpu.memref_slice %arg3[%multiple_of3A] : memref<322560xi32, #tpu.memory_space<hbm>> -> memref<17760xi32, #tpu.memory_space<hbm>>
        %dma_start3A_86 = arith.constant 0 : i32
        %dma_start3A_87 = tpu.memref_slice %arg7[%dma_start3A_86] : memref<17760xi32, #tpu.memory_space<vmem>> -> memref<17760xi32, #tpu.memory_space<vmem>>
        %dma_start3A_88 = tpu.memref_slice %arg3[%multiple_of3A] : memref<322560xi32, #tpu.memory_space<hbm>> -> memref<17760xi32, #tpu.memory_space<hbm>>
        tpu.enqueue_dma source(%dma_start3A_88 : memref<17760xi32, #tpu.memory_space<hbm>>) target(%dma_start3A_87 : memref<17760xi32, #tpu.memory_space<vmem>>) target_semaphore(%run_scoped3A : memref<!tpu.dma_semaphore, #tpu.memory_space<semaphore_mem>>)
        %dma_wait3A_89 = arith.constant 0 : i32
        %dma_wait3A_90 = tpu.memref_slice %arg7[%dma_wait3A_89] : memref<17760xi32, #tpu.memory_space<vmem>> -> memref<17760xi32, #tpu.memory_space<vmem>>
        %dma_wait3A_91 = tpu.memref_slice %arg3[%multiple_of3A] : memref<322560xi32, #tpu.memory_space<hbm>> -> memref<17760xi32, #tpu.memory_space<hbm>>
        %dma_wait3A_92 = arith.constant 0 : i32
        %dma_wait3A_93 = tpu.memref_slice %arg7[%dma_wait3A_92] : memref<17760xi32, #tpu.memory_space<vmem>> -> memref<17760xi32, #tpu.memory_space<vmem>>
        %dma_wait3A_94 = tpu.memref_slice %arg3[%multiple_of3A] : memref<322560xi32, #tpu.memory_space<hbm>> -> memref<17760xi32, #tpu.memory_space<hbm>>
        tpu.wait_dma2 semaphore(%run_scoped3A : memref<!tpu.dma_semaphore, #tpu.memory_space<semaphore_mem>>) src(%dma_wait3A_94 : memref<17760xi32, #tpu.memory_space<hbm>>) dst(%dma_wait3A_93 : memref<17760xi32, #tpu.memory_space<vmem>>)
        tpu.yield
      }) : () -> ()
      %multiple_of3A_15 = arith.constant 0 : i32
      %multiple_of3A_16 = tpu.assume_multiple %multiple_of3A_15, 8 : i32
      %add3A = arith.addi %multiple_of3A, %multiple_of3A_16 : i32
      %dma_start3A = tpu.memref_slice %arg4[%add3A] : memref<322560xi32, #tpu.memory_space<hbm>> -> memref<80xi32, #tpu.memory_space<hbm>>
      %dma_start3A_17 = tpu.memref_slice %arg4[%add3A] : memref<322560xi32, #tpu.memory_space<hbm>> -> memref<80xi32, #tpu.memory_space<hbm>>
      tpu.enqueue_dma source(%dma_start3A_17 : memref<80xi32, #tpu.memory_space<hbm>>) target(%arg8 : memref<80xi32, #tpu.memory_space<vmem>>) target_semaphore(%arg18 : memref<!tpu.dma_semaphore, #tpu.memory_space<semaphore_mem>>)
      %dma_start3A_18 = tpu.memref_slice %arg7[%multiple_of3A_16] : memref<17760xi32, #tpu.memory_space<vmem>> -> memref<80xi32, #tpu.memory_space<vmem>>
      %dma_start3A_19 = arith.constant 0 : i32
      %dma_start3A_20 = arith.constant 0 : i32
      %dma_start3A_21 = tpu.memref_slice %arg2[%dma_start3A_19, %dma_start3A_20] : memref<10000x128xf32, #tpu.memory_space<hbm>> -> memref<10000x128xf32, #tpu.memory_space<hbm>>
      tpu.enqueue_indirect_dma source(%dma_start3A_21 : memref<10000x128xf32, #tpu.memory_space<hbm>>) target(%arg11 : memref<80x128xf32, #tpu.memory_space<vmem>>) offsets(%dma_start3A_18 : memref<80xi32, #tpu.memory_space<vmem>>) semaphore(%arg15 : memref<!tpu.dma_semaphore, #tpu.memory_space<semaphore_mem>>)
      %multiple_of3A_22 = arith.constant 80 : i32
      %multiple_of3A_23 = tpu.assume_multiple %multiple_of3A_22, 8 : i32
      %add3A_24 = arith.addi %multiple_of3A, %multiple_of3A_23 : i32
      %dma_start3A_25 = tpu.memref_slice %arg4[%add3A_24] : memref<322560xi32, #tpu.memory_space<hbm>> -> memref<80xi32, #tpu.memory_space<hbm>>
      %dma_start3A_26 = tpu.memref_slice %arg4[%add3A_24] : memref<322560xi32, #tpu.memory_space<hbm>> -> memref<80xi32, #tpu.memory_space<hbm>>
      tpu.enqueue_dma source(%dma_start3A_26 : memref<80xi32, #tpu.memory_space<hbm>>) target(%arg9 : memref<80xi32, #tpu.memory_space<vmem>>) target_semaphore(%arg19 : memref<!tpu.dma_semaphore, #tpu.memory_space<semaphore_mem>>)
      %dma_start3A_27 = tpu.memref_slice %arg7[%multiple_of3A_23] : memref<17760xi32, #tpu.memory_space<vmem>> -> memref<80xi32, #tpu.memory_space<vmem>>
      %dma_start3A_28 = arith.constant 0 : i32
      %dma_start3A_29 = arith.constant 0 : i32
      %dma_start3A_30 = tpu.memref_slice %arg2[%dma_start3A_28, %dma_start3A_29] : memref<10000x128xf32, #tpu.memory_space<hbm>> -> memref<10000x128xf32, #tpu.memory_space<hbm>>
      tpu.enqueue_indirect_dma source(%dma_start3A_30 : memref<10000x128xf32, #tpu.memory_space<hbm>>) target(%arg12 : memref<80x128xf32, #tpu.memory_space<vmem>>) offsets(%dma_start3A_27 : memref<80xi32, #tpu.memory_space<vmem>>) semaphore(%arg16 : memref<!tpu.dma_semaphore, #tpu.memory_space<semaphore_mem>>)
      %multiple_of3A_31 = arith.constant 160 : i32
      %multiple_of3A_32 = tpu.assume_multiple %multiple_of3A_31, 8 : i32
      %add3A_33 = arith.addi %multiple_of3A, %multiple_of3A_32 : i32
      %dma_start3A_34 = tpu.memref_slice %arg4[%add3A_33] : memref<322560xi32, #tpu.memory_space<hbm>> -> memref<80xi32, #tpu.memory_space<hbm>>
      %dma_start3A_35 = tpu.memref_slice %arg4[%add3A_33] : memref<322560xi32, #tpu.memory_space<hbm>> -> memref<80xi32, #tpu.memory_space<hbm>>
      tpu.enqueue_dma source(%dma_start3A_35 : memref<80xi32, #tpu.memory_space<hbm>>) target(%arg10 : memref<80xi32, #tpu.memory_space<vmem>>) target_semaphore(%arg20 : memref<!tpu.dma_semaphore, #tpu.memory_space<semaphore_mem>>)
      %dma_start3A_36 = tpu.memref_slice %arg7[%multiple_of3A_32] : memref<17760xi32, #tpu.memory_space<vmem>> -> memref<80xi32, #tpu.memory_space<vmem>>
      %dma_start3A_37 = arith.constant 0 : i32
      %dma_start3A_38 = arith.constant 0 : i32
      %dma_start3A_39 = tpu.memref_slice %arg2[%dma_start3A_37, %dma_start3A_38] : memref<10000x128xf32, #tpu.memory_space<hbm>> -> memref<10000x128xf32, #tpu.memory_space<hbm>>
      tpu.enqueue_indirect_dma source(%dma_start3A_39 : memref<10000x128xf32, #tpu.memory_space<hbm>>) target(%arg13 : memref<80x128xf32, #tpu.memory_space<vmem>>) offsets(%dma_start3A_36 : memref<80xi32, #tpu.memory_space<vmem>>) semaphore(%arg17 : memref<!tpu.dma_semaphore, #tpu.memory_space<semaphore_mem>>)
      %scan3A = arith.constant 0 : i32
      %scan3A_40 = arith.constant 0 : i32
      %scan3A_41 = arith.constant 73 : i32
      %scan3A_42 = arith.addi %scan3A_40, %scan3A_41 : i32
      %scan3A_43 = arith.constant 1 : i32
      scf.for %scan3A_83 = %scan3A_40 to %scan3A_42 step %scan3A_43  : i32 {
        %mul3A_84 = arith.constant 3 : i32
        %mul3A_85 = arith.muli %mul3A_84, %scan3A_83 : i32
        %dma_wait3A_86 = tpu.memref_slice %arg4[%multiple_of3A] : memref<322560xi32, #tpu.memory_space<hbm>> -> memref<80xi32, #tpu.memory_space<hbm>>
        %dma_wait3A_87 = tpu.memref_slice %arg4[%multiple_of3A] : memref<322560xi32, #tpu.memory_space<hbm>> -> memref<80xi32, #tpu.memory_space<hbm>>
        tpu.wait_dma2 semaphore(%arg18 : memref<!tpu.dma_semaphore, #tpu.memory_space<semaphore_mem>>) src(%dma_wait3A_87 : memref<80xi32, #tpu.memory_space<hbm>>) dst(%arg8 : memref<80xi32, #tpu.memory_space<vmem>>)
        %dma_wait3A_88 = arith.constant 0 : i32
        %dma_wait3A_89 = tpu.memref_slice %arg7[%dma_wait3A_88] : memref<17760xi32, #tpu.memory_space<vmem>> -> memref<80xi32, #tpu.memory_space<vmem>>
        %dma_wait3A_90 = arith.constant 0 : i32
        %dma_wait3A_91 = arith.constant 0 : i32
        %dma_wait3A_92 = tpu.memref_slice %arg2[%dma_wait3A_90, %dma_wait3A_91] : memref<10000x128xf32, #tpu.memory_space<hbm>> -> memref<10000x128xf32, #tpu.memory_space<hbm>>
        tpu.wait_indirect_dma semaphore(%arg15 : memref<!tpu.dma_semaphore, #tpu.memory_space<semaphore_mem>>) src(%dma_wait3A_92 : memref<10000x128xf32, #tpu.memory_space<hbm>>) dst(%arg11 : memref<80x128xf32, #tpu.memory_space<vmem>>)
        %dma_start3A_93 = arith.constant 0 : i32
        %dma_start3A_94 = arith.constant 0 : i32
        %dma_start3A_95 = tpu.memref_slice %arg14[%dma_start3A_93, %dma_start3A_94] : memref<10240x128xf32, #tpu.memory_space<vmem_shared>> -> memref<10240x128xf32, #tpu.memory_space<vmem_shared>>
        tpu.enqueue_indirect_dma source(%arg11 : memref<80x128xf32, #tpu.memory_space<vmem>>) target(%dma_start3A_95 : memref<10240x128xf32, #tpu.memory_space<vmem_shared>>) offsets(%arg8 : memref<80xi32, #tpu.memory_space<vmem>>) semaphore(%arg21 : memref<!tpu.dma_semaphore, #tpu.memory_space<semaphore_mem>>) {add = true}
        %dma_wait3A_96 = tpu.memref_slice %arg4[%multiple_of3A] : memref<322560xi32, #tpu.memory_space<hbm>> -> memref<80xi32, #tpu.memory_space<hbm>>
        %dma_wait3A_97 = tpu.memref_slice %arg4[%multiple_of3A] : memref<322560xi32, #tpu.memory_space<hbm>> -> memref<80xi32, #tpu.memory_space<hbm>>
        tpu.wait_dma2 semaphore(%arg19 : memref<!tpu.dma_semaphore, #tpu.memory_space<semaphore_mem>>) src(%dma_wait3A_97 : memref<80xi32, #tpu.memory_space<hbm>>) dst(%arg9 : memref<80xi32, #tpu.memory_space<vmem>>)
        %dma_wait3A_98 = arith.constant 0 : i32
        %dma_wait3A_99 = tpu.memref_slice %arg7[%dma_wait3A_98] : memref<17760xi32, #tpu.memory_space<vmem>> -> memref<80xi32, #tpu.memory_space<vmem>>
        %dma_wait3A_100 = arith.constant 0 : i32
        %dma_wait3A_101 = arith.constant 0 : i32
        %dma_wait3A_102 = tpu.memref_slice %arg2[%dma_wait3A_100, %dma_wait3A_101] : memref<10000x128xf32, #tpu.memory_space<hbm>> -> memref<10000x128xf32, #tpu.memory_space<hbm>>
        tpu.wait_indirect_dma semaphore(%arg16 : memref<!tpu.dma_semaphore, #tpu.memory_space<semaphore_mem>>) src(%dma_wait3A_102 : memref<10000x128xf32, #tpu.memory_space<hbm>>) dst(%arg12 : memref<80x128xf32, #tpu.memory_space<vmem>>)
        %dma_start3A_103 = arith.constant 0 : i32
        %dma_start3A_104 = arith.constant 0 : i32
        %dma_start3A_105 = tpu.memref_slice %arg14[%dma_start3A_103, %dma_start3A_104] : memref<10240x128xf32, #tpu.memory_space<vmem_shared>> -> memref<10240x128xf32, #tpu.memory_space<vmem_shared>>
        tpu.enqueue_indirect_dma source(%arg12 : memref<80x128xf32, #tpu.memory_space<vmem>>) target(%dma_start3A_105 : memref<10240x128xf32, #tpu.memory_space<vmem_shared>>) offsets(%arg9 : memref<80xi32, #tpu.memory_space<vmem>>) semaphore(%arg22 : memref<!tpu.dma_semaphore, #tpu.memory_space<semaphore_mem>>) {add = true}
        %dma_wait3A_106 = tpu.memref_slice %arg4[%multiple_of3A] : memref<322560xi32, #tpu.memory_space<hbm>> -> memref<80xi32, #tpu.memory_space<hbm>>
        %dma_wait3A_107 = tpu.memref_slice %arg4[%multiple_of3A] : memref<322560xi32, #tpu.memory_space<hbm>> -> memref<80xi32, #tpu.memory_space<hbm>>
        tpu.wait_dma2 semaphore(%arg20 : memref<!tpu.dma_semaphore, #tpu.memory_space<semaphore_mem>>) src(%dma_wait3A_107 : memref<80xi32, #tpu.memory_space<hbm>>) dst(%arg10 : memref<80xi32, #tpu.memory_space<vmem>>)
        %dma_wait3A_108 = arith.constant 0 : i32
        %dma_wait3A_109 = tpu.memref_slice %arg7[%dma_wait3A_108] : memref<17760xi32, #tpu.memory_space<vmem>> -> memref<80xi32, #tpu.memory_space<vmem>>
        %dma_wait3A_110 = arith.constant 0 : i32
        %dma_wait3A_111 = arith.constant 0 : i32
        %dma_wait3A_112 = tpu.memref_slice %arg2[%dma_wait3A_110, %dma_wait3A_111] : memref<10000x128xf32, #tpu.memory_space<hbm>> -> memref<10000x128xf32, #tpu.memory_space<hbm>>
        tpu.wait_indirect_dma semaphore(%arg17 : memref<!tpu.dma_semaphore, #tpu.memory_space<semaphore_mem>>) src(%dma_wait3A_112 : memref<10000x128xf32, #tpu.memory_space<hbm>>) dst(%arg13 : memref<80x128xf32, #tpu.memory_space<vmem>>)
        %dma_start3A_113 = arith.constant 0 : i32
        %dma_start3A_114 = arith.constant 0 : i32
        %dma_start3A_115 = tpu.memref_slice %arg14[%dma_start3A_113, %dma_start3A_114] : memref<10240x128xf32, #tpu.memory_space<vmem_shared>> -> memref<10240x128xf32, #tpu.memory_space<vmem_shared>>
        tpu.enqueue_indirect_dma source(%arg13 : memref<80x128xf32, #tpu.memory_space<vmem>>) target(%dma_start3A_115 : memref<10240x128xf32, #tpu.memory_space<vmem_shared>>) offsets(%arg10 : memref<80xi32, #tpu.memory_space<vmem>>) semaphore(%arg23 : memref<!tpu.dma_semaphore, #tpu.memory_space<semaphore_mem>>) {add = true}
        %dma_wait3A_116 = arith.constant 0 : i32
        %dma_wait3A_117 = arith.constant 0 : i32
        %dma_wait3A_118 = tpu.memref_slice %arg14[%dma_wait3A_116, %dma_wait3A_117] : memref<10240x128xf32, #tpu.memory_space<vmem_shared>> -> memref<10240x128xf32, #tpu.memory_space<vmem_shared>>
        tpu.wait_indirect_dma semaphore(%arg21 : memref<!tpu.dma_semaphore, #tpu.memory_space<semaphore_mem>>) src(%arg11 : memref<80x128xf32, #tpu.memory_space<vmem>>) dst(%dma_wait3A_118 : memref<10240x128xf32, #tpu.memory_space<vmem_shared>>)
        %add3A_119 = arith.constant 3 : i32
        %add3A_120 = arith.addi %mul3A_85, %add3A_119 : i32
        %add3A_121 = arith.constant 0 : i32
        %add3A_122 = arith.addi %add3A_120, %add3A_121 : i32
        %mul3A_123 = arith.constant 80 : i32
        %mul3A_124 = arith.muli %add3A_122, %mul3A_123 : i32
        %multiple_of3A_125 = tpu.assume_multiple %mul3A_124, 8 : i32
        %add3A_126 = arith.addi %multiple_of3A, %multiple_of3A_125 : i32
        %dma_start3A_127 = tpu.memref_slice %arg4[%add3A_126] : memref<322560xi32, #tpu.memory_space<hbm>> -> memref<80xi32, #tpu.memory_space<hbm>>
        %dma_start3A_128 = tpu.memref_slice %arg4[%add3A_126] : memref<322560xi32, #tpu.memory_space<hbm>> -> memref<80xi32, #tpu.memory_space<hbm>>
        tpu.enqueue_dma source(%dma_start3A_128 : memref<80xi32, #tpu.memory_space<hbm>>) target(%arg8 : memref<80xi32, #tpu.memory_space<vmem>>) target_semaphore(%arg18 : memref<!tpu.dma_semaphore, #tpu.memory_space<semaphore_mem>>)
        %dma_start3A_129 = tpu.memref_slice %arg7[%multiple_of3A_125] : memref<17760xi32, #tpu.memory_space<vmem>> -> memref<80xi32, #tpu.memory_space<vmem>>
        %dma_start3A_130 = arith.constant 0 : i32
        %dma_start3A_131 = arith.constant 0 : i32
        %dma_start3A_132 = tpu.memref_slice %arg2[%dma_start3A_130, %dma_start3A_131] : memref<10000x128xf32, #tpu.memory_space<hbm>> -> memref<10000x128xf32, #tpu.memory_space<hbm>>
        tpu.enqueue_indirect_dma source(%dma_start3A_132 : memref<10000x128xf32, #tpu.memory_space<hbm>>) target(%arg11 : memref<80x128xf32, #tpu.memory_space<vmem>>) offsets(%dma_start3A_129 : memref<80xi32, #tpu.memory_space<vmem>>) semaphore(%arg15 : memref<!tpu.dma_semaphore, #tpu.memory_space<semaphore_mem>>)
        %dma_wait3A_133 = arith.constant 0 : i32
        %dma_wait3A_134 = arith.constant 0 : i32
        %dma_wait3A_135 = tpu.memref_slice %arg14[%dma_wait3A_133, %dma_wait3A_134] : memref<10240x128xf32, #tpu.memory_space<vmem_shared>> -> memref<10240x128xf32, #tpu.memory_space<vmem_shared>>
        tpu.wait_indirect_dma semaphore(%arg22 : memref<!tpu.dma_semaphore, #tpu.memory_space<semaphore_mem>>) src(%arg12 : memref<80x128xf32, #tpu.memory_space<vmem>>) dst(%dma_wait3A_135 : memref<10240x128xf32, #tpu.memory_space<vmem_shared>>)
        %add3A_136 = arith.constant 3 : i32
        %add3A_137 = arith.addi %mul3A_85, %add3A_136 : i32
        %add3A_138 = arith.constant 1 : i32
        %add3A_139 = arith.addi %add3A_137, %add3A_138 : i32
        %mul3A_140 = arith.constant 80 : i32
        %mul3A_141 = arith.muli %add3A_139, %mul3A_140 : i32
        %multiple_of3A_142 = tpu.assume_multiple %mul3A_141, 8 : i32
        %add3A_143 = arith.addi %multiple_of3A, %multiple_of3A_142 : i32
        %dma_start3A_144 = tpu.memref_slice %arg4[%add3A_143] : memref<322560xi32, #tpu.memory_space<hbm>> -> memref<80xi32, #tpu.memory_space<hbm>>
        %dma_start3A_145 = tpu.memref_slice %arg4[%add3A_143] : memref<322560xi32, #tpu.memory_space<hbm>> -> memref<80xi32, #tpu.memory_space<hbm>>
        tpu.enqueue_dma source(%dma_start3A_145 : memref<80xi32, #tpu.memory_space<hbm>>) target(%arg9 : memref<80xi32, #tpu.memory_space<vmem>>) target_semaphore(%arg19 : memref<!tpu.dma_semaphore, #tpu.memory_space<semaphore_mem>>)
        %dma_start3A_146 = tpu.memref_slice %arg7[%multiple_of3A_142] : memref<17760xi32, #tpu.memory_space<vmem>> -> memref<80xi32, #tpu.memory_space<vmem>>
        %dma_start3A_147 = arith.constant 0 : i32
        %dma_start3A_148 = arith.constant 0 : i32
        %dma_start3A_149 = tpu.memref_slice %arg2[%dma_start3A_147, %dma_start3A_148] : memref<10000x128xf32, #tpu.memory_space<hbm>> -> memref<10000x128xf32, #tpu.memory_space<hbm>>
        tpu.enqueue_indirect_dma source(%dma_start3A_149 : memref<10000x128xf32, #tpu.memory_space<hbm>>) target(%arg12 : memref<80x128xf32, #tpu.memory_space<vmem>>) offsets(%dma_start3A_146 : memref<80xi32, #tpu.memory_space<vmem>>) semaphore(%arg16 : memref<!tpu.dma_semaphore, #tpu.memory_space<semaphore_mem>>)
        %dma_wait3A_150 = arith.constant 0 : i32
        %dma_wait3A_151 = arith.constant 0 : i32
        %dma_wait3A_152 = tpu.memref_slice %arg14[%dma_wait3A_150, %dma_wait3A_151] : memref<10240x128xf32, #tpu.memory_space<vmem_shared>> -> memref<10240x128xf32, #tpu.memory_space<vmem_shared>>
        tpu.wait_indirect_dma semaphore(%arg23 : memref<!tpu.dma_semaphore, #tpu.memory_space<semaphore_mem>>) src(%arg13 : memref<80x128xf32, #tpu.memory_space<vmem>>) dst(%dma_wait3A_152 : memref<10240x128xf32, #tpu.memory_space<vmem_shared>>)
        %add3A_153 = arith.constant 3 : i32
        %add3A_154 = arith.addi %mul3A_85, %add3A_153 : i32
        %add3A_155 = arith.constant 2 : i32
        %add3A_156 = arith.addi %add3A_154, %add3A_155 : i32
        %mul3A_157 = arith.constant 80 : i32
        %mul3A_158 = arith.muli %add3A_156, %mul3A_157 : i32
        %multiple_of3A_159 = tpu.assume_multiple %mul3A_158, 8 : i32
        %add3A_160 = arith.addi %multiple_of3A, %multiple_of3A_159 : i32
        %dma_start3A_161 = tpu.memref_slice %arg4[%add3A_160] : memref<322560xi32, #tpu.memory_space<hbm>> -> memref<80xi32, #tpu.memory_space<hbm>>
        %dma_start3A_162 = tpu.memref_slice %arg4[%add3A_160] : memref<322560xi32, #tpu.memory_space<hbm>> -> memref<80xi32, #tpu.memory_space<hbm>>
        tpu.enqueue_dma source(%dma_start3A_162 : memref<80xi32, #tpu.memory_space<hbm>>) target(%arg10 : memref<80xi32, #tpu.memory_space<vmem>>) target_semaphore(%arg20 : memref<!tpu.dma_semaphore, #tpu.memory_space<semaphore_mem>>)
        %dma_start3A_163 = tpu.memref_slice %arg7[%multiple_of3A_159] : memref<17760xi32, #tpu.memory_space<vmem>> -> memref<80xi32, #tpu.memory_space<vmem>>
        %dma_start3A_164 = arith.constant 0 : i32
        %dma_start3A_165 = arith.constant 0 : i32
        %dma_start3A_166 = tpu.memref_slice %arg2[%dma_start3A_164, %dma_start3A_165] : memref<10000x128xf32, #tpu.memory_space<hbm>> -> memref<10000x128xf32, #tpu.memory_space<hbm>>
        tpu.enqueue_indirect_dma source(%dma_start3A_166 : memref<10000x128xf32, #tpu.memory_space<hbm>>) target(%arg13 : memref<80x128xf32, #tpu.memory_space<vmem>>) offsets(%dma_start3A_163 : memref<80xi32, #tpu.memory_space<vmem>>) semaphore(%arg17 : memref<!tpu.dma_semaphore, #tpu.memory_space<semaphore_mem>>)
      }
      %scan3A_44 = arith.constant 73 : i32
      %dma_wait3A = tpu.memref_slice %arg4[%multiple_of3A] : memref<322560xi32, #tpu.memory_space<hbm>> -> memref<80xi32, #tpu.memory_space<hbm>>
      %dma_wait3A_45 = tpu.memref_slice %arg4[%multiple_of3A] : memref<322560xi32, #tpu.memory_space<hbm>> -> memref<80xi32, #tpu.memory_space<hbm>>
      tpu.wait_dma2 semaphore(%arg18 : memref<!tpu.dma_semaphore, #tpu.memory_space<semaphore_mem>>) src(%dma_wait3A_45 : memref<80xi32, #tpu.memory_space<hbm>>) dst(%arg8 : memref<80xi32, #tpu.memory_space<vmem>>)
      %dma_wait3A_46 = arith.constant 0 : i32
      %dma_wait3A_47 = tpu.memref_slice %arg7[%dma_wait3A_46] : memref<17760xi32, #tpu.memory_space<vmem>> -> memref<80xi32, #tpu.memory_space<vmem>>
      %dma_wait3A_48 = arith.constant 0 : i32
      %dma_wait3A_49 = arith.constant 0 : i32
      %dma_wait3A_50 = tpu.memref_slice %arg2[%dma_wait3A_48, %dma_wait3A_49] : memref<10000x128xf32, #tpu.memory_space<hbm>> -> memref<10000x128xf32, #tpu.memory_space<hbm>>
      tpu.wait_indirect_dma semaphore(%arg15 : memref<!tpu.dma_semaphore, #tpu.memory_space<semaphore_mem>>) src(%dma_wait3A_50 : memref<10000x128xf32, #tpu.memory_space<hbm>>) dst(%arg11 : memref<80x128xf32, #tpu.memory_space<vmem>>)
      %dma_start3A_51 = arith.constant 0 : i32
      %dma_start3A_52 = arith.constant 0 : i32
      %dma_start3A_53 = tpu.memref_slice %arg14[%dma_start3A_51, %dma_start3A_52] : memref<10240x128xf32, #tpu.memory_space<vmem_shared>> -> memref<10240x128xf32, #tpu.memory_space<vmem_shared>>
      tpu.enqueue_indirect_dma source(%arg11 : memref<80x128xf32, #tpu.memory_space<vmem>>) target(%dma_start3A_53 : memref<10240x128xf32, #tpu.memory_space<vmem_shared>>) offsets(%arg8 : memref<80xi32, #tpu.memory_space<vmem>>) semaphore(%arg21 : memref<!tpu.dma_semaphore, #tpu.memory_space<semaphore_mem>>) {add = true}
      %dma_wait3A_54 = tpu.memref_slice %arg4[%multiple_of3A] : memref<322560xi32, #tpu.memory_space<hbm>> -> memref<80xi32, #tpu.memory_space<hbm>>
      %dma_wait3A_55 = tpu.memref_slice %arg4[%multiple_of3A] : memref<322560xi32, #tpu.memory_space<hbm>> -> memref<80xi32, #tpu.memory_space<hbm>>
      tpu.wait_dma2 semaphore(%arg19 : memref<!tpu.dma_semaphore, #tpu.memory_space<semaphore_mem>>) src(%dma_wait3A_55 : memref<80xi32, #tpu.memory_space<hbm>>) dst(%arg9 : memref<80xi32, #tpu.memory_space<vmem>>)
      %dma_wait3A_56 = arith.constant 0 : i32
      %dma_wait3A_57 = tpu.memref_slice %arg7[%dma_wait3A_56] : memref<17760xi32, #tpu.memory_space<vmem>> -> memref<80xi32, #tpu.memory_space<vmem>>
      %dma_wait3A_58 = arith.constant 0 : i32
      %dma_wait3A_59 = arith.constant 0 : i32
      %dma_wait3A_60 = tpu.memref_slice %arg2[%dma_wait3A_58, %dma_wait3A_59] : memref<10000x128xf32, #tpu.memory_space<hbm>> -> memref<10000x128xf32, #tpu.memory_space<hbm>>
      tpu.wait_indirect_dma semaphore(%arg16 : memref<!tpu.dma_semaphore, #tpu.memory_space<semaphore_mem>>) src(%dma_wait3A_60 : memref<10000x128xf32, #tpu.memory_space<hbm>>) dst(%arg12 : memref<80x128xf32, #tpu.memory_space<vmem>>)
      %dma_start3A_61 = arith.constant 0 : i32
      %dma_start3A_62 = arith.constant 0 : i32
      %dma_start3A_63 = tpu.memref_slice %arg14[%dma_start3A_61, %dma_start3A_62] : memref<10240x128xf32, #tpu.memory_space<vmem_shared>> -> memref<10240x128xf32, #tpu.memory_space<vmem_shared>>
      tpu.enqueue_indirect_dma source(%arg12 : memref<80x128xf32, #tpu.memory_space<vmem>>) target(%dma_start3A_63 : memref<10240x128xf32, #tpu.memory_space<vmem_shared>>) offsets(%arg9 : memref<80xi32, #tpu.memory_space<vmem>>) semaphore(%arg22 : memref<!tpu.dma_semaphore, #tpu.memory_space<semaphore_mem>>) {add = true}
      %dma_wait3A_64 = tpu.memref_slice %arg4[%multiple_of3A] : memref<322560xi32, #tpu.memory_space<hbm>> -> memref<80xi32, #tpu.memory_space<hbm>>
      %dma_wait3A_65 = tpu.memref_slice %arg4[%multiple_of3A] : memref<322560xi32, #tpu.memory_space<hbm>> -> memref<80xi32, #tpu.memory_space<hbm>>
      tpu.wait_dma2 semaphore(%arg20 : memref<!tpu.dma_semaphore, #tpu.memory_space<semaphore_mem>>) src(%dma_wait3A_65 : memref<80xi32, #tpu.memory_space<hbm>>) dst(%arg10 : memref<80xi32, #tpu.memory_space<vmem>>)
      %dma_wait3A_66 = arith.constant 0 : i32
      %dma_wait3A_67 = tpu.memref_slice %arg7[%dma_wait3A_66] : memref<17760xi32, #tpu.memory_space<vmem>> -> memref<80xi32, #tpu.memory_space<vmem>>
      %dma_wait3A_68 = arith.constant 0 : i32
      %dma_wait3A_69 = arith.constant 0 : i32
      %dma_wait3A_70 = tpu.memref_slice %arg2[%dma_wait3A_68, %dma_wait3A_69] : memref<10000x128xf32, #tpu.memory_space<hbm>> -> memref<10000x128xf32, #tpu.memory_space<hbm>>
      tpu.wait_indirect_dma semaphore(%arg17 : memref<!tpu.dma_semaphore, #tpu.memory_space<semaphore_mem>>) src(%dma_wait3A_70 : memref<10000x128xf32, #tpu.memory_space<hbm>>) dst(%arg13 : memref<80x128xf32, #tpu.memory_space<vmem>>)
      %dma_start3A_71 = arith.constant 0 : i32
      %dma_start3A_72 = arith.constant 0 : i32
      %dma_start3A_73 = tpu.memref_slice %arg14[%dma_start3A_71, %dma_start3A_72] : memref<10240x128xf32, #tpu.memory_space<vmem_shared>> -> memref<10240x128xf32, #tpu.memory_space<vmem_shared>>
      tpu.enqueue_indirect_dma source(%arg13 : memref<80x128xf32, #tpu.memory_space<vmem>>) target(%dma_start3A_73 : memref<10240x128xf32, #tpu.memory_space<vmem_shared>>) offsets(%arg10 : memref<80xi32, #tpu.memory_space<vmem>>) semaphore(%arg23 : memref<!tpu.dma_semaphore, #tpu.memory_space<semaphore_mem>>) {add = true}
      %dma_wait3A_74 = arith.constant 0 : i32
      %dma_wait3A_75 = arith.constant 0 : i32
      %dma_wait3A_76 = tpu.memref_slice %arg14[%dma_wait3A_74, %dma_wait3A_75] : memref<10240x128xf32, #tpu.memory_space<vmem_shared>> -> memref<10240x128xf32, #tpu.memory_space<vmem_shared>>
      tpu.wait_indirect_dma semaphore(%arg21 : memref<!tpu.dma_semaphore, #tpu.memory_space<semaphore_mem>>) src(%arg11 : memref<80x128xf32, #tpu.memory_space<vmem>>) dst(%dma_wait3A_76 : memref<10240x128xf32, #tpu.memory_space<vmem_shared>>)
      %dma_wait3A_77 = arith.constant 0 : i32
      %dma_wait3A_78 = arith.constant 0 : i32
      %dma_wait3A_79 = tpu.memref_slice %arg14[%dma_wait3A_77, %dma_wait3A_78] : memref<10240x128xf32, #tpu.memory_space<vmem_shared>> -> memref<10240x128xf32, #tpu.memory_space<vmem_shared>>
      tpu.wait_indirect_dma semaphore(%arg22 : memref<!tpu.dma_semaphore, #tpu.memory_space<semaphore_mem>>) src(%arg12 : memref<80x128xf32, #tpu.memory_space<vmem>>) dst(%dma_wait3A_79 : memref<10240x128xf32, #tpu.memory_space<vmem_shared>>)
      %dma_wait3A_80 = arith.constant 0 : i32
      %dma_wait3A_81 = arith.constant 0 : i32
      %dma_wait3A_82 = tpu.memref_slice %arg14[%dma_wait3A_80, %dma_wait3A_81] : memref<10240x128xf32, #tpu.memory_space<vmem_shared>> -> memref<10240x128xf32, #tpu.memory_space<vmem_shared>>
      tpu.wait_indirect_dma semaphore(%arg23 : memref<!tpu.dma_semaphore, #tpu.memory_space<semaphore_mem>>) src(%arg13 : memref<80x128xf32, #tpu.memory_space<vmem>>) dst(%dma_wait3A_82 : memref<10240x128xf32, #tpu.memory_space<vmem_shared>>)
    } else {
    }
    %eq3A_3 = arith.constant 1 : i32
    %eq3A_4 = arith.cmpi eq, %arg0, %eq3A_3 : i32
    %convert_element_type3A_5 = arith.extui %eq3A_4 : i1 to i32
    %cond3A_6 = arith.constant 0 : i32
    %cond3A_7 = arith.cmpi ne, %convert_element_type3A_5, %cond3A_6 : i32
    scf.if %cond3A_7 {
      %mul3A_13 = arith.constant 2400 : i32
      %mul3A_14 = arith.muli %arg1, %mul3A_13 : i32
      %add3A = arith.constant 284160 : i32
      %add3A_15 = arith.addi %add3A, %mul3A_14 : i32
      %multiple_of3A = tpu.assume_multiple %add3A_15, 8 : i32
      "tpu.region"() ({
        %run_scoped3A = tpu.sem_alloc : memref<!tpu.dma_semaphore, #tpu.memory_space<semaphore_mem>>
        %dma_start3A_85 = arith.constant 0 : i32
        %dma_start3A_86 = tpu.memref_slice %arg7[%dma_start3A_85] : memref<17760xi32, #tpu.memory_space<vmem>> -> memref<2400xi32, #tpu.memory_space<vmem>>
        %dma_start3A_87 = tpu.memref_slice %arg3[%multiple_of3A] : memref<322560xi32, #tpu.memory_space<hbm>> -> memref<2400xi32, #tpu.memory_space<hbm>>
        %dma_start3A_88 = arith.constant 0 : i32
        %dma_start3A_89 = tpu.memref_slice %arg7[%dma_start3A_88] : memref<17760xi32, #tpu.memory_space<vmem>> -> memref<2400xi32, #tpu.memory_space<vmem>>
        %dma_start3A_90 = tpu.memref_slice %arg3[%multiple_of3A] : memref<322560xi32, #tpu.memory_space<hbm>> -> memref<2400xi32, #tpu.memory_space<hbm>>
        tpu.enqueue_dma source(%dma_start3A_90 : memref<2400xi32, #tpu.memory_space<hbm>>) target(%dma_start3A_89 : memref<2400xi32, #tpu.memory_space<vmem>>) target_semaphore(%run_scoped3A : memref<!tpu.dma_semaphore, #tpu.memory_space<semaphore_mem>>)
        %dma_wait3A_91 = arith.constant 0 : i32
        %dma_wait3A_92 = tpu.memref_slice %arg7[%dma_wait3A_91] : memref<17760xi32, #tpu.memory_space<vmem>> -> memref<2400xi32, #tpu.memory_space<vmem>>
        %dma_wait3A_93 = tpu.memref_slice %arg3[%multiple_of3A] : memref<322560xi32, #tpu.memory_space<hbm>> -> memref<2400xi32, #tpu.memory_space<hbm>>
        %dma_wait3A_94 = arith.constant 0 : i32
        %dma_wait3A_95 = tpu.memref_slice %arg7[%dma_wait3A_94] : memref<17760xi32, #tpu.memory_space<vmem>> -> memref<2400xi32, #tpu.memory_space<vmem>>
        %dma_wait3A_96 = tpu.memref_slice %arg3[%multiple_of3A] : memref<322560xi32, #tpu.memory_space<hbm>> -> memref<2400xi32, #tpu.memory_space<hbm>>
        tpu.wait_dma2 semaphore(%run_scoped3A : memref<!tpu.dma_semaphore, #tpu.memory_space<semaphore_mem>>) src(%dma_wait3A_96 : memref<2400xi32, #tpu.memory_space<hbm>>) dst(%dma_wait3A_95 : memref<2400xi32, #tpu.memory_space<vmem>>)
        tpu.yield
      }) : () -> ()
      %multiple_of3A_16 = arith.constant 0 : i32
      %multiple_of3A_17 = tpu.assume_multiple %multiple_of3A_16, 8 : i32
      %add3A_18 = arith.addi %multiple_of3A, %multiple_of3A_17 : i32
      %dma_start3A = tpu.memref_slice %arg4[%add3A_18] : memref<322560xi32, #tpu.memory_space<hbm>> -> memref<80xi32, #tpu.memory_space<hbm>>
      %dma_start3A_19 = tpu.memref_slice %arg4[%add3A_18] : memref<322560xi32, #tpu.memory_space<hbm>> -> memref<80xi32, #tpu.memory_space<hbm>>
      tpu.enqueue_dma source(%dma_start3A_19 : memref<80xi32, #tpu.memory_space<hbm>>) target(%arg8 : memref<80xi32, #tpu.memory_space<vmem>>) target_semaphore(%arg18 : memref<!tpu.dma_semaphore, #tpu.memory_space<semaphore_mem>>)
      %dma_start3A_20 = tpu.memref_slice %arg7[%multiple_of3A_17] : memref<17760xi32, #tpu.memory_space<vmem>> -> memref<80xi32, #tpu.memory_space<vmem>>
      %dma_start3A_21 = arith.constant 0 : i32
      %dma_start3A_22 = arith.constant 0 : i32
      %dma_start3A_23 = tpu.memref_slice %arg2[%dma_start3A_21, %dma_start3A_22] : memref<10000x128xf32, #tpu.memory_space<hbm>> -> memref<10000x128xf32, #tpu.memory_space<hbm>>
      tpu.enqueue_indirect_dma source(%dma_start3A_23 : memref<10000x128xf32, #tpu.memory_space<hbm>>) target(%arg11 : memref<80x128xf32, #tpu.memory_space<vmem>>) offsets(%dma_start3A_20 : memref<80xi32, #tpu.memory_space<vmem>>) semaphore(%arg15 : memref<!tpu.dma_semaphore, #tpu.memory_space<semaphore_mem>>)
      %multiple_of3A_24 = arith.constant 80 : i32
      %multiple_of3A_25 = tpu.assume_multiple %multiple_of3A_24, 8 : i32
      %add3A_26 = arith.addi %multiple_of3A, %multiple_of3A_25 : i32
      %dma_start3A_27 = tpu.memref_slice %arg4[%add3A_26] : memref<322560xi32, #tpu.memory_space<hbm>> -> memref<80xi32, #tpu.memory_space<hbm>>
      %dma_start3A_28 = tpu.memref_slice %arg4[%add3A_26] : memref<322560xi32, #tpu.memory_space<hbm>> -> memref<80xi32, #tpu.memory_space<hbm>>
      tpu.enqueue_dma source(%dma_start3A_28 : memref<80xi32, #tpu.memory_space<hbm>>) target(%arg9 : memref<80xi32, #tpu.memory_space<vmem>>) target_semaphore(%arg19 : memref<!tpu.dma_semaphore, #tpu.memory_space<semaphore_mem>>)
      %dma_start3A_29 = tpu.memref_slice %arg7[%multiple_of3A_25] : memref<17760xi32, #tpu.memory_space<vmem>> -> memref<80xi32, #tpu.memory_space<vmem>>
      %dma_start3A_30 = arith.constant 0 : i32
      %dma_start3A_31 = arith.constant 0 : i32
      %dma_start3A_32 = tpu.memref_slice %arg2[%dma_start3A_30, %dma_start3A_31] : memref<10000x128xf32, #tpu.memory_space<hbm>> -> memref<10000x128xf32, #tpu.memory_space<hbm>>
      tpu.enqueue_indirect_dma source(%dma_start3A_32 : memref<10000x128xf32, #tpu.memory_space<hbm>>) target(%arg12 : memref<80x128xf32, #tpu.memory_space<vmem>>) offsets(%dma_start3A_29 : memref<80xi32, #tpu.memory_space<vmem>>) semaphore(%arg16 : memref<!tpu.dma_semaphore, #tpu.memory_space<semaphore_mem>>)
      %multiple_of3A_33 = arith.constant 160 : i32
      %multiple_of3A_34 = tpu.assume_multiple %multiple_of3A_33, 8 : i32
      %add3A_35 = arith.addi %multiple_of3A, %multiple_of3A_34 : i32
      %dma_start3A_36 = tpu.memref_slice %arg4[%add3A_35] : memref<322560xi32, #tpu.memory_space<hbm>> -> memref<80xi32, #tpu.memory_space<hbm>>
      %dma_start3A_37 = tpu.memref_slice %arg4[%add3A_35] : memref<322560xi32, #tpu.memory_space<hbm>> -> memref<80xi32, #tpu.memory_space<hbm>>
      tpu.enqueue_dma source(%dma_start3A_37 : memref<80xi32, #tpu.memory_space<hbm>>) target(%arg10 : memref<80xi32, #tpu.memory_space<vmem>>) target_semaphore(%arg20 : memref<!tpu.dma_semaphore, #tpu.memory_space<semaphore_mem>>)
      %dma_start3A_38 = tpu.memref_slice %arg7[%multiple_of3A_34] : memref<17760xi32, #tpu.memory_space<vmem>> -> memref<80xi32, #tpu.memory_space<vmem>>
      %dma_start3A_39 = arith.constant 0 : i32
      %dma_start3A_40 = arith.constant 0 : i32
      %dma_start3A_41 = tpu.memref_slice %arg2[%dma_start3A_39, %dma_start3A_40] : memref<10000x128xf32, #tpu.memory_space<hbm>> -> memref<10000x128xf32, #tpu.memory_space<hbm>>
      tpu.enqueue_indirect_dma source(%dma_start3A_41 : memref<10000x128xf32, #tpu.memory_space<hbm>>) target(%arg13 : memref<80x128xf32, #tpu.memory_space<vmem>>) offsets(%dma_start3A_38 : memref<80xi32, #tpu.memory_space<vmem>>) semaphore(%arg17 : memref<!tpu.dma_semaphore, #tpu.memory_space<semaphore_mem>>)
      %scan3A = arith.constant 0 : i32
      %scan3A_42 = arith.constant 0 : i32
      %scan3A_43 = arith.constant 9 : i32
      %scan3A_44 = arith.addi %scan3A_42, %scan3A_43 : i32
      %scan3A_45 = arith.constant 1 : i32
      scf.for %scan3A_85 = %scan3A_42 to %scan3A_44 step %scan3A_45  : i32 {
        %mul3A_86 = arith.constant 3 : i32
        %mul3A_87 = arith.muli %mul3A_86, %scan3A_85 : i32
        %dma_wait3A_88 = tpu.memref_slice %arg4[%multiple_of3A] : memref<322560xi32, #tpu.memory_space<hbm>> -> memref<80xi32, #tpu.memory_space<hbm>>
        %dma_wait3A_89 = tpu.memref_slice %arg4[%multiple_of3A] : memref<322560xi32, #tpu.memory_space<hbm>> -> memref<80xi32, #tpu.memory_space<hbm>>
        tpu.wait_dma2 semaphore(%arg18 : memref<!tpu.dma_semaphore, #tpu.memory_space<semaphore_mem>>) src(%dma_wait3A_89 : memref<80xi32, #tpu.memory_space<hbm>>) dst(%arg8 : memref<80xi32, #tpu.memory_space<vmem>>)
        %dma_wait3A_90 = arith.constant 0 : i32
        %dma_wait3A_91 = tpu.memref_slice %arg7[%dma_wait3A_90] : memref<17760xi32, #tpu.memory_space<vmem>> -> memref<80xi32, #tpu.memory_space<vmem>>
        %dma_wait3A_92 = arith.constant 0 : i32
        %dma_wait3A_93 = arith.constant 0 : i32
        %dma_wait3A_94 = tpu.memref_slice %arg2[%dma_wait3A_92, %dma_wait3A_93] : memref<10000x128xf32, #tpu.memory_space<hbm>> -> memref<10000x128xf32, #tpu.memory_space<hbm>>
        tpu.wait_indirect_dma semaphore(%arg15 : memref<!tpu.dma_semaphore, #tpu.memory_space<semaphore_mem>>) src(%dma_wait3A_94 : memref<10000x128xf32, #tpu.memory_space<hbm>>) dst(%arg11 : memref<80x128xf32, #tpu.memory_space<vmem>>)
        %dma_start3A_95 = arith.constant 0 : i32
        %dma_start3A_96 = arith.constant 0 : i32
        %dma_start3A_97 = tpu.memref_slice %arg14[%dma_start3A_95, %dma_start3A_96] : memref<10240x128xf32, #tpu.memory_space<vmem_shared>> -> memref<10240x128xf32, #tpu.memory_space<vmem_shared>>
        tpu.enqueue_indirect_dma source(%arg11 : memref<80x128xf32, #tpu.memory_space<vmem>>) target(%dma_start3A_97 : memref<10240x128xf32, #tpu.memory_space<vmem_shared>>) offsets(%arg8 : memref<80xi32, #tpu.memory_space<vmem>>) semaphore(%arg21 : memref<!tpu.dma_semaphore, #tpu.memory_space<semaphore_mem>>) {add = true}
        %dma_wait3A_98 = tpu.memref_slice %arg4[%multiple_of3A] : memref<322560xi32, #tpu.memory_space<hbm>> -> memref<80xi32, #tpu.memory_space<hbm>>
        %dma_wait3A_99 = tpu.memref_slice %arg4[%multiple_of3A] : memref<322560xi32, #tpu.memory_space<hbm>> -> memref<80xi32, #tpu.memory_space<hbm>>
        tpu.wait_dma2 semaphore(%arg19 : memref<!tpu.dma_semaphore, #tpu.memory_space<semaphore_mem>>) src(%dma_wait3A_99 : memref<80xi32, #tpu.memory_space<hbm>>) dst(%arg9 : memref<80xi32, #tpu.memory_space<vmem>>)
        %dma_wait3A_100 = arith.constant 0 : i32
        %dma_wait3A_101 = tpu.memref_slice %arg7[%dma_wait3A_100] : memref<17760xi32, #tpu.memory_space<vmem>> -> memref<80xi32, #tpu.memory_space<vmem>>
        %dma_wait3A_102 = arith.constant 0 : i32
        %dma_wait3A_103 = arith.constant 0 : i32
        %dma_wait3A_104 = tpu.memref_slice %arg2[%dma_wait3A_102, %dma_wait3A_103] : memref<10000x128xf32, #tpu.memory_space<hbm>> -> memref<10000x128xf32, #tpu.memory_space<hbm>>
        tpu.wait_indirect_dma semaphore(%arg16 : memref<!tpu.dma_semaphore, #tpu.memory_space<semaphore_mem>>) src(%dma_wait3A_104 : memref<10000x128xf32, #tpu.memory_space<hbm>>) dst(%arg12 : memref<80x128xf32, #tpu.memory_space<vmem>>)
        %dma_start3A_105 = arith.constant 0 : i32
        %dma_start3A_106 = arith.constant 0 : i32
        %dma_start3A_107 = tpu.memref_slice %arg14[%dma_start3A_105, %dma_start3A_106] : memref<10240x128xf32, #tpu.memory_space<vmem_shared>> -> memref<10240x128xf32, #tpu.memory_space<vmem_shared>>
        tpu.enqueue_indirect_dma source(%arg12 : memref<80x128xf32, #tpu.memory_space<vmem>>) target(%dma_start3A_107 : memref<10240x128xf32, #tpu.memory_space<vmem_shared>>) offsets(%arg9 : memref<80xi32, #tpu.memory_space<vmem>>) semaphore(%arg22 : memref<!tpu.dma_semaphore, #tpu.memory_space<semaphore_mem>>) {add = true}
        %dma_wait3A_108 = tpu.memref_slice %arg4[%multiple_of3A] : memref<322560xi32, #tpu.memory_space<hbm>> -> memref<80xi32, #tpu.memory_space<hbm>>
        %dma_wait3A_109 = tpu.memref_slice %arg4[%multiple_of3A] : memref<322560xi32, #tpu.memory_space<hbm>> -> memref<80xi32, #tpu.memory_space<hbm>>
        tpu.wait_dma2 semaphore(%arg20 : memref<!tpu.dma_semaphore, #tpu.memory_space<semaphore_mem>>) src(%dma_wait3A_109 : memref<80xi32, #tpu.memory_space<hbm>>) dst(%arg10 : memref<80xi32, #tpu.memory_space<vmem>>)
        %dma_wait3A_110 = arith.constant 0 : i32
        %dma_wait3A_111 = tpu.memref_slice %arg7[%dma_wait3A_110] : memref<17760xi32, #tpu.memory_space<vmem>> -> memref<80xi32, #tpu.memory_space<vmem>>
        %dma_wait3A_112 = arith.constant 0 : i32
        %dma_wait3A_113 = arith.constant 0 : i32
        %dma_wait3A_114 = tpu.memref_slice %arg2[%dma_wait3A_112, %dma_wait3A_113] : memref<10000x128xf32, #tpu.memory_space<hbm>> -> memref<10000x128xf32, #tpu.memory_space<hbm>>
        tpu.wait_indirect_dma semaphore(%arg17 : memref<!tpu.dma_semaphore, #tpu.memory_space<semaphore_mem>>) src(%dma_wait3A_114 : memref<10000x128xf32, #tpu.memory_space<hbm>>) dst(%arg13 : memref<80x128xf32, #tpu.memory_space<vmem>>)
        %dma_start3A_115 = arith.constant 0 : i32
        %dma_start3A_116 = arith.constant 0 : i32
        %dma_start3A_117 = tpu.memref_slice %arg14[%dma_start3A_115, %dma_start3A_116] : memref<10240x128xf32, #tpu.memory_space<vmem_shared>> -> memref<10240x128xf32, #tpu.memory_space<vmem_shared>>
        tpu.enqueue_indirect_dma source(%arg13 : memref<80x128xf32, #tpu.memory_space<vmem>>) target(%dma_start3A_117 : memref<10240x128xf32, #tpu.memory_space<vmem_shared>>) offsets(%arg10 : memref<80xi32, #tpu.memory_space<vmem>>) semaphore(%arg23 : memref<!tpu.dma_semaphore, #tpu.memory_space<semaphore_mem>>) {add = true}
        %dma_wait3A_118 = arith.constant 0 : i32
        %dma_wait3A_119 = arith.constant 0 : i32
        %dma_wait3A_120 = tpu.memref_slice %arg14[%dma_wait3A_118, %dma_wait3A_119] : memref<10240x128xf32, #tpu.memory_space<vmem_shared>> -> memref<10240x128xf32, #tpu.memory_space<vmem_shared>>
        tpu.wait_indirect_dma semaphore(%arg21 : memref<!tpu.dma_semaphore, #tpu.memory_space<semaphore_mem>>) src(%arg11 : memref<80x128xf32, #tpu.memory_space<vmem>>) dst(%dma_wait3A_120 : memref<10240x128xf32, #tpu.memory_space<vmem_shared>>)
        %add3A_121 = arith.constant 3 : i32
        %add3A_122 = arith.addi %mul3A_87, %add3A_121 : i32
        %add3A_123 = arith.constant 0 : i32
        %add3A_124 = arith.addi %add3A_122, %add3A_123 : i32
        %mul3A_125 = arith.constant 80 : i32
        %mul3A_126 = arith.muli %add3A_124, %mul3A_125 : i32
        %multiple_of3A_127 = tpu.assume_multiple %mul3A_126, 8 : i32
        %add3A_128 = arith.addi %multiple_of3A, %multiple_of3A_127 : i32
        %dma_start3A_129 = tpu.memref_slice %arg4[%add3A_128] : memref<322560xi32, #tpu.memory_space<hbm>> -> memref<80xi32, #tpu.memory_space<hbm>>
        %dma_start3A_130 = tpu.memref_slice %arg4[%add3A_128] : memref<322560xi32, #tpu.memory_space<hbm>> -> memref<80xi32, #tpu.memory_space<hbm>>
        tpu.enqueue_dma source(%dma_start3A_130 : memref<80xi32, #tpu.memory_space<hbm>>) target(%arg8 : memref<80xi32, #tpu.memory_space<vmem>>) target_semaphore(%arg18 : memref<!tpu.dma_semaphore, #tpu.memory_space<semaphore_mem>>)
        %dma_start3A_131 = tpu.memref_slice %arg7[%multiple_of3A_127] : memref<17760xi32, #tpu.memory_space<vmem>> -> memref<80xi32, #tpu.memory_space<vmem>>
        %dma_start3A_132 = arith.constant 0 : i32
        %dma_start3A_133 = arith.constant 0 : i32
        %dma_start3A_134 = tpu.memref_slice %arg2[%dma_start3A_132, %dma_start3A_133] : memref<10000x128xf32, #tpu.memory_space<hbm>> -> memref<10000x128xf32, #tpu.memory_space<hbm>>
        tpu.enqueue_indirect_dma source(%dma_start3A_134 : memref<10000x128xf32, #tpu.memory_space<hbm>>) target(%arg11 : memref<80x128xf32, #tpu.memory_space<vmem>>) offsets(%dma_start3A_131 : memref<80xi32, #tpu.memory_space<vmem>>) semaphore(%arg15 : memref<!tpu.dma_semaphore, #tpu.memory_space<semaphore_mem>>)
        %dma_wait3A_135 = arith.constant 0 : i32
        %dma_wait3A_136 = arith.constant 0 : i32
        %dma_wait3A_137 = tpu.memref_slice %arg14[%dma_wait3A_135, %dma_wait3A_136] : memref<10240x128xf32, #tpu.memory_space<vmem_shared>> -> memref<10240x128xf32, #tpu.memory_space<vmem_shared>>
        tpu.wait_indirect_dma semaphore(%arg22 : memref<!tpu.dma_semaphore, #tpu.memory_space<semaphore_mem>>) src(%arg12 : memref<80x128xf32, #tpu.memory_space<vmem>>) dst(%dma_wait3A_137 : memref<10240x128xf32, #tpu.memory_space<vmem_shared>>)
        %add3A_138 = arith.constant 3 : i32
        %add3A_139 = arith.addi %mul3A_87, %add3A_138 : i32
        %add3A_140 = arith.constant 1 : i32
        %add3A_141 = arith.addi %add3A_139, %add3A_140 : i32
        %mul3A_142 = arith.constant 80 : i32
        %mul3A_143 = arith.muli %add3A_141, %mul3A_142 : i32
        %multiple_of3A_144 = tpu.assume_multiple %mul3A_143, 8 : i32
        %add3A_145 = arith.addi %multiple_of3A, %multiple_of3A_144 : i32
        %dma_start3A_146 = tpu.memref_slice %arg4[%add3A_145] : memref<322560xi32, #tpu.memory_space<hbm>> -> memref<80xi32, #tpu.memory_space<hbm>>
        %dma_start3A_147 = tpu.memref_slice %arg4[%add3A_145] : memref<322560xi32, #tpu.memory_space<hbm>> -> memref<80xi32, #tpu.memory_space<hbm>>
        tpu.enqueue_dma source(%dma_start3A_147 : memref<80xi32, #tpu.memory_space<hbm>>) target(%arg9 : memref<80xi32, #tpu.memory_space<vmem>>) target_semaphore(%arg19 : memref<!tpu.dma_semaphore, #tpu.memory_space<semaphore_mem>>)
        %dma_start3A_148 = tpu.memref_slice %arg7[%multiple_of3A_144] : memref<17760xi32, #tpu.memory_space<vmem>> -> memref<80xi32, #tpu.memory_space<vmem>>
        %dma_start3A_149 = arith.constant 0 : i32
        %dma_start3A_150 = arith.constant 0 : i32
        %dma_start3A_151 = tpu.memref_slice %arg2[%dma_start3A_149, %dma_start3A_150] : memref<10000x128xf32, #tpu.memory_space<hbm>> -> memref<10000x128xf32, #tpu.memory_space<hbm>>
        tpu.enqueue_indirect_dma source(%dma_start3A_151 : memref<10000x128xf32, #tpu.memory_space<hbm>>) target(%arg12 : memref<80x128xf32, #tpu.memory_space<vmem>>) offsets(%dma_start3A_148 : memref<80xi32, #tpu.memory_space<vmem>>) semaphore(%arg16 : memref<!tpu.dma_semaphore, #tpu.memory_space<semaphore_mem>>)
        %dma_wait3A_152 = arith.constant 0 : i32
        %dma_wait3A_153 = arith.constant 0 : i32
        %dma_wait3A_154 = tpu.memref_slice %arg14[%dma_wait3A_152, %dma_wait3A_153] : memref<10240x128xf32, #tpu.memory_space<vmem_shared>> -> memref<10240x128xf32, #tpu.memory_space<vmem_shared>>
        tpu.wait_indirect_dma semaphore(%arg23 : memref<!tpu.dma_semaphore, #tpu.memory_space<semaphore_mem>>) src(%arg13 : memref<80x128xf32, #tpu.memory_space<vmem>>) dst(%dma_wait3A_154 : memref<10240x128xf32, #tpu.memory_space<vmem_shared>>)
        %add3A_155 = arith.constant 3 : i32
        %add3A_156 = arith.addi %mul3A_87, %add3A_155 : i32
        %add3A_157 = arith.constant 2 : i32
        %add3A_158 = arith.addi %add3A_156, %add3A_157 : i32
        %mul3A_159 = arith.constant 80 : i32
        %mul3A_160 = arith.muli %add3A_158, %mul3A_159 : i32
        %multiple_of3A_161 = tpu.assume_multiple %mul3A_160, 8 : i32
        %add3A_162 = arith.addi %multiple_of3A, %multiple_of3A_161 : i32
        %dma_start3A_163 = tpu.memref_slice %arg4[%add3A_162] : memref<322560xi32, #tpu.memory_space<hbm>> -> memref<80xi32, #tpu.memory_space<hbm>>
        %dma_start3A_164 = tpu.memref_slice %arg4[%add3A_162] : memref<322560xi32, #tpu.memory_space<hbm>> -> memref<80xi32, #tpu.memory_space<hbm>>
        tpu.enqueue_dma source(%dma_start3A_164 : memref<80xi32, #tpu.memory_space<hbm>>) target(%arg10 : memref<80xi32, #tpu.memory_space<vmem>>) target_semaphore(%arg20 : memref<!tpu.dma_semaphore, #tpu.memory_space<semaphore_mem>>)
        %dma_start3A_165 = tpu.memref_slice %arg7[%multiple_of3A_161] : memref<17760xi32, #tpu.memory_space<vmem>> -> memref<80xi32, #tpu.memory_space<vmem>>
        %dma_start3A_166 = arith.constant 0 : i32
        %dma_start3A_167 = arith.constant 0 : i32
        %dma_start3A_168 = tpu.memref_slice %arg2[%dma_start3A_166, %dma_start3A_167] : memref<10000x128xf32, #tpu.memory_space<hbm>> -> memref<10000x128xf32, #tpu.memory_space<hbm>>
        tpu.enqueue_indirect_dma source(%dma_start3A_168 : memref<10000x128xf32, #tpu.memory_space<hbm>>) target(%arg13 : memref<80x128xf32, #tpu.memory_space<vmem>>) offsets(%dma_start3A_165 : memref<80xi32, #tpu.memory_space<vmem>>) semaphore(%arg17 : memref<!tpu.dma_semaphore, #tpu.memory_space<semaphore_mem>>)
      }
      %scan3A_46 = arith.constant 9 : i32
      %dma_wait3A = tpu.memref_slice %arg4[%multiple_of3A] : memref<322560xi32, #tpu.memory_space<hbm>> -> memref<80xi32, #tpu.memory_space<hbm>>
      %dma_wait3A_47 = tpu.memref_slice %arg4[%multiple_of3A] : memref<322560xi32, #tpu.memory_space<hbm>> -> memref<80xi32, #tpu.memory_space<hbm>>
      tpu.wait_dma2 semaphore(%arg18 : memref<!tpu.dma_semaphore, #tpu.memory_space<semaphore_mem>>) src(%dma_wait3A_47 : memref<80xi32, #tpu.memory_space<hbm>>) dst(%arg8 : memref<80xi32, #tpu.memory_space<vmem>>)
      %dma_wait3A_48 = arith.constant 0 : i32
      %dma_wait3A_49 = tpu.memref_slice %arg7[%dma_wait3A_48] : memref<17760xi32, #tpu.memory_space<vmem>> -> memref<80xi32, #tpu.memory_space<vmem>>
      %dma_wait3A_50 = arith.constant 0 : i32
      %dma_wait3A_51 = arith.constant 0 : i32
      %dma_wait3A_52 = tpu.memref_slice %arg2[%dma_wait3A_50, %dma_wait3A_51] : memref<10000x128xf32, #tpu.memory_space<hbm>> -> memref<10000x128xf32, #tpu.memory_space<hbm>>
      tpu.wait_indirect_dma semaphore(%arg15 : memref<!tpu.dma_semaphore, #tpu.memory_space<semaphore_mem>>) src(%dma_wait3A_52 : memref<10000x128xf32, #tpu.memory_space<hbm>>) dst(%arg11 : memref<80x128xf32, #tpu.memory_space<vmem>>)
      %dma_start3A_53 = arith.constant 0 : i32
      %dma_start3A_54 = arith.constant 0 : i32
      %dma_start3A_55 = tpu.memref_slice %arg14[%dma_start3A_53, %dma_start3A_54] : memref<10240x128xf32, #tpu.memory_space<vmem_shared>> -> memref<10240x128xf32, #tpu.memory_space<vmem_shared>>
      tpu.enqueue_indirect_dma source(%arg11 : memref<80x128xf32, #tpu.memory_space<vmem>>) target(%dma_start3A_55 : memref<10240x128xf32, #tpu.memory_space<vmem_shared>>) offsets(%arg8 : memref<80xi32, #tpu.memory_space<vmem>>) semaphore(%arg21 : memref<!tpu.dma_semaphore, #tpu.memory_space<semaphore_mem>>) {add = true}
      %dma_wait3A_56 = tpu.memref_slice %arg4[%multiple_of3A] : memref<322560xi32, #tpu.memory_space<hbm>> -> memref<80xi32, #tpu.memory_space<hbm>>
      %dma_wait3A_57 = tpu.memref_slice %arg4[%multiple_of3A] : memref<322560xi32, #tpu.memory_space<hbm>> -> memref<80xi32, #tpu.memory_space<hbm>>
      tpu.wait_dma2 semaphore(%arg19 : memref<!tpu.dma_semaphore, #tpu.memory_space<semaphore_mem>>) src(%dma_wait3A_57 : memref<80xi32, #tpu.memory_space<hbm>>) dst(%arg9 : memref<80xi32, #tpu.memory_space<vmem>>)
      %dma_wait3A_58 = arith.constant 0 : i32
      %dma_wait3A_59 = tpu.memref_slice %arg7[%dma_wait3A_58] : memref<17760xi32, #tpu.memory_space<vmem>> -> memref<80xi32, #tpu.memory_space<vmem>>
      %dma_wait3A_60 = arith.constant 0 : i32
      %dma_wait3A_61 = arith.constant 0 : i32
      %dma_wait3A_62 = tpu.memref_slice %arg2[%dma_wait3A_60, %dma_wait3A_61] : memref<10000x128xf32, #tpu.memory_space<hbm>> -> memref<10000x128xf32, #tpu.memory_space<hbm>>
      tpu.wait_indirect_dma semaphore(%arg16 : memref<!tpu.dma_semaphore, #tpu.memory_space<semaphore_mem>>) src(%dma_wait3A_62 : memref<10000x128xf32, #tpu.memory_space<hbm>>) dst(%arg12 : memref<80x128xf32, #tpu.memory_space<vmem>>)
      %dma_start3A_63 = arith.constant 0 : i32
      %dma_start3A_64 = arith.constant 0 : i32
      %dma_start3A_65 = tpu.memref_slice %arg14[%dma_start3A_63, %dma_start3A_64] : memref<10240x128xf32, #tpu.memory_space<vmem_shared>> -> memref<10240x128xf32, #tpu.memory_space<vmem_shared>>
      tpu.enqueue_indirect_dma source(%arg12 : memref<80x128xf32, #tpu.memory_space<vmem>>) target(%dma_start3A_65 : memref<10240x128xf32, #tpu.memory_space<vmem_shared>>) offsets(%arg9 : memref<80xi32, #tpu.memory_space<vmem>>) semaphore(%arg22 : memref<!tpu.dma_semaphore, #tpu.memory_space<semaphore_mem>>) {add = true}
      %dma_wait3A_66 = tpu.memref_slice %arg4[%multiple_of3A] : memref<322560xi32, #tpu.memory_space<hbm>> -> memref<80xi32, #tpu.memory_space<hbm>>
      %dma_wait3A_67 = tpu.memref_slice %arg4[%multiple_of3A] : memref<322560xi32, #tpu.memory_space<hbm>> -> memref<80xi32, #tpu.memory_space<hbm>>
      tpu.wait_dma2 semaphore(%arg20 : memref<!tpu.dma_semaphore, #tpu.memory_space<semaphore_mem>>) src(%dma_wait3A_67 : memref<80xi32, #tpu.memory_space<hbm>>) dst(%arg10 : memref<80xi32, #tpu.memory_space<vmem>>)
      %dma_wait3A_68 = arith.constant 0 : i32
      %dma_wait3A_69 = tpu.memref_slice %arg7[%dma_wait3A_68] : memref<17760xi32, #tpu.memory_space<vmem>> -> memref<80xi32, #tpu.memory_space<vmem>>
      %dma_wait3A_70 = arith.constant 0 : i32
      %dma_wait3A_71 = arith.constant 0 : i32
      %dma_wait3A_72 = tpu.memref_slice %arg2[%dma_wait3A_70, %dma_wait3A_71] : memref<10000x128xf32, #tpu.memory_space<hbm>> -> memref<10000x128xf32, #tpu.memory_space<hbm>>
      tpu.wait_indirect_dma semaphore(%arg17 : memref<!tpu.dma_semaphore, #tpu.memory_space<semaphore_mem>>) src(%dma_wait3A_72 : memref<10000x128xf32, #tpu.memory_space<hbm>>) dst(%arg13 : memref<80x128xf32, #tpu.memory_space<vmem>>)
      %dma_start3A_73 = arith.constant 0 : i32
      %dma_start3A_74 = arith.constant 0 : i32
      %dma_start3A_75 = tpu.memref_slice %arg14[%dma_start3A_73, %dma_start3A_74] : memref<10240x128xf32, #tpu.memory_space<vmem_shared>> -> memref<10240x128xf32, #tpu.memory_space<vmem_shared>>
      tpu.enqueue_indirect_dma source(%arg13 : memref<80x128xf32, #tpu.memory_space<vmem>>) target(%dma_start3A_75 : memref<10240x128xf32, #tpu.memory_space<vmem_shared>>) offsets(%arg10 : memref<80xi32, #tpu.memory_space<vmem>>) semaphore(%arg23 : memref<!tpu.dma_semaphore, #tpu.memory_space<semaphore_mem>>) {add = true}
      %dma_wait3A_76 = arith.constant 0 : i32
      %dma_wait3A_77 = arith.constant 0 : i32
      %dma_wait3A_78 = tpu.memref_slice %arg14[%dma_wait3A_76, %dma_wait3A_77] : memref<10240x128xf32, #tpu.memory_space<vmem_shared>> -> memref<10240x128xf32, #tpu.memory_space<vmem_shared>>
      tpu.wait_indirect_dma semaphore(%arg21 : memref<!tpu.dma_semaphore, #tpu.memory_space<semaphore_mem>>) src(%arg11 : memref<80x128xf32, #tpu.memory_space<vmem>>) dst(%dma_wait3A_78 : memref<10240x128xf32, #tpu.memory_space<vmem_shared>>)
      %dma_wait3A_79 = arith.constant 0 : i32
      %dma_wait3A_80 = arith.constant 0 : i32
      %dma_wait3A_81 = tpu.memref_slice %arg14[%dma_wait3A_79, %dma_wait3A_80] : memref<10240x128xf32, #tpu.memory_space<vmem_shared>> -> memref<10240x128xf32, #tpu.memory_space<vmem_shared>>
      tpu.wait_indirect_dma semaphore(%arg22 : memref<!tpu.dma_semaphore, #tpu.memory_space<semaphore_mem>>) src(%arg12 : memref<80x128xf32, #tpu.memory_space<vmem>>) dst(%dma_wait3A_81 : memref<10240x128xf32, #tpu.memory_space<vmem_shared>>)
      %dma_wait3A_82 = arith.constant 0 : i32
      %dma_wait3A_83 = arith.constant 0 : i32
      %dma_wait3A_84 = tpu.memref_slice %arg14[%dma_wait3A_82, %dma_wait3A_83] : memref<10240x128xf32, #tpu.memory_space<vmem_shared>> -> memref<10240x128xf32, #tpu.memory_space<vmem_shared>>
      tpu.wait_indirect_dma semaphore(%arg23 : memref<!tpu.dma_semaphore, #tpu.memory_space<semaphore_mem>>) src(%arg13 : memref<80x128xf32, #tpu.memory_space<vmem>>) dst(%dma_wait3A_84 : memref<10240x128xf32, #tpu.memory_space<vmem_shared>>)
    } else {
    }
    %barrier3A_8 = arith.constant 0 : index
    tpu.barrier barrier_id(%barrier3A_8)
    %mul3A_9 = arith.constant 640 : i32
    %mul3A_10 = arith.muli %arg1, %mul3A_9 : i32
    %mul3A_11 = arith.constant 640 : i32
    %mul3A_12 = arith.muli %arg1, %mul3A_11 : i32
    "tpu.region"() ({
      %run_scoped3A = tpu.sem_alloc : memref<!tpu.dma_semaphore, #tpu.memory_space<semaphore_mem>>
      %dma_start3A = arith.constant 0 : i32
      %dma_start3A_13 = tpu.memref_slice %arg6[%arg0, %mul3A_12, %dma_start3A] : memref<2x10240x128xf32, #tpu.memory_space<hbm>> -> memref<1x640x128xf32, #tpu.memory_space<hbm>>
      %dma_start3A_14 = tpu.memref_squeeze %dma_start3A_13 : memref<1x640x128xf32, #tpu.memory_space<hbm>> -> memref<640x128xf32, #tpu.memory_space<hbm>>
      %dma_start3A_15 = arith.constant 0 : i32
      %dma_start3A_16 = tpu.memref_slice %arg14[%mul3A_10, %dma_start3A_15] : memref<10240x128xf32, #tpu.memory_space<vmem_shared>> -> memref<640x128xf32, #tpu.memory_space<vmem_shared>>
      tpu.enqueue_dma source(%dma_start3A_16 : memref<640x128xf32, #tpu.memory_space<vmem_shared>>) target(%dma_start3A_14 : memref<640x128xf32, #tpu.memory_space<hbm>>) target_semaphore(%run_scoped3A : memref<!tpu.dma_semaphore, #tpu.memory_space<semaphore_mem>>)
      %dma_wait3A = arith.constant 0 : i32
      %dma_wait3A_17 = tpu.memref_slice %arg6[%arg0, %mul3A_12, %dma_wait3A] : memref<2x10240x128xf32, #tpu.memory_space<hbm>> -> memref<1x640x128xf32, #tpu.memory_space<hbm>>
      %dma_wait3A_18 = tpu.memref_squeeze %dma_wait3A_17 : memref<1x640x128xf32, #tpu.memory_space<hbm>> -> memref<640x128xf32, #tpu.memory_space<hbm>>
      %dma_wait3A_19 = arith.constant 0 : i32
      %dma_wait3A_20 = tpu.memref_slice %arg14[%mul3A_10, %dma_wait3A_19] : memref<10240x128xf32, #tpu.memory_space<vmem_shared>> -> memref<640x128xf32, #tpu.memory_space<vmem_shared>>
      tpu.wait_dma2 semaphore(%run_scoped3A : memref<!tpu.dma_semaphore, #tpu.memory_space<semaphore_mem>>) src(%dma_wait3A_20 : memref<640x128xf32, #tpu.memory_space<vmem_shared>>) dst(%dma_wait3A_18 : memref<640x128xf32, #tpu.memory_space<hbm>>)
      tpu.yield
    }) : () -> ()
    return
  }
}

#map = affine_map<(d0, d1) -> (0, 0)>
#map1 = affine_map<(d0, d1) -> (0)>
#map2 = affine_map<(d0, d1) -> (0, 0, 0)>
module attributes {stable_mosaic.version = 14 : i64} {
  func.func @_spmm_body(%arg0: i32, %arg1: i32, %arg2: memref<10000x128xf32, #tpu.memory_space<hbm>>, %arg3: memref<322560xi32, #tpu.memory_space<hbm>>, %arg4: memref<322560xi32, #tpu.memory_space<hbm>>, %arg5: memref<640x128xf32, #tpu.memory_space<hbm>>, %arg6: memref<2x10240x128xf32, #tpu.memory_space<hbm>>, %arg7: memref<17760xi32, #tpu.memory_space<vmem>>, %arg8: memref<80xi32, #tpu.memory_space<vmem>>, %arg9: memref<80xi32, #tpu.memory_space<vmem>>, %arg10: memref<80xi32, #tpu.memory_space<vmem>>, %arg11: memref<80x128xf32, #tpu.memory_space<vmem>>, %arg12: memref<80x128xf32, #tpu.memory_space<vmem>>, %arg13: memref<80x128xf32, #tpu.memory_space<vmem>>, %arg14: memref<10240x128xf32, #tpu.memory_space<vmem_shared>>, %arg15: memref<!tpu.dma_semaphore, #tpu.memory_space<semaphore_mem>>, %arg16: memref<!tpu.dma_semaphore, #tpu.memory_space<semaphore_mem>>, %arg17: memref<!tpu.dma_semaphore, #tpu.memory_space<semaphore_mem>>, %arg18: memref<!tpu.dma_semaphore, #tpu.memory_space<semaphore_mem>>, %arg19: memref<!tpu.dma_semaphore, #tpu.memory_space<semaphore_mem>>, %arg20: memref<!tpu.dma_semaphore, #tpu.memory_space<semaphore_mem>>, %arg21: memref<!tpu.dma_semaphore, #tpu.memory_space<semaphore_mem>>, %arg22: memref<!tpu.dma_semaphore, #tpu.memory_space<semaphore_mem>>, %arg23: memref<!tpu.dma_semaphore, #tpu.memory_space<semaphore_mem>>) attributes {dimension_semantics = [#tpu.dimension_semantics<core_parallel>, #tpu.dimension_semantics<subcore_parallel>], iteration_bounds = array<i64: 2, 16>, scalar_prefetch = 0 : i64, scratch_operands = 17 : i64, tpu.core_type = #tpu.core_type<sc_vector_subcore>, window_params = [{transform_indices = #map}, {transform_indices = #map1}, {transform_indices = #map1}, {transform_indices = #map}, {transform_indices = #map2}]} {
    %mul3A = arith.constant 640 : i32
    %mul3A_0 = arith.muli %arg1, %mul3A : i32
    "tpu.region"() ({
      %run_scoped3A = tpu.sem_alloc : memref<!tpu.dma_semaphore, #tpu.memory_space<semaphore_mem>>
      %dma_start3A = arith.constant 0 : i32
      %dma_start3A_13 = tpu.memref_slice %arg14[%mul3A_0, %dma_start3A] : memref<10240x128xf32, #tpu.memory_space<vmem_shared>> -> memref<640x128xf32, #tpu.memory_space<vmem_shared>>
      tpu.enqueue_dma source(%arg5 : memref<640x128xf32, #tpu.memory_space<hbm>>) target(%dma_start3A_13 : memref<640x128xf32, #tpu.memory_space<vmem_shared>>) target_semaphore(%run_scoped3A : memref<!tpu.dma_semaphore, #tpu.memory_space<semaphore_mem>>)
      %dma_wait3A = arith.constant 0 : i32
      %dma_wait3A_14 = tpu.memref_slice %arg14[%mul3A_0, %dma_wait3A] : memref<10240x128xf32, #tpu.memory_space<vmem_shared>> -> memref<640x128xf32, #tpu.memory_space<vmem_shared>>
      tpu.wait_dma2 semaphore(%run_scoped3A : memref<!tpu.dma_semaphore, #tpu.memory_space<semaphore_mem>>) src(%arg5 : memref<640x128xf32, #tpu.memory_space<hbm>>) dst(%dma_wait3A_14 : memref<640x128xf32, #tpu.memory_space<vmem_shared>>)
      tpu.yield
    }) : () -> ()
    %barrier3A = arith.constant 0 : index
    tpu.barrier barrier_id(%barrier3A)
    %eq3A = arith.constant 0 : i32
    %eq3A_1 = arith.cmpi eq, %arg0, %eq3A : i32
    %convert_element_type3A = arith.extui %eq3A_1 : i1 to i32
    %cond3A = arith.constant 0 : i32
    %cond3A_2 = arith.cmpi ne, %convert_element_type3A, %cond3A : i32
    scf.if %cond3A_2 {
      %mul3A_13 = arith.constant 17760 : i32
      %mul3A_14 = arith.muli %arg1, %mul3A_13 : i32
      %multiple_of3A = tpu.assume_multiple %mul3A_14, 8 : i32
      "tpu.region"() ({
        %run_scoped3A = tpu.sem_alloc : memref<!tpu.dma_semaphore, #tpu.memory_space<semaphore_mem>>
        %dma_start3A_83 = arith.constant 0 : i32
        %dma_start3A_84 = tpu.memref_slice %arg7[%dma_start3A_83] : memref<17760xi32, #tpu.memory_space<vmem>> -> memref<17760xi32, #tpu.memory_space<vmem>>
        %dma_start3A_85 = tpu.memref_slice %arg3[%multiple_of3A] : memref<322560xi32, #tpu.memory_space<hbm>> -> memref<17760xi32, #tpu.memory_space<hbm>>
        %dma_start3A_86 = arith.constant 0 : i32
        %dma_start3A_87 = tpu.memref_slice %arg7[%dma_start3A_86] : memref<17760xi32, #tpu.memory_space<vmem>> -> memref<17760xi32, #tpu.memory_space<vmem>>
        %dma_start3A_88 = tpu.memref_slice %arg3[%multiple_of3A] : memref<322560xi32, #tpu.memory_space<hbm>> -> memref<17760xi32, #tpu.memory_space<hbm>>
        tpu.enqueue_dma source(%dma_start3A_88 : memref<17760xi32, #tpu.memory_space<hbm>>) target(%dma_start3A_87 : memref<17760xi32, #tpu.memory_space<vmem>>) target_semaphore(%run_scoped3A : memref<!tpu.dma_semaphore, #tpu.memory_space<semaphore_mem>>)
        %dma_wait3A_89 = arith.constant 0 : i32
        %dma_wait3A_90 = tpu.memref_slice %arg7[%dma_wait3A_89] : memref<17760xi32, #tpu.memory_space<vmem>> -> memref<17760xi32, #tpu.memory_space<vmem>>
        %dma_wait3A_91 = tpu.memref_slice %arg3[%multiple_of3A] : memref<322560xi32, #tpu.memory_space<hbm>> -> memref<17760xi32, #tpu.memory_space<hbm>>
        %dma_wait3A_92 = arith.constant 0 : i32
        %dma_wait3A_93 = tpu.memref_slice %arg7[%dma_wait3A_92] : memref<17760xi32, #tpu.memory_space<vmem>> -> memref<17760xi32, #tpu.memory_space<vmem>>
        %dma_wait3A_94 = tpu.memref_slice %arg3[%multiple_of3A] : memref<322560xi32, #tpu.memory_space<hbm>> -> memref<17760xi32, #tpu.memory_space<hbm>>
        tpu.wait_dma2 semaphore(%run_scoped3A : memref<!tpu.dma_semaphore, #tpu.memory_space<semaphore_mem>>) src(%dma_wait3A_94 : memref<17760xi32, #tpu.memory_space<hbm>>) dst(%dma_wait3A_93 : memref<17760xi32, #tpu.memory_space<vmem>>)
        tpu.yield
      }) : () -> ()
      %multiple_of3A_15 = arith.constant 0 : i32
      %multiple_of3A_16 = tpu.assume_multiple %multiple_of3A_15, 8 : i32
      %add3A = arith.addi %multiple_of3A, %multiple_of3A_16 : i32
      %dma_start3A = tpu.memref_slice %arg4[%add3A] : memref<322560xi32, #tpu.memory_space<hbm>> -> memref<80xi32, #tpu.memory_space<hbm>>
      %dma_start3A_17 = tpu.memref_slice %arg4[%add3A] : memref<322560xi32, #tpu.memory_space<hbm>> -> memref<80xi32, #tpu.memory_space<hbm>>
      tpu.enqueue_dma source(%dma_start3A_17 : memref<80xi32, #tpu.memory_space<hbm>>) target(%arg8 : memref<80xi32, #tpu.memory_space<vmem>>) target_semaphore(%arg18 : memref<!tpu.dma_semaphore, #tpu.memory_space<semaphore_mem>>)
      %dma_start3A_18 = tpu.memref_slice %arg7[%multiple_of3A_16] : memref<17760xi32, #tpu.memory_space<vmem>> -> memref<80xi32, #tpu.memory_space<vmem>>
      %dma_start3A_19 = arith.constant 0 : i32
      %dma_start3A_20 = arith.constant 0 : i32
      %dma_start3A_21 = tpu.memref_slice %arg2[%dma_start3A_19, %dma_start3A_20] : memref<10000x128xf32, #tpu.memory_space<hbm>> -> memref<10000x128xf32, #tpu.memory_space<hbm>>
      tpu.enqueue_indirect_dma source(%dma_start3A_21 : memref<10000x128xf32, #tpu.memory_space<hbm>>) target(%arg11 : memref<80x128xf32, #tpu.memory_space<vmem>>) offsets(%dma_start3A_18 : memref<80xi32, #tpu.memory_space<vmem>>) semaphore(%arg15 : memref<!tpu.dma_semaphore, #tpu.memory_space<semaphore_mem>>)
      %multiple_of3A_22 = arith.constant 80 : i32
      %multiple_of3A_23 = tpu.assume_multiple %multiple_of3A_22, 8 : i32
      %add3A_24 = arith.addi %multiple_of3A, %multiple_of3A_23 : i32
      %dma_start3A_25 = tpu.memref_slice %arg4[%add3A_24] : memref<322560xi32, #tpu.memory_space<hbm>> -> memref<80xi32, #tpu.memory_space<hbm>>
      %dma_start3A_26 = tpu.memref_slice %arg4[%add3A_24] : memref<322560xi32, #tpu.memory_space<hbm>> -> memref<80xi32, #tpu.memory_space<hbm>>
      tpu.enqueue_dma source(%dma_start3A_26 : memref<80xi32, #tpu.memory_space<hbm>>) target(%arg9 : memref<80xi32, #tpu.memory_space<vmem>>) target_semaphore(%arg19 : memref<!tpu.dma_semaphore, #tpu.memory_space<semaphore_mem>>)
      %dma_start3A_27 = tpu.memref_slice %arg7[%multiple_of3A_23] : memref<17760xi32, #tpu.memory_space<vmem>> -> memref<80xi32, #tpu.memory_space<vmem>>
      %dma_start3A_28 = arith.constant 0 : i32
      %dma_start3A_29 = arith.constant 0 : i32
      %dma_start3A_30 = tpu.memref_slice %arg2[%dma_start3A_28, %dma_start3A_29] : memref<10000x128xf32, #tpu.memory_space<hbm>> -> memref<10000x128xf32, #tpu.memory_space<hbm>>
      tpu.enqueue_indirect_dma source(%dma_start3A_30 : memref<10000x128xf32, #tpu.memory_space<hbm>>) target(%arg12 : memref<80x128xf32, #tpu.memory_space<vmem>>) offsets(%dma_start3A_27 : memref<80xi32, #tpu.memory_space<vmem>>) semaphore(%arg16 : memref<!tpu.dma_semaphore, #tpu.memory_space<semaphore_mem>>)
      %multiple_of3A_31 = arith.constant 160 : i32
      %multiple_of3A_32 = tpu.assume_multiple %multiple_of3A_31, 8 : i32
      %add3A_33 = arith.addi %multiple_of3A, %multiple_of3A_32 : i32
      %dma_start3A_34 = tpu.memref_slice %arg4[%add3A_33] : memref<322560xi32, #tpu.memory_space<hbm>> -> memref<80xi32, #tpu.memory_space<hbm>>
      %dma_start3A_35 = tpu.memref_slice %arg4[%add3A_33] : memref<322560xi32, #tpu.memory_space<hbm>> -> memref<80xi32, #tpu.memory_space<hbm>>
      tpu.enqueue_dma source(%dma_start3A_35 : memref<80xi32, #tpu.memory_space<hbm>>) target(%arg10 : memref<80xi32, #tpu.memory_space<vmem>>) target_semaphore(%arg20 : memref<!tpu.dma_semaphore, #tpu.memory_space<semaphore_mem>>)
      %dma_start3A_36 = tpu.memref_slice %arg7[%multiple_of3A_32] : memref<17760xi32, #tpu.memory_space<vmem>> -> memref<80xi32, #tpu.memory_space<vmem>>
      %dma_start3A_37 = arith.constant 0 : i32
      %dma_start3A_38 = arith.constant 0 : i32
      %dma_start3A_39 = tpu.memref_slice %arg2[%dma_start3A_37, %dma_start3A_38] : memref<10000x128xf32, #tpu.memory_space<hbm>> -> memref<10000x128xf32, #tpu.memory_space<hbm>>
      tpu.enqueue_indirect_dma source(%dma_start3A_39 : memref<10000x128xf32, #tpu.memory_space<hbm>>) target(%arg13 : memref<80x128xf32, #tpu.memory_space<vmem>>) offsets(%dma_start3A_36 : memref<80xi32, #tpu.memory_space<vmem>>) semaphore(%arg17 : memref<!tpu.dma_semaphore, #tpu.memory_space<semaphore_mem>>)
      %scan3A = arith.constant 0 : i32
      %scan3A_40 = arith.constant 0 : i32
      %scan3A_41 = arith.constant 73 : i32
      %scan3A_42 = arith.addi %scan3A_40, %scan3A_41 : i32
      %scan3A_43 = arith.constant 1 : i32
      scf.for %scan3A_83 = %scan3A_40 to %scan3A_42 step %scan3A_43  : i32 {
        %mul3A_84 = arith.constant 3 : i32
        %mul3A_85 = arith.muli %mul3A_84, %scan3A_83 : i32
        %dma_wait3A_86 = tpu.memref_slice %arg4[%multiple_of3A] : memref<322560xi32, #tpu.memory_space<hbm>> -> memref<80xi32, #tpu.memory_space<hbm>>
        %dma_wait3A_87 = tpu.memref_slice %arg4[%multiple_of3A] : memref<322560xi32, #tpu.memory_space<hbm>> -> memref<80xi32, #tpu.memory_space<hbm>>
        tpu.wait_dma2 semaphore(%arg18 : memref<!tpu.dma_semaphore, #tpu.memory_space<semaphore_mem>>) src(%dma_wait3A_87 : memref<80xi32, #tpu.memory_space<hbm>>) dst(%arg8 : memref<80xi32, #tpu.memory_space<vmem>>)
        %dma_wait3A_88 = arith.constant 0 : i32
        %dma_wait3A_89 = tpu.memref_slice %arg7[%dma_wait3A_88] : memref<17760xi32, #tpu.memory_space<vmem>> -> memref<80xi32, #tpu.memory_space<vmem>>
        %dma_wait3A_90 = arith.constant 0 : i32
        %dma_wait3A_91 = arith.constant 0 : i32
        %dma_wait3A_92 = tpu.memref_slice %arg2[%dma_wait3A_90, %dma_wait3A_91] : memref<10000x128xf32, #tpu.memory_space<hbm>> -> memref<10000x128xf32, #tpu.memory_space<hbm>>
        tpu.wait_indirect_dma semaphore(%arg15 : memref<!tpu.dma_semaphore, #tpu.memory_space<semaphore_mem>>) src(%dma_wait3A_92 : memref<10000x128xf32, #tpu.memory_space<hbm>>) dst(%arg11 : memref<80x128xf32, #tpu.memory_space<vmem>>)
        %dma_start3A_93 = arith.constant 0 : i32
        %dma_start3A_94 = arith.constant 0 : i32
        %dma_start3A_95 = tpu.memref_slice %arg14[%dma_start3A_93, %dma_start3A_94] : memref<10240x128xf32, #tpu.memory_space<vmem_shared>> -> memref<10240x128xf32, #tpu.memory_space<vmem_shared>>
        tpu.enqueue_indirect_dma source(%arg11 : memref<80x128xf32, #tpu.memory_space<vmem>>) target(%dma_start3A_95 : memref<10240x128xf32, #tpu.memory_space<vmem_shared>>) offsets(%arg8 : memref<80xi32, #tpu.memory_space<vmem>>) semaphore(%arg21 : memref<!tpu.dma_semaphore, #tpu.memory_space<semaphore_mem>>) {add = true}
        %dma_wait3A_96 = tpu.memref_slice %arg4[%multiple_of3A] : memref<322560xi32, #tpu.memory_space<hbm>> -> memref<80xi32, #tpu.memory_space<hbm>>
        %dma_wait3A_97 = tpu.memref_slice %arg4[%multiple_of3A] : memref<322560xi32, #tpu.memory_space<hbm>> -> memref<80xi32, #tpu.memory_space<hbm>>
        tpu.wait_dma2 semaphore(%arg19 : memref<!tpu.dma_semaphore, #tpu.memory_space<semaphore_mem>>) src(%dma_wait3A_97 : memref<80xi32, #tpu.memory_space<hbm>>) dst(%arg9 : memref<80xi32, #tpu.memory_space<vmem>>)
        %dma_wait3A_98 = arith.constant 0 : i32
        %dma_wait3A_99 = tpu.memref_slice %arg7[%dma_wait3A_98] : memref<17760xi32, #tpu.memory_space<vmem>> -> memref<80xi32, #tpu.memory_space<vmem>>
        %dma_wait3A_100 = arith.constant 0 : i32
        %dma_wait3A_101 = arith.constant 0 : i32
        %dma_wait3A_102 = tpu.memref_slice %arg2[%dma_wait3A_100, %dma_wait3A_101] : memref<10000x128xf32, #tpu.memory_space<hbm>> -> memref<10000x128xf32, #tpu.memory_space<hbm>>
        tpu.wait_indirect_dma semaphore(%arg16 : memref<!tpu.dma_semaphore, #tpu.memory_space<semaphore_mem>>) src(%dma_wait3A_102 : memref<10000x128xf32, #tpu.memory_space<hbm>>) dst(%arg12 : memref<80x128xf32, #tpu.memory_space<vmem>>)
        %dma_start3A_103 = arith.constant 0 : i32
        %dma_start3A_104 = arith.constant 0 : i32
        %dma_start3A_105 = tpu.memref_slice %arg14[%dma_start3A_103, %dma_start3A_104] : memref<10240x128xf32, #tpu.memory_space<vmem_shared>> -> memref<10240x128xf32, #tpu.memory_space<vmem_shared>>
        tpu.enqueue_indirect_dma source(%arg12 : memref<80x128xf32, #tpu.memory_space<vmem>>) target(%dma_start3A_105 : memref<10240x128xf32, #tpu.memory_space<vmem_shared>>) offsets(%arg9 : memref<80xi32, #tpu.memory_space<vmem>>) semaphore(%arg22 : memref<!tpu.dma_semaphore, #tpu.memory_space<semaphore_mem>>) {add = true}
        %dma_wait3A_106 = tpu.memref_slice %arg4[%multiple_of3A] : memref<322560xi32, #tpu.memory_space<hbm>> -> memref<80xi32, #tpu.memory_space<hbm>>
        %dma_wait3A_107 = tpu.memref_slice %arg4[%multiple_of3A] : memref<322560xi32, #tpu.memory_space<hbm>> -> memref<80xi32, #tpu.memory_space<hbm>>
        tpu.wait_dma2 semaphore(%arg20 : memref<!tpu.dma_semaphore, #tpu.memory_space<semaphore_mem>>) src(%dma_wait3A_107 : memref<80xi32, #tpu.memory_space<hbm>>) dst(%arg10 : memref<80xi32, #tpu.memory_space<vmem>>)
        %dma_wait3A_108 = arith.constant 0 : i32
        %dma_wait3A_109 = tpu.memref_slice %arg7[%dma_wait3A_108] : memref<17760xi32, #tpu.memory_space<vmem>> -> memref<80xi32, #tpu.memory_space<vmem>>
        %dma_wait3A_110 = arith.constant 0 : i32
        %dma_wait3A_111 = arith.constant 0 : i32
        %dma_wait3A_112 = tpu.memref_slice %arg2[%dma_wait3A_110, %dma_wait3A_111] : memref<10000x128xf32, #tpu.memory_space<hbm>> -> memref<10000x128xf32, #tpu.memory_space<hbm>>
        tpu.wait_indirect_dma semaphore(%arg17 : memref<!tpu.dma_semaphore, #tpu.memory_space<semaphore_mem>>) src(%dma_wait3A_112 : memref<10000x128xf32, #tpu.memory_space<hbm>>) dst(%arg13 : memref<80x128xf32, #tpu.memory_space<vmem>>)
        %dma_start3A_113 = arith.constant 0 : i32
        %dma_start3A_114 = arith.constant 0 : i32
        %dma_start3A_115 = tpu.memref_slice %arg14[%dma_start3A_113, %dma_start3A_114] : memref<10240x128xf32, #tpu.memory_space<vmem_shared>> -> memref<10240x128xf32, #tpu.memory_space<vmem_shared>>
        tpu.enqueue_indirect_dma source(%arg13 : memref<80x128xf32, #tpu.memory_space<vmem>>) target(%dma_start3A_115 : memref<10240x128xf32, #tpu.memory_space<vmem_shared>>) offsets(%arg10 : memref<80xi32, #tpu.memory_space<vmem>>) semaphore(%arg23 : memref<!tpu.dma_semaphore, #tpu.memory_space<semaphore_mem>>) {add = true}
        %dma_wait3A_116 = arith.constant 0 : i32
        %dma_wait3A_117 = arith.constant 0 : i32
        %dma_wait3A_118 = tpu.memref_slice %arg14[%dma_wait3A_116, %dma_wait3A_117] : memref<10240x128xf32, #tpu.memory_space<vmem_shared>> -> memref<10240x128xf32, #tpu.memory_space<vmem_shared>>
        tpu.wait_indirect_dma semaphore(%arg21 : memref<!tpu.dma_semaphore, #tpu.memory_space<semaphore_mem>>) src(%arg11 : memref<80x128xf32, #tpu.memory_space<vmem>>) dst(%dma_wait3A_118 : memref<10240x128xf32, #tpu.memory_space<vmem_shared>>)
        %add3A_119 = arith.constant 3 : i32
        %add3A_120 = arith.addi %mul3A_85, %add3A_119 : i32
        %add3A_121 = arith.constant 0 : i32
        %add3A_122 = arith.addi %add3A_120, %add3A_121 : i32
        %mul3A_123 = arith.constant 80 : i32
        %mul3A_124 = arith.muli %add3A_122, %mul3A_123 : i32
        %multiple_of3A_125 = tpu.assume_multiple %mul3A_124, 8 : i32
        %add3A_126 = arith.addi %multiple_of3A, %multiple_of3A_125 : i32
        %dma_start3A_127 = tpu.memref_slice %arg4[%add3A_126] : memref<322560xi32, #tpu.memory_space<hbm>> -> memref<80xi32, #tpu.memory_space<hbm>>
        %dma_start3A_128 = tpu.memref_slice %arg4[%add3A_126] : memref<322560xi32, #tpu.memory_space<hbm>> -> memref<80xi32, #tpu.memory_space<hbm>>
        tpu.enqueue_dma source(%dma_start3A_128 : memref<80xi32, #tpu.memory_space<hbm>>) target(%arg8 : memref<80xi32, #tpu.memory_space<vmem>>) target_semaphore(%arg18 : memref<!tpu.dma_semaphore, #tpu.memory_space<semaphore_mem>>)
        %dma_start3A_129 = tpu.memref_slice %arg7[%multiple_of3A_125] : memref<17760xi32, #tpu.memory_space<vmem>> -> memref<80xi32, #tpu.memory_space<vmem>>
        %dma_start3A_130 = arith.constant 0 : i32
        %dma_start3A_131 = arith.constant 0 : i32
        %dma_start3A_132 = tpu.memref_slice %arg2[%dma_start3A_130, %dma_start3A_131] : memref<10000x128xf32, #tpu.memory_space<hbm>> -> memref<10000x128xf32, #tpu.memory_space<hbm>>
        tpu.enqueue_indirect_dma source(%dma_start3A_132 : memref<10000x128xf32, #tpu.memory_space<hbm>>) target(%arg11 : memref<80x128xf32, #tpu.memory_space<vmem>>) offsets(%dma_start3A_129 : memref<80xi32, #tpu.memory_space<vmem>>) semaphore(%arg15 : memref<!tpu.dma_semaphore, #tpu.memory_space<semaphore_mem>>)
        %dma_wait3A_133 = arith.constant 0 : i32
        %dma_wait3A_134 = arith.constant 0 : i32
        %dma_wait3A_135 = tpu.memref_slice %arg14[%dma_wait3A_133, %dma_wait3A_134] : memref<10240x128xf32, #tpu.memory_space<vmem_shared>> -> memref<10240x128xf32, #tpu.memory_space<vmem_shared>>
        tpu.wait_indirect_dma semaphore(%arg22 : memref<!tpu.dma_semaphore, #tpu.memory_space<semaphore_mem>>) src(%arg12 : memref<80x128xf32, #tpu.memory_space<vmem>>) dst(%dma_wait3A_135 : memref<10240x128xf32, #tpu.memory_space<vmem_shared>>)
        %add3A_136 = arith.constant 3 : i32
        %add3A_137 = arith.addi %mul3A_85, %add3A_136 : i32
        %add3A_138 = arith.constant 1 : i32
        %add3A_139 = arith.addi %add3A_137, %add3A_138 : i32
        %mul3A_140 = arith.constant 80 : i32
        %mul3A_141 = arith.muli %add3A_139, %mul3A_140 : i32
        %multiple_of3A_142 = tpu.assume_multiple %mul3A_141, 8 : i32
        %add3A_143 = arith.addi %multiple_of3A, %multiple_of3A_142 : i32
        %dma_start3A_144 = tpu.memref_slice %arg4[%add3A_143] : memref<322560xi32, #tpu.memory_space<hbm>> -> memref<80xi32, #tpu.memory_space<hbm>>
        %dma_start3A_145 = tpu.memref_slice %arg4[%add3A_143] : memref<322560xi32, #tpu.memory_space<hbm>> -> memref<80xi32, #tpu.memory_space<hbm>>
        tpu.enqueue_dma source(%dma_start3A_145 : memref<80xi32, #tpu.memory_space<hbm>>) target(%arg9 : memref<80xi32, #tpu.memory_space<vmem>>) target_semaphore(%arg19 : memref<!tpu.dma_semaphore, #tpu.memory_space<semaphore_mem>>)
        %dma_start3A_146 = tpu.memref_slice %arg7[%multiple_of3A_142] : memref<17760xi32, #tpu.memory_space<vmem>> -> memref<80xi32, #tpu.memory_space<vmem>>
        %dma_start3A_147 = arith.constant 0 : i32
        %dma_start3A_148 = arith.constant 0 : i32
        %dma_start3A_149 = tpu.memref_slice %arg2[%dma_start3A_147, %dma_start3A_148] : memref<10000x128xf32, #tpu.memory_space<hbm>> -> memref<10000x128xf32, #tpu.memory_space<hbm>>
        tpu.enqueue_indirect_dma source(%dma_start3A_149 : memref<10000x128xf32, #tpu.memory_space<hbm>>) target(%arg12 : memref<80x128xf32, #tpu.memory_space<vmem>>) offsets(%dma_start3A_146 : memref<80xi32, #tpu.memory_space<vmem>>) semaphore(%arg16 : memref<!tpu.dma_semaphore, #tpu.memory_space<semaphore_mem>>)
        %dma_wait3A_150 = arith.constant 0 : i32
        %dma_wait3A_151 = arith.constant 0 : i32
        %dma_wait3A_152 = tpu.memref_slice %arg14[%dma_wait3A_150, %dma_wait3A_151] : memref<10240x128xf32, #tpu.memory_space<vmem_shared>> -> memref<10240x128xf32, #tpu.memory_space<vmem_shared>>
        tpu.wait_indirect_dma semaphore(%arg23 : memref<!tpu.dma_semaphore, #tpu.memory_space<semaphore_mem>>) src(%arg13 : memref<80x128xf32, #tpu.memory_space<vmem>>) dst(%dma_wait3A_152 : memref<10240x128xf32, #tpu.memory_space<vmem_shared>>)
        %add3A_153 = arith.constant 3 : i32
        %add3A_154 = arith.addi %mul3A_85, %add3A_153 : i32
        %add3A_155 = arith.constant 2 : i32
        %add3A_156 = arith.addi %add3A_154, %add3A_155 : i32
        %mul3A_157 = arith.constant 80 : i32
        %mul3A_158 = arith.muli %add3A_156, %mul3A_157 : i32
        %multiple_of3A_159 = tpu.assume_multiple %mul3A_158, 8 : i32
        %add3A_160 = arith.addi %multiple_of3A, %multiple_of3A_159 : i32
        %dma_start3A_161 = tpu.memref_slice %arg4[%add3A_160] : memref<322560xi32, #tpu.memory_space<hbm>> -> memref<80xi32, #tpu.memory_space<hbm>>
        %dma_start3A_162 = tpu.memref_slice %arg4[%add3A_160] : memref<322560xi32, #tpu.memory_space<hbm>> -> memref<80xi32, #tpu.memory_space<hbm>>
        tpu.enqueue_dma source(%dma_start3A_162 : memref<80xi32, #tpu.memory_space<hbm>>) target(%arg10 : memref<80xi32, #tpu.memory_space<vmem>>) target_semaphore(%arg20 : memref<!tpu.dma_semaphore, #tpu.memory_space<semaphore_mem>>)
        %dma_start3A_163 = tpu.memref_slice %arg7[%multiple_of3A_159] : memref<17760xi32, #tpu.memory_space<vmem>> -> memref<80xi32, #tpu.memory_space<vmem>>
        %dma_start3A_164 = arith.constant 0 : i32
        %dma_start3A_165 = arith.constant 0 : i32
        %dma_start3A_166 = tpu.memref_slice %arg2[%dma_start3A_164, %dma_start3A_165] : memref<10000x128xf32, #tpu.memory_space<hbm>> -> memref<10000x128xf32, #tpu.memory_space<hbm>>
        tpu.enqueue_indirect_dma source(%dma_start3A_166 : memref<10000x128xf32, #tpu.memory_space<hbm>>) target(%arg13 : memref<80x128xf32, #tpu.memory_space<vmem>>) offsets(%dma_start3A_163 : memref<80xi32, #tpu.memory_space<vmem>>) semaphore(%arg17 : memref<!tpu.dma_semaphore, #tpu.memory_space<semaphore_mem>>)
      }
      %scan3A_44 = arith.constant 73 : i32
      %dma_wait3A = tpu.memref_slice %arg4[%multiple_of3A] : memref<322560xi32, #tpu.memory_space<hbm>> -> memref<80xi32, #tpu.memory_space<hbm>>
      %dma_wait3A_45 = tpu.memref_slice %arg4[%multiple_of3A] : memref<322560xi32, #tpu.memory_space<hbm>> -> memref<80xi32, #tpu.memory_space<hbm>>
      tpu.wait_dma2 semaphore(%arg18 : memref<!tpu.dma_semaphore, #tpu.memory_space<semaphore_mem>>) src(%dma_wait3A_45 : memref<80xi32, #tpu.memory_space<hbm>>) dst(%arg8 : memref<80xi32, #tpu.memory_space<vmem>>)
      %dma_wait3A_46 = arith.constant 0 : i32
      %dma_wait3A_47 = tpu.memref_slice %arg7[%dma_wait3A_46] : memref<17760xi32, #tpu.memory_space<vmem>> -> memref<80xi32, #tpu.memory_space<vmem>>
      %dma_wait3A_48 = arith.constant 0 : i32
      %dma_wait3A_49 = arith.constant 0 : i32
      %dma_wait3A_50 = tpu.memref_slice %arg2[%dma_wait3A_48, %dma_wait3A_49] : memref<10000x128xf32, #tpu.memory_space<hbm>> -> memref<10000x128xf32, #tpu.memory_space<hbm>>
      tpu.wait_indirect_dma semaphore(%arg15 : memref<!tpu.dma_semaphore, #tpu.memory_space<semaphore_mem>>) src(%dma_wait3A_50 : memref<10000x128xf32, #tpu.memory_space<hbm>>) dst(%arg11 : memref<80x128xf32, #tpu.memory_space<vmem>>)
      %dma_start3A_51 = arith.constant 0 : i32
      %dma_start3A_52 = arith.constant 0 : i32
      %dma_start3A_53 = tpu.memref_slice %arg14[%dma_start3A_51, %dma_start3A_52] : memref<10240x128xf32, #tpu.memory_space<vmem_shared>> -> memref<10240x128xf32, #tpu.memory_space<vmem_shared>>
      tpu.enqueue_indirect_dma source(%arg11 : memref<80x128xf32, #tpu.memory_space<vmem>>) target(%dma_start3A_53 : memref<10240x128xf32, #tpu.memory_space<vmem_shared>>) offsets(%arg8 : memref<80xi32, #tpu.memory_space<vmem>>) semaphore(%arg21 : memref<!tpu.dma_semaphore, #tpu.memory_space<semaphore_mem>>) {add = true}
      %dma_wait3A_54 = tpu.memref_slice %arg4[%multiple_of3A] : memref<322560xi32, #tpu.memory_space<hbm>> -> memref<80xi32, #tpu.memory_space<hbm>>
      %dma_wait3A_55 = tpu.memref_slice %arg4[%multiple_of3A] : memref<322560xi32, #tpu.memory_space<hbm>> -> memref<80xi32, #tpu.memory_space<hbm>>
      tpu.wait_dma2 semaphore(%arg19 : memref<!tpu.dma_semaphore, #tpu.memory_space<semaphore_mem>>) src(%dma_wait3A_55 : memref<80xi32, #tpu.memory_space<hbm>>) dst(%arg9 : memref<80xi32, #tpu.memory_space<vmem>>)
      %dma_wait3A_56 = arith.constant 0 : i32
      %dma_wait3A_57 = tpu.memref_slice %arg7[%dma_wait3A_56] : memref<17760xi32, #tpu.memory_space<vmem>> -> memref<80xi32, #tpu.memory_space<vmem>>
      %dma_wait3A_58 = arith.constant 0 : i32
      %dma_wait3A_59 = arith.constant 0 : i32
      %dma_wait3A_60 = tpu.memref_slice %arg2[%dma_wait3A_58, %dma_wait3A_59] : memref<10000x128xf32, #tpu.memory_space<hbm>> -> memref<10000x128xf32, #tpu.memory_space<hbm>>
      tpu.wait_indirect_dma semaphore(%arg16 : memref<!tpu.dma_semaphore, #tpu.memory_space<semaphore_mem>>) src(%dma_wait3A_60 : memref<10000x128xf32, #tpu.memory_space<hbm>>) dst(%arg12 : memref<80x128xf32, #tpu.memory_space<vmem>>)
      %dma_start3A_61 = arith.constant 0 : i32
      %dma_start3A_62 = arith.constant 0 : i32
      %dma_start3A_63 = tpu.memref_slice %arg14[%dma_start3A_61, %dma_start3A_62] : memref<10240x128xf32, #tpu.memory_space<vmem_shared>> -> memref<10240x128xf32, #tpu.memory_space<vmem_shared>>
      tpu.enqueue_indirect_dma source(%arg12 : memref<80x128xf32, #tpu.memory_space<vmem>>) target(%dma_start3A_63 : memref<10240x128xf32, #tpu.memory_space<vmem_shared>>) offsets(%arg9 : memref<80xi32, #tpu.memory_space<vmem>>) semaphore(%arg22 : memref<!tpu.dma_semaphore, #tpu.memory_space<semaphore_mem>>) {add = true}
      %dma_wait3A_64 = tpu.memref_slice %arg4[%multiple_of3A] : memref<322560xi32, #tpu.memory_space<hbm>> -> memref<80xi32, #tpu.memory_space<hbm>>
      %dma_wait3A_65 = tpu.memref_slice %arg4[%multiple_of3A] : memref<322560xi32, #tpu.memory_space<hbm>> -> memref<80xi32, #tpu.memory_space<hbm>>
      tpu.wait_dma2 semaphore(%arg20 : memref<!tpu.dma_semaphore, #tpu.memory_space<semaphore_mem>>) src(%dma_wait3A_65 : memref<80xi32, #tpu.memory_space<hbm>>) dst(%arg10 : memref<80xi32, #tpu.memory_space<vmem>>)
      %dma_wait3A_66 = arith.constant 0 : i32
      %dma_wait3A_67 = tpu.memref_slice %arg7[%dma_wait3A_66] : memref<17760xi32, #tpu.memory_space<vmem>> -> memref<80xi32, #tpu.memory_space<vmem>>
      %dma_wait3A_68 = arith.constant 0 : i32
      %dma_wait3A_69 = arith.constant 0 : i32
      %dma_wait3A_70 = tpu.memref_slice %arg2[%dma_wait3A_68, %dma_wait3A_69] : memref<10000x128xf32, #tpu.memory_space<hbm>> -> memref<10000x128xf32, #tpu.memory_space<hbm>>
      tpu.wait_indirect_dma semaphore(%arg17 : memref<!tpu.dma_semaphore, #tpu.memory_space<semaphore_mem>>) src(%dma_wait3A_70 : memref<10000x128xf32, #tpu.memory_space<hbm>>) dst(%arg13 : memref<80x128xf32, #tpu.memory_space<vmem>>)
      %dma_start3A_71 = arith.constant 0 : i32
      %dma_start3A_72 = arith.constant 0 : i32
      %dma_start3A_73 = tpu.memref_slice %arg14[%dma_start3A_71, %dma_start3A_72] : memref<10240x128xf32, #tpu.memory_space<vmem_shared>> -> memref<10240x128xf32, #tpu.memory_space<vmem_shared>>
      tpu.enqueue_indirect_dma source(%arg13 : memref<80x128xf32, #tpu.memory_space<vmem>>) target(%dma_start3A_73 : memref<10240x128xf32, #tpu.memory_space<vmem_shared>>) offsets(%arg10 : memref<80xi32, #tpu.memory_space<vmem>>) semaphore(%arg23 : memref<!tpu.dma_semaphore, #tpu.memory_space<semaphore_mem>>) {add = true}
      %dma_wait3A_74 = arith.constant 0 : i32
      %dma_wait3A_75 = arith.constant 0 : i32
      %dma_wait3A_76 = tpu.memref_slice %arg14[%dma_wait3A_74, %dma_wait3A_75] : memref<10240x128xf32, #tpu.memory_space<vmem_shared>> -> memref<10240x128xf32, #tpu.memory_space<vmem_shared>>
      tpu.wait_indirect_dma semaphore(%arg21 : memref<!tpu.dma_semaphore, #tpu.memory_space<semaphore_mem>>) src(%arg11 : memref<80x128xf32, #tpu.memory_space<vmem>>) dst(%dma_wait3A_76 : memref<10240x128xf32, #tpu.memory_space<vmem_shared>>)
      %dma_wait3A_77 = arith.constant 0 : i32
      %dma_wait3A_78 = arith.constant 0 : i32
      %dma_wait3A_79 = tpu.memref_slice %arg14[%dma_wait3A_77, %dma_wait3A_78] : memref<10240x128xf32, #tpu.memory_space<vmem_shared>> -> memref<10240x128xf32, #tpu.memory_space<vmem_shared>>
      tpu.wait_indirect_dma semaphore(%arg22 : memref<!tpu.dma_semaphore, #tpu.memory_space<semaphore_mem>>) src(%arg12 : memref<80x128xf32, #tpu.memory_space<vmem>>) dst(%dma_wait3A_79 : memref<10240x128xf32, #tpu.memory_space<vmem_shared>>)
      %dma_wait3A_80 = arith.constant 0 : i32
      %dma_wait3A_81 = arith.constant 0 : i32
      %dma_wait3A_82 = tpu.memref_slice %arg14[%dma_wait3A_80, %dma_wait3A_81] : memref<10240x128xf32, #tpu.memory_space<vmem_shared>> -> memref<10240x128xf32, #tpu.memory_space<vmem_shared>>
      tpu.wait_indirect_dma semaphore(%arg23 : memref<!tpu.dma_semaphore, #tpu.memory_space<semaphore_mem>>) src(%arg13 : memref<80x128xf32, #tpu.memory_space<vmem>>) dst(%dma_wait3A_82 : memref<10240x128xf32, #tpu.memory_space<vmem_shared>>)
    } else {
    }
    %eq3A_3 = arith.constant 1 : i32
    %eq3A_4 = arith.cmpi eq, %arg0, %eq3A_3 : i32
    %convert_element_type3A_5 = arith.extui %eq3A_4 : i1 to i32
    %cond3A_6 = arith.constant 0 : i32
    %cond3A_7 = arith.cmpi ne, %convert_element_type3A_5, %cond3A_6 : i32
    scf.if %cond3A_7 {
      %mul3A_13 = arith.constant 2400 : i32
      %mul3A_14 = arith.muli %arg1, %mul3A_13 : i32
      %add3A = arith.constant 284160 : i32
      %add3A_15 = arith.addi %add3A, %mul3A_14 : i32
      %multiple_of3A = tpu.assume_multiple %add3A_15, 8 : i32
      "tpu.region"() ({
        %run_scoped3A = tpu.sem_alloc : memref<!tpu.dma_semaphore, #tpu.memory_space<semaphore_mem>>
        %dma_start3A_85 = arith.constant 0 : i32
        %dma_start3A_86 = tpu.memref_slice %arg7[%dma_start3A_85] : memref<17760xi32, #tpu.memory_space<vmem>> -> memref<2400xi32, #tpu.memory_space<vmem>>
        %dma_start3A_87 = tpu.memref_slice %arg3[%multiple_of3A] : memref<322560xi32, #tpu.memory_space<hbm>> -> memref<2400xi32, #tpu.memory_space<hbm>>
        %dma_start3A_88 = arith.constant 0 : i32
        %dma_start3A_89 = tpu.memref_slice %arg7[%dma_start3A_88] : memref<17760xi32, #tpu.memory_space<vmem>> -> memref<2400xi32, #tpu.memory_space<vmem>>
        %dma_start3A_90 = tpu.memref_slice %arg3[%multiple_of3A] : memref<322560xi32, #tpu.memory_space<hbm>> -> memref<2400xi32, #tpu.memory_space<hbm>>
        tpu.enqueue_dma source(%dma_start3A_90 : memref<2400xi32, #tpu.memory_space<hbm>>) target(%dma_start3A_89 : memref<2400xi32, #tpu.memory_space<vmem>>) target_semaphore(%run_scoped3A : memref<!tpu.dma_semaphore, #tpu.memory_space<semaphore_mem>>)
        %dma_wait3A_91 = arith.constant 0 : i32
        %dma_wait3A_92 = tpu.memref_slice %arg7[%dma_wait3A_91] : memref<17760xi32, #tpu.memory_space<vmem>> -> memref<2400xi32, #tpu.memory_space<vmem>>
        %dma_wait3A_93 = tpu.memref_slice %arg3[%multiple_of3A] : memref<322560xi32, #tpu.memory_space<hbm>> -> memref<2400xi32, #tpu.memory_space<hbm>>
        %dma_wait3A_94 = arith.constant 0 : i32
        %dma_wait3A_95 = tpu.memref_slice %arg7[%dma_wait3A_94] : memref<17760xi32, #tpu.memory_space<vmem>> -> memref<2400xi32, #tpu.memory_space<vmem>>
        %dma_wait3A_96 = tpu.memref_slice %arg3[%multiple_of3A] : memref<322560xi32, #tpu.memory_space<hbm>> -> memref<2400xi32, #tpu.memory_space<hbm>>
        tpu.wait_dma2 semaphore(%run_scoped3A : memref<!tpu.dma_semaphore, #tpu.memory_space<semaphore_mem>>) src(%dma_wait3A_96 : memref<2400xi32, #tpu.memory_space<hbm>>) dst(%dma_wait3A_95 : memref<2400xi32, #tpu.memory_space<vmem>>)
        tpu.yield
      }) : () -> ()
      %multiple_of3A_16 = arith.constant 0 : i32
      %multiple_of3A_17 = tpu.assume_multiple %multiple_of3A_16, 8 : i32
      %add3A_18 = arith.addi %multiple_of3A, %multiple_of3A_17 : i32
      %dma_start3A = tpu.memref_slice %arg4[%add3A_18] : memref<322560xi32, #tpu.memory_space<hbm>> -> memref<80xi32, #tpu.memory_space<hbm>>
      %dma_start3A_19 = tpu.memref_slice %arg4[%add3A_18] : memref<322560xi32, #tpu.memory_space<hbm>> -> memref<80xi32, #tpu.memory_space<hbm>>
      tpu.enqueue_dma source(%dma_start3A_19 : memref<80xi32, #tpu.memory_space<hbm>>) target(%arg8 : memref<80xi32, #tpu.memory_space<vmem>>) target_semaphore(%arg18 : memref<!tpu.dma_semaphore, #tpu.memory_space<semaphore_mem>>)
      %dma_start3A_20 = tpu.memref_slice %arg7[%multiple_of3A_17] : memref<17760xi32, #tpu.memory_space<vmem>> -> memref<80xi32, #tpu.memory_space<vmem>>
      %dma_start3A_21 = arith.constant 0 : i32
      %dma_start3A_22 = arith.constant 0 : i32
      %dma_start3A_23 = tpu.memref_slice %arg2[%dma_start3A_21, %dma_start3A_22] : memref<10000x128xf32, #tpu.memory_space<hbm>> -> memref<10000x128xf32, #tpu.memory_space<hbm>>
      tpu.enqueue_indirect_dma source(%dma_start3A_23 : memref<10000x128xf32, #tpu.memory_space<hbm>>) target(%arg11 : memref<80x128xf32, #tpu.memory_space<vmem>>) offsets(%dma_start3A_20 : memref<80xi32, #tpu.memory_space<vmem>>) semaphore(%arg15 : memref<!tpu.dma_semaphore, #tpu.memory_space<semaphore_mem>>)
      %multiple_of3A_24 = arith.constant 80 : i32
      %multiple_of3A_25 = tpu.assume_multiple %multiple_of3A_24, 8 : i32
      %add3A_26 = arith.addi %multiple_of3A, %multiple_of3A_25 : i32
      %dma_start3A_27 = tpu.memref_slice %arg4[%add3A_26] : memref<322560xi32, #tpu.memory_space<hbm>> -> memref<80xi32, #tpu.memory_space<hbm>>
      %dma_start3A_28 = tpu.memref_slice %arg4[%add3A_26] : memref<322560xi32, #tpu.memory_space<hbm>> -> memref<80xi32, #tpu.memory_space<hbm>>
      tpu.enqueue_dma source(%dma_start3A_28 : memref<80xi32, #tpu.memory_space<hbm>>) target(%arg9 : memref<80xi32, #tpu.memory_space<vmem>>) target_semaphore(%arg19 : memref<!tpu.dma_semaphore, #tpu.memory_space<semaphore_mem>>)
      %dma_start3A_29 = tpu.memref_slice %arg7[%multiple_of3A_25] : memref<17760xi32, #tpu.memory_space<vmem>> -> memref<80xi32, #tpu.memory_space<vmem>>
      %dma_start3A_30 = arith.constant 0 : i32
      %dma_start3A_31 = arith.constant 0 : i32
      %dma_start3A_32 = tpu.memref_slice %arg2[%dma_start3A_30, %dma_start3A_31] : memref<10000x128xf32, #tpu.memory_space<hbm>> -> memref<10000x128xf32, #tpu.memory_space<hbm>>
      tpu.enqueue_indirect_dma source(%dma_start3A_32 : memref<10000x128xf32, #tpu.memory_space<hbm>>) target(%arg12 : memref<80x128xf32, #tpu.memory_space<vmem>>) offsets(%dma_start3A_29 : memref<80xi32, #tpu.memory_space<vmem>>) semaphore(%arg16 : memref<!tpu.dma_semaphore, #tpu.memory_space<semaphore_mem>>)
      %multiple_of3A_33 = arith.constant 160 : i32
      %multiple_of3A_34 = tpu.assume_multiple %multiple_of3A_33, 8 : i32
      %add3A_35 = arith.addi %multiple_of3A, %multiple_of3A_34 : i32
      %dma_start3A_36 = tpu.memref_slice %arg4[%add3A_35] : memref<322560xi32, #tpu.memory_space<hbm>> -> memref<80xi32, #tpu.memory_space<hbm>>
      %dma_start3A_37 = tpu.memref_slice %arg4[%add3A_35] : memref<322560xi32, #tpu.memory_space<hbm>> -> memref<80xi32, #tpu.memory_space<hbm>>
      tpu.enqueue_dma source(%dma_start3A_37 : memref<80xi32, #tpu.memory_space<hbm>>) target(%arg10 : memref<80xi32, #tpu.memory_space<vmem>>) target_semaphore(%arg20 : memref<!tpu.dma_semaphore, #tpu.memory_space<semaphore_mem>>)
      %dma_start3A_38 = tpu.memref_slice %arg7[%multiple_of3A_34] : memref<17760xi32, #tpu.memory_space<vmem>> -> memref<80xi32, #tpu.memory_space<vmem>>
      %dma_start3A_39 = arith.constant 0 : i32
      %dma_start3A_40 = arith.constant 0 : i32
      %dma_start3A_41 = tpu.memref_slice %arg2[%dma_start3A_39, %dma_start3A_40] : memref<10000x128xf32, #tpu.memory_space<hbm>> -> memref<10000x128xf32, #tpu.memory_space<hbm>>
      tpu.enqueue_indirect_dma source(%dma_start3A_41 : memref<10000x128xf32, #tpu.memory_space<hbm>>) target(%arg13 : memref<80x128xf32, #tpu.memory_space<vmem>>) offsets(%dma_start3A_38 : memref<80xi32, #tpu.memory_space<vmem>>) semaphore(%arg17 : memref<!tpu.dma_semaphore, #tpu.memory_space<semaphore_mem>>)
      %scan3A = arith.constant 0 : i32
      %scan3A_42 = arith.constant 0 : i32
      %scan3A_43 = arith.constant 9 : i32
      %scan3A_44 = arith.addi %scan3A_42, %scan3A_43 : i32
      %scan3A_45 = arith.constant 1 : i32
      scf.for %scan3A_85 = %scan3A_42 to %scan3A_44 step %scan3A_45  : i32 {
        %mul3A_86 = arith.constant 3 : i32
        %mul3A_87 = arith.muli %mul3A_86, %scan3A_85 : i32
        %dma_wait3A_88 = tpu.memref_slice %arg4[%multiple_of3A] : memref<322560xi32, #tpu.memory_space<hbm>> -> memref<80xi32, #tpu.memory_space<hbm>>
        %dma_wait3A_89 = tpu.memref_slice %arg4[%multiple_of3A] : memref<322560xi32, #tpu.memory_space<hbm>> -> memref<80xi32, #tpu.memory_space<hbm>>
        tpu.wait_dma2 semaphore(%arg18 : memref<!tpu.dma_semaphore, #tpu.memory_space<semaphore_mem>>) src(%dma_wait3A_89 : memref<80xi32, #tpu.memory_space<hbm>>) dst(%arg8 : memref<80xi32, #tpu.memory_space<vmem>>)
        %dma_wait3A_90 = arith.constant 0 : i32
        %dma_wait3A_91 = tpu.memref_slice %arg7[%dma_wait3A_90] : memref<17760xi32, #tpu.memory_space<vmem>> -> memref<80xi32, #tpu.memory_space<vmem>>
        %dma_wait3A_92 = arith.constant 0 : i32
        %dma_wait3A_93 = arith.constant 0 : i32
        %dma_wait3A_94 = tpu.memref_slice %arg2[%dma_wait3A_92, %dma_wait3A_93] : memref<10000x128xf32, #tpu.memory_space<hbm>> -> memref<10000x128xf32, #tpu.memory_space<hbm>>
        tpu.wait_indirect_dma semaphore(%arg15 : memref<!tpu.dma_semaphore, #tpu.memory_space<semaphore_mem>>) src(%dma_wait3A_94 : memref<10000x128xf32, #tpu.memory_space<hbm>>) dst(%arg11 : memref<80x128xf32, #tpu.memory_space<vmem>>)
        %dma_start3A_95 = arith.constant 0 : i32
        %dma_start3A_96 = arith.constant 0 : i32
        %dma_start3A_97 = tpu.memref_slice %arg14[%dma_start3A_95, %dma_start3A_96] : memref<10240x128xf32, #tpu.memory_space<vmem_shared>> -> memref<10240x128xf32, #tpu.memory_space<vmem_shared>>
        tpu.enqueue_indirect_dma source(%arg11 : memref<80x128xf32, #tpu.memory_space<vmem>>) target(%dma_start3A_97 : memref<10240x128xf32, #tpu.memory_space<vmem_shared>>) offsets(%arg8 : memref<80xi32, #tpu.memory_space<vmem>>) semaphore(%arg21 : memref<!tpu.dma_semaphore, #tpu.memory_space<semaphore_mem>>) {add = true}
        %dma_wait3A_98 = tpu.memref_slice %arg4[%multiple_of3A] : memref<322560xi32, #tpu.memory_space<hbm>> -> memref<80xi32, #tpu.memory_space<hbm>>
        %dma_wait3A_99 = tpu.memref_slice %arg4[%multiple_of3A] : memref<322560xi32, #tpu.memory_space<hbm>> -> memref<80xi32, #tpu.memory_space<hbm>>
        tpu.wait_dma2 semaphore(%arg19 : memref<!tpu.dma_semaphore, #tpu.memory_space<semaphore_mem>>) src(%dma_wait3A_99 : memref<80xi32, #tpu.memory_space<hbm>>) dst(%arg9 : memref<80xi32, #tpu.memory_space<vmem>>)
        %dma_wait3A_100 = arith.constant 0 : i32
        %dma_wait3A_101 = tpu.memref_slice %arg7[%dma_wait3A_100] : memref<17760xi32, #tpu.memory_space<vmem>> -> memref<80xi32, #tpu.memory_space<vmem>>
        %dma_wait3A_102 = arith.constant 0 : i32
        %dma_wait3A_103 = arith.constant 0 : i32
        %dma_wait3A_104 = tpu.memref_slice %arg2[%dma_wait3A_102, %dma_wait3A_103] : memref<10000x128xf32, #tpu.memory_space<hbm>> -> memref<10000x128xf32, #tpu.memory_space<hbm>>
        tpu.wait_indirect_dma semaphore(%arg16 : memref<!tpu.dma_semaphore, #tpu.memory_space<semaphore_mem>>) src(%dma_wait3A_104 : memref<10000x128xf32, #tpu.memory_space<hbm>>) dst(%arg12 : memref<80x128xf32, #tpu.memory_space<vmem>>)
        %dma_start3A_105 = arith.constant 0 : i32
        %dma_start3A_106 = arith.constant 0 : i32
        %dma_start3A_107 = tpu.memref_slice %arg14[%dma_start3A_105, %dma_start3A_106] : memref<10240x128xf32, #tpu.memory_space<vmem_shared>> -> memref<10240x128xf32, #tpu.memory_space<vmem_shared>>
        tpu.enqueue_indirect_dma source(%arg12 : memref<80x128xf32, #tpu.memory_space<vmem>>) target(%dma_start3A_107 : memref<10240x128xf32, #tpu.memory_space<vmem_shared>>) offsets(%arg9 : memref<80xi32, #tpu.memory_space<vmem>>) semaphore(%arg22 : memref<!tpu.dma_semaphore, #tpu.memory_space<semaphore_mem>>) {add = true}
        %dma_wait3A_108 = tpu.memref_slice %arg4[%multiple_of3A] : memref<322560xi32, #tpu.memory_space<hbm>> -> memref<80xi32, #tpu.memory_space<hbm>>
        %dma_wait3A_109 = tpu.memref_slice %arg4[%multiple_of3A] : memref<322560xi32, #tpu.memory_space<hbm>> -> memref<80xi32, #tpu.memory_space<hbm>>
        tpu.wait_dma2 semaphore(%arg20 : memref<!tpu.dma_semaphore, #tpu.memory_space<semaphore_mem>>) src(%dma_wait3A_109 : memref<80xi32, #tpu.memory_space<hbm>>) dst(%arg10 : memref<80xi32, #tpu.memory_space<vmem>>)
        %dma_wait3A_110 = arith.constant 0 : i32
        %dma_wait3A_111 = tpu.memref_slice %arg7[%dma_wait3A_110] : memref<17760xi32, #tpu.memory_space<vmem>> -> memref<80xi32, #tpu.memory_space<vmem>>
        %dma_wait3A_112 = arith.constant 0 : i32
        %dma_wait3A_113 = arith.constant 0 : i32
        %dma_wait3A_114 = tpu.memref_slice %arg2[%dma_wait3A_112, %dma_wait3A_113] : memref<10000x128xf32, #tpu.memory_space<hbm>> -> memref<10000x128xf32, #tpu.memory_space<hbm>>
        tpu.wait_indirect_dma semaphore(%arg17 : memref<!tpu.dma_semaphore, #tpu.memory_space<semaphore_mem>>) src(%dma_wait3A_114 : memref<10000x128xf32, #tpu.memory_space<hbm>>) dst(%arg13 : memref<80x128xf32, #tpu.memory_space<vmem>>)
        %dma_start3A_115 = arith.constant 0 : i32
        %dma_start3A_116 = arith.constant 0 : i32
        %dma_start3A_117 = tpu.memref_slice %arg14[%dma_start3A_115, %dma_start3A_116] : memref<10240x128xf32, #tpu.memory_space<vmem_shared>> -> memref<10240x128xf32, #tpu.memory_space<vmem_shared>>
        tpu.enqueue_indirect_dma source(%arg13 : memref<80x128xf32, #tpu.memory_space<vmem>>) target(%dma_start3A_117 : memref<10240x128xf32, #tpu.memory_space<vmem_shared>>) offsets(%arg10 : memref<80xi32, #tpu.memory_space<vmem>>) semaphore(%arg23 : memref<!tpu.dma_semaphore, #tpu.memory_space<semaphore_mem>>) {add = true}
        %dma_wait3A_118 = arith.constant 0 : i32
        %dma_wait3A_119 = arith.constant 0 : i32
        %dma_wait3A_120 = tpu.memref_slice %arg14[%dma_wait3A_118, %dma_wait3A_119] : memref<10240x128xf32, #tpu.memory_space<vmem_shared>> -> memref<10240x128xf32, #tpu.memory_space<vmem_shared>>
        tpu.wait_indirect_dma semaphore(%arg21 : memref<!tpu.dma_semaphore, #tpu.memory_space<semaphore_mem>>) src(%arg11 : memref<80x128xf32, #tpu.memory_space<vmem>>) dst(%dma_wait3A_120 : memref<10240x128xf32, #tpu.memory_space<vmem_shared>>)
        %add3A_121 = arith.constant 3 : i32
        %add3A_122 = arith.addi %mul3A_87, %add3A_121 : i32
        %add3A_123 = arith.constant 0 : i32
        %add3A_124 = arith.addi %add3A_122, %add3A_123 : i32
        %mul3A_125 = arith.constant 80 : i32
        %mul3A_126 = arith.muli %add3A_124, %mul3A_125 : i32
        %multiple_of3A_127 = tpu.assume_multiple %mul3A_126, 8 : i32
        %add3A_128 = arith.addi %multiple_of3A, %multiple_of3A_127 : i32
        %dma_start3A_129 = tpu.memref_slice %arg4[%add3A_128] : memref<322560xi32, #tpu.memory_space<hbm>> -> memref<80xi32, #tpu.memory_space<hbm>>
        %dma_start3A_130 = tpu.memref_slice %arg4[%add3A_128] : memref<322560xi32, #tpu.memory_space<hbm>> -> memref<80xi32, #tpu.memory_space<hbm>>
        tpu.enqueue_dma source(%dma_start3A_130 : memref<80xi32, #tpu.memory_space<hbm>>) target(%arg8 : memref<80xi32, #tpu.memory_space<vmem>>) target_semaphore(%arg18 : memref<!tpu.dma_semaphore, #tpu.memory_space<semaphore_mem>>)
        %dma_start3A_131 = tpu.memref_slice %arg7[%multiple_of3A_127] : memref<17760xi32, #tpu.memory_space<vmem>> -> memref<80xi32, #tpu.memory_space<vmem>>
        %dma_start3A_132 = arith.constant 0 : i32
        %dma_start3A_133 = arith.constant 0 : i32
        %dma_start3A_134 = tpu.memref_slice %arg2[%dma_start3A_132, %dma_start3A_133] : memref<10000x128xf32, #tpu.memory_space<hbm>> -> memref<10000x128xf32, #tpu.memory_space<hbm>>
        tpu.enqueue_indirect_dma source(%dma_start3A_134 : memref<10000x128xf32, #tpu.memory_space<hbm>>) target(%arg11 : memref<80x128xf32, #tpu.memory_space<vmem>>) offsets(%dma_start3A_131 : memref<80xi32, #tpu.memory_space<vmem>>) semaphore(%arg15 : memref<!tpu.dma_semaphore, #tpu.memory_space<semaphore_mem>>)
        %dma_wait3A_135 = arith.constant 0 : i32
        %dma_wait3A_136 = arith.constant 0 : i32
        %dma_wait3A_137 = tpu.memref_slice %arg14[%dma_wait3A_135, %dma_wait3A_136] : memref<10240x128xf32, #tpu.memory_space<vmem_shared>> -> memref<10240x128xf32, #tpu.memory_space<vmem_shared>>
        tpu.wait_indirect_dma semaphore(%arg22 : memref<!tpu.dma_semaphore, #tpu.memory_space<semaphore_mem>>) src(%arg12 : memref<80x128xf32, #tpu.memory_space<vmem>>) dst(%dma_wait3A_137 : memref<10240x128xf32, #tpu.memory_space<vmem_shared>>)
        %add3A_138 = arith.constant 3 : i32
        %add3A_139 = arith.addi %mul3A_87, %add3A_138 : i32
        %add3A_140 = arith.constant 1 : i32
        %add3A_141 = arith.addi %add3A_139, %add3A_140 : i32
        %mul3A_142 = arith.constant 80 : i32
        %mul3A_143 = arith.muli %add3A_141, %mul3A_142 : i32
        %multiple_of3A_144 = tpu.assume_multiple %mul3A_143, 8 : i32
        %add3A_145 = arith.addi %multiple_of3A, %multiple_of3A_144 : i32
        %dma_start3A_146 = tpu.memref_slice %arg4[%add3A_145] : memref<322560xi32, #tpu.memory_space<hbm>> -> memref<80xi32, #tpu.memory_space<hbm>>
        %dma_start3A_147 = tpu.memref_slice %arg4[%add3A_145] : memref<322560xi32, #tpu.memory_space<hbm>> -> memref<80xi32, #tpu.memory_space<hbm>>
        tpu.enqueue_dma source(%dma_start3A_147 : memref<80xi32, #tpu.memory_space<hbm>>) target(%arg9 : memref<80xi32, #tpu.memory_space<vmem>>) target_semaphore(%arg19 : memref<!tpu.dma_semaphore, #tpu.memory_space<semaphore_mem>>)
        %dma_start3A_148 = tpu.memref_slice %arg7[%multiple_of3A_144] : memref<17760xi32, #tpu.memory_space<vmem>> -> memref<80xi32, #tpu.memory_space<vmem>>
        %dma_start3A_149 = arith.constant 0 : i32
        %dma_start3A_150 = arith.constant 0 : i32
        %dma_start3A_151 = tpu.memref_slice %arg2[%dma_start3A_149, %dma_start3A_150] : memref<10000x128xf32, #tpu.memory_space<hbm>> -> memref<10000x128xf32, #tpu.memory_space<hbm>>
        tpu.enqueue_indirect_dma source(%dma_start3A_151 : memref<10000x128xf32, #tpu.memory_space<hbm>>) target(%arg12 : memref<80x128xf32, #tpu.memory_space<vmem>>) offsets(%dma_start3A_148 : memref<80xi32, #tpu.memory_space<vmem>>) semaphore(%arg16 : memref<!tpu.dma_semaphore, #tpu.memory_space<semaphore_mem>>)
        %dma_wait3A_152 = arith.constant 0 : i32
        %dma_wait3A_153 = arith.constant 0 : i32
        %dma_wait3A_154 = tpu.memref_slice %arg14[%dma_wait3A_152, %dma_wait3A_153] : memref<10240x128xf32, #tpu.memory_space<vmem_shared>> -> memref<10240x128xf32, #tpu.memory_space<vmem_shared>>
        tpu.wait_indirect_dma semaphore(%arg23 : memref<!tpu.dma_semaphore, #tpu.memory_space<semaphore_mem>>) src(%arg13 : memref<80x128xf32, #tpu.memory_space<vmem>>) dst(%dma_wait3A_154 : memref<10240x128xf32, #tpu.memory_space<vmem_shared>>)
        %add3A_155 = arith.constant 3 : i32
        %add3A_156 = arith.addi %mul3A_87, %add3A_155 : i32
        %add3A_157 = arith.constant 2 : i32
        %add3A_158 = arith.addi %add3A_156, %add3A_157 : i32
        %mul3A_159 = arith.constant 80 : i32
        %mul3A_160 = arith.muli %add3A_158, %mul3A_159 : i32
        %multiple_of3A_161 = tpu.assume_multiple %mul3A_160, 8 : i32
        %add3A_162 = arith.addi %multiple_of3A, %multiple_of3A_161 : i32
        %dma_start3A_163 = tpu.memref_slice %arg4[%add3A_162] : memref<322560xi32, #tpu.memory_space<hbm>> -> memref<80xi32, #tpu.memory_space<hbm>>
        %dma_start3A_164 = tpu.memref_slice %arg4[%add3A_162] : memref<322560xi32, #tpu.memory_space<hbm>> -> memref<80xi32, #tpu.memory_space<hbm>>
        tpu.enqueue_dma source(%dma_start3A_164 : memref<80xi32, #tpu.memory_space<hbm>>) target(%arg10 : memref<80xi32, #tpu.memory_space<vmem>>) target_semaphore(%arg20 : memref<!tpu.dma_semaphore, #tpu.memory_space<semaphore_mem>>)
        %dma_start3A_165 = tpu.memref_slice %arg7[%multiple_of3A_161] : memref<17760xi32, #tpu.memory_space<vmem>> -> memref<80xi32, #tpu.memory_space<vmem>>
        %dma_start3A_166 = arith.constant 0 : i32
        %dma_start3A_167 = arith.constant 0 : i32
        %dma_start3A_168 = tpu.memref_slice %arg2[%dma_start3A_166, %dma_start3A_167] : memref<10000x128xf32, #tpu.memory_space<hbm>> -> memref<10000x128xf32, #tpu.memory_space<hbm>>
        tpu.enqueue_indirect_dma source(%dma_start3A_168 : memref<10000x128xf32, #tpu.memory_space<hbm>>) target(%arg13 : memref<80x128xf32, #tpu.memory_space<vmem>>) offsets(%dma_start3A_165 : memref<80xi32, #tpu.memory_space<vmem>>) semaphore(%arg17 : memref<!tpu.dma_semaphore, #tpu.memory_space<semaphore_mem>>)
      }
      %scan3A_46 = arith.constant 9 : i32
      %dma_wait3A = tpu.memref_slice %arg4[%multiple_of3A] : memref<322560xi32, #tpu.memory_space<hbm>> -> memref<80xi32, #tpu.memory_space<hbm>>
      %dma_wait3A_47 = tpu.memref_slice %arg4[%multiple_of3A] : memref<322560xi32, #tpu.memory_space<hbm>> -> memref<80xi32, #tpu.memory_space<hbm>>
      tpu.wait_dma2 semaphore(%arg18 : memref<!tpu.dma_semaphore, #tpu.memory_space<semaphore_mem>>) src(%dma_wait3A_47 : memref<80xi32, #tpu.memory_space<hbm>>) dst(%arg8 : memref<80xi32, #tpu.memory_space<vmem>>)
      %dma_wait3A_48 = arith.constant 0 : i32
      %dma_wait3A_49 = tpu.memref_slice %arg7[%dma_wait3A_48] : memref<17760xi32, #tpu.memory_space<vmem>> -> memref<80xi32, #tpu.memory_space<vmem>>
      %dma_wait3A_50 = arith.constant 0 : i32
      %dma_wait3A_51 = arith.constant 0 : i32
      %dma_wait3A_52 = tpu.memref_slice %arg2[%dma_wait3A_50, %dma_wait3A_51] : memref<10000x128xf32, #tpu.memory_space<hbm>> -> memref<10000x128xf32, #tpu.memory_space<hbm>>
      tpu.wait_indirect_dma semaphore(%arg15 : memref<!tpu.dma_semaphore, #tpu.memory_space<semaphore_mem>>) src(%dma_wait3A_52 : memref<10000x128xf32, #tpu.memory_space<hbm>>) dst(%arg11 : memref<80x128xf32, #tpu.memory_space<vmem>>)
      %dma_start3A_53 = arith.constant 0 : i32
      %dma_start3A_54 = arith.constant 0 : i32
      %dma_start3A_55 = tpu.memref_slice %arg14[%dma_start3A_53, %dma_start3A_54] : memref<10240x128xf32, #tpu.memory_space<vmem_shared>> -> memref<10240x128xf32, #tpu.memory_space<vmem_shared>>
      tpu.enqueue_indirect_dma source(%arg11 : memref<80x128xf32, #tpu.memory_space<vmem>>) target(%dma_start3A_55 : memref<10240x128xf32, #tpu.memory_space<vmem_shared>>) offsets(%arg8 : memref<80xi32, #tpu.memory_space<vmem>>) semaphore(%arg21 : memref<!tpu.dma_semaphore, #tpu.memory_space<semaphore_mem>>) {add = true}
      %dma_wait3A_56 = tpu.memref_slice %arg4[%multiple_of3A] : memref<322560xi32, #tpu.memory_space<hbm>> -> memref<80xi32, #tpu.memory_space<hbm>>
      %dma_wait3A_57 = tpu.memref_slice %arg4[%multiple_of3A] : memref<322560xi32, #tpu.memory_space<hbm>> -> memref<80xi32, #tpu.memory_space<hbm>>
      tpu.wait_dma2 semaphore(%arg19 : memref<!tpu.dma_semaphore, #tpu.memory_space<semaphore_mem>>) src(%dma_wait3A_57 : memref<80xi32, #tpu.memory_space<hbm>>) dst(%arg9 : memref<80xi32, #tpu.memory_space<vmem>>)
      %dma_wait3A_58 = arith.constant 0 : i32
      %dma_wait3A_59 = tpu.memref_slice %arg7[%dma_wait3A_58] : memref<17760xi32, #tpu.memory_space<vmem>> -> memref<80xi32, #tpu.memory_space<vmem>>
      %dma_wait3A_60 = arith.constant 0 : i32
      %dma_wait3A_61 = arith.constant 0 : i32
      %dma_wait3A_62 = tpu.memref_slice %arg2[%dma_wait3A_60, %dma_wait3A_61] : memref<10000x128xf32, #tpu.memory_space<hbm>> -> memref<10000x128xf32, #tpu.memory_space<hbm>>
      tpu.wait_indirect_dma semaphore(%arg16 : memref<!tpu.dma_semaphore, #tpu.memory_space<semaphore_mem>>) src(%dma_wait3A_62 : memref<10000x128xf32, #tpu.memory_space<hbm>>) dst(%arg12 : memref<80x128xf32, #tpu.memory_space<vmem>>)
      %dma_start3A_63 = arith.constant 0 : i32
      %dma_start3A_64 = arith.constant 0 : i32
      %dma_start3A_65 = tpu.memref_slice %arg14[%dma_start3A_63, %dma_start3A_64] : memref<10240x128xf32, #tpu.memory_space<vmem_shared>> -> memref<10240x128xf32, #tpu.memory_space<vmem_shared>>
      tpu.enqueue_indirect_dma source(%arg12 : memref<80x128xf32, #tpu.memory_space<vmem>>) target(%dma_start3A_65 : memref<10240x128xf32, #tpu.memory_space<vmem_shared>>) offsets(%arg9 : memref<80xi32, #tpu.memory_space<vmem>>) semaphore(%arg22 : memref<!tpu.dma_semaphore, #tpu.memory_space<semaphore_mem>>) {add = true}
      %dma_wait3A_66 = tpu.memref_slice %arg4[%multiple_of3A] : memref<322560xi32, #tpu.memory_space<hbm>> -> memref<80xi32, #tpu.memory_space<hbm>>
      %dma_wait3A_67 = tpu.memref_slice %arg4[%multiple_of3A] : memref<322560xi32, #tpu.memory_space<hbm>> -> memref<80xi32, #tpu.memory_space<hbm>>
      tpu.wait_dma2 semaphore(%arg20 : memref<!tpu.dma_semaphore, #tpu.memory_space<semaphore_mem>>) src(%dma_wait3A_67 : memref<80xi32, #tpu.memory_space<hbm>>) dst(%arg10 : memref<80xi32, #tpu.memory_space<vmem>>)
      %dma_wait3A_68 = arith.constant 0 : i32
      %dma_wait3A_69 = tpu.memref_slice %arg7[%dma_wait3A_68] : memref<17760xi32, #tpu.memory_space<vmem>> -> memref<80xi32, #tpu.memory_space<vmem>>
      %dma_wait3A_70 = arith.constant 0 : i32
      %dma_wait3A_71 = arith.constant 0 : i32
      %dma_wait3A_72 = tpu.memref_slice %arg2[%dma_wait3A_70, %dma_wait3A_71] : memref<10000x128xf32, #tpu.memory_space<hbm>> -> memref<10000x128xf32, #tpu.memory_space<hbm>>
      tpu.wait_indirect_dma semaphore(%arg17 : memref<!tpu.dma_semaphore, #tpu.memory_space<semaphore_mem>>) src(%dma_wait3A_72 : memref<10000x128xf32, #tpu.memory_space<hbm>>) dst(%arg13 : memref<80x128xf32, #tpu.memory_space<vmem>>)
      %dma_start3A_73 = arith.constant 0 : i32
      %dma_start3A_74 = arith.constant 0 : i32
      %dma_start3A_75 = tpu.memref_slice %arg14[%dma_start3A_73, %dma_start3A_74] : memref<10240x128xf32, #tpu.memory_space<vmem_shared>> -> memref<10240x128xf32, #tpu.memory_space<vmem_shared>>
      tpu.enqueue_indirect_dma source(%arg13 : memref<80x128xf32, #tpu.memory_space<vmem>>) target(%dma_start3A_75 : memref<10240x128xf32, #tpu.memory_space<vmem_shared>>) offsets(%arg10 : memref<80xi32, #tpu.memory_space<vmem>>) semaphore(%arg23 : memref<!tpu.dma_semaphore, #tpu.memory_space<semaphore_mem>>) {add = true}
      %dma_wait3A_76 = arith.constant 0 : i32
      %dma_wait3A_77 = arith.constant 0 : i32
      %dma_wait3A_78 = tpu.memref_slice %arg14[%dma_wait3A_76, %dma_wait3A_77] : memref<10240x128xf32, #tpu.memory_space<vmem_shared>> -> memref<10240x128xf32, #tpu.memory_space<vmem_shared>>
      tpu.wait_indirect_dma semaphore(%arg21 : memref<!tpu.dma_semaphore, #tpu.memory_space<semaphore_mem>>) src(%arg11 : memref<80x128xf32, #tpu.memory_space<vmem>>) dst(%dma_wait3A_78 : memref<10240x128xf32, #tpu.memory_space<vmem_shared>>)
      %dma_wait3A_79 = arith.constant 0 : i32
      %dma_wait3A_80 = arith.constant 0 : i32
      %dma_wait3A_81 = tpu.memref_slice %arg14[%dma_wait3A_79, %dma_wait3A_80] : memref<10240x128xf32, #tpu.memory_space<vmem_shared>> -> memref<10240x128xf32, #tpu.memory_space<vmem_shared>>
      tpu.wait_indirect_dma semaphore(%arg22 : memref<!tpu.dma_semaphore, #tpu.memory_space<semaphore_mem>>) src(%arg12 : memref<80x128xf32, #tpu.memory_space<vmem>>) dst(%dma_wait3A_81 : memref<10240x128xf32, #tpu.memory_space<vmem_shared>>)
      %dma_wait3A_82 = arith.constant 0 : i32
      %dma_wait3A_83 = arith.constant 0 : i32
      %dma_wait3A_84 = tpu.memref_slice %arg14[%dma_wait3A_82, %dma_wait3A_83] : memref<10240x128xf32, #tpu.memory_space<vmem_shared>> -> memref<10240x128xf32, #tpu.memory_space<vmem_shared>>
      tpu.wait_indirect_dma semaphore(%arg23 : memref<!tpu.dma_semaphore, #tpu.memory_space<semaphore_mem>>) src(%arg13 : memref<80x128xf32, #tpu.memory_space<vmem>>) dst(%dma_wait3A_84 : memref<10240x128xf32, #tpu.memory_space<vmem_shared>>)
    } else {
    }
    %barrier3A_8 = arith.constant 0 : index
    tpu.barrier barrier_id(%barrier3A_8)
    %mul3A_9 = arith.constant 640 : i32
    %mul3A_10 = arith.muli %arg1, %mul3A_9 : i32
    %mul3A_11 = arith.constant 640 : i32
    %mul3A_12 = arith.muli %arg1, %mul3A_11 : i32
    "tpu.region"() ({
      %run_scoped3A = tpu.sem_alloc : memref<!tpu.dma_semaphore, #tpu.memory_space<semaphore_mem>>
      %dma_start3A = arith.constant 0 : i32
      %dma_start3A_13 = tpu.memref_slice %arg6[%arg0, %mul3A_12, %dma_start3A] : memref<2x10240x128xf32, #tpu.memory_space<hbm>> -> memref<1x640x128xf32, #tpu.memory_space<hbm>>
      %dma_start3A_14 = tpu.memref_squeeze %dma_start3A_13 : memref<1x640x128xf32, #tpu.memory_space<hbm>> -> memref<640x128xf32, #tpu.memory_space<hbm>>
      %dma_start3A_15 = arith.constant 0 : i32
      %dma_start3A_16 = tpu.memref_slice %arg14[%mul3A_10, %dma_start3A_15] : memref<10240x128xf32, #tpu.memory_space<vmem_shared>> -> memref<640x128xf32, #tpu.memory_space<vmem_shared>>
      tpu.enqueue_dma source(%dma_start3A_16 : memref<640x128xf32, #tpu.memory_space<vmem_shared>>) target(%dma_start3A_14 : memref<640x128xf32, #tpu.memory_space<hbm>>) target_semaphore(%run_scoped3A : memref<!tpu.dma_semaphore, #tpu.memory_space<semaphore_mem>>)
      %dma_wait3A = arith.constant 0 : i32
      %dma_wait3A_17 = tpu.memref_slice %arg6[%arg0, %mul3A_12, %dma_wait3A] : memref<2x10240x128xf32, #tpu.memory_space<hbm>> -> memref<1x640x128xf32, #tpu.memory_space<hbm>>
      %dma_wait3A_18 = tpu.memref_squeeze %dma_wait3A_17 : memref<1x640x128xf32, #tpu.memory_space<hbm>> -> memref<640x128xf32, #tpu.memory_space<hbm>>
      %dma_wait3A_19 = arith.constant 0 : i32
      %dma_wait3A_20 = tpu.memref_slice %arg14[%mul3A_10, %dma_wait3A_19] : memref<10240x128xf32, #tpu.memory_space<vmem_shared>> -> memref<640x128xf32, #tpu.memory_space<vmem_shared>>
      tpu.wait_dma2 semaphore(%run_scoped3A : memref<!tpu.dma_semaphore, #tpu.memory_space<semaphore_mem>>) src(%dma_wait3A_20 : memref<640x128xf32, #tpu.memory_space<vmem_shared>>) dst(%dma_wait3A_18 : memref<640x128xf32, #tpu.memory_space<hbm>>)
      tpu.yield
    }) : () -> ()
    return
  }
}

module attributes {stable_mosaic.version = 14 : i64} {
  func.func @_embed_tc(%arg0: i32, %arg1: memref<1000x1xi32, #tpu.memory_space<vmem>>, %arg2: memref<32x128xf32, #tpu.memory_space<vmem>>, %arg3: memref<128x128xf32, #tpu.memory_space<vmem>>, %arg4: memref<1000x128xf32, #tpu.memory_space<vmem>>) attributes {dimension_semantics = [#tpu.dimension_semantics<arbitrary>], iteration_bounds = array<i64: 10>, scalar_prefetch = 0 : i64, scratch_operands = 0 : i64, tpu.core_type = #tpu.core_type<tc>, window_params = [{transform_indices = @transform_0, window_bounds = array<i64: 1000, 1>}, {pipeline_mode = #tpu.pipeline_mode<synchronous>, transform_indices = @transform_1, window_bounds = array<i64: 32, 128>}, {pipeline_mode = #tpu.pipeline_mode<synchronous>, transform_indices = @transform_2, window_bounds = array<i64: 128, 128>}, {transform_indices = @transform_3, window_bounds = array<i64: 1000, 128>}]} {
    %get3A = arith.constant 0 : index
    %get3A_0 = arith.constant 0 : index
    %get3A_1 = vector.load %arg1[%get3A, %get3A_0] : memref<1000x1xi32, #tpu.memory_space<vmem>>, vector<1000x1xi32>
    %squeeze3A = vector.shape_cast %get3A_1 : vector<1000x1xi32> to vector<1000xi32>
    %broadcast_in_dim3A = vector.shape_cast %squeeze3A : vector<1000xi32> to vector<1000x1xi32>
    %iota3A = tpu.iota {dimensions = array<i32: 1>} : vector<1000x32xi32>
    %eq3A = vector.broadcast %broadcast_in_dim3A : vector<1000x1xi32> to vector<1000x32xi32>
    %eq3A_2 = arith.cmpi eq, %eq3A, %iota3A : vector<1000x32xi32>
    %convert_element_type3A = arith.extui %eq3A_2 : vector<1000x32xi1> to vector<1000x32xi32>
    %convert_element_type3A_3 = arith.sitofp %convert_element_type3A : vector<1000x32xi32> to vector<1000x32xf32>
    %get3A_4 = arith.constant 0 : index
    %get3A_5 = arith.constant 0 : index
    %get3A_6 = vector.load %arg2[%get3A_4, %get3A_5] : memref<32x128xf32, #tpu.memory_space<vmem>>, vector<32x128xf32>
    %get3A_7 = arith.constant 0 : index
    %get3A_8 = arith.constant 0 : index
    %get3A_9 = vector.load %arg3[%get3A_7, %get3A_8] : memref<128x128xf32, #tpu.memory_space<vmem>>, vector<128x128xf32>
    %dot_general3A = arith.constant dense<0.000000e+00> : vector<32x128xf32>
    %dot_general3A_10 = tpu.matmul %get3A_6, %get3A_9, %dot_general3A {dimension_numbers = #tpu.dot_dimension_numbers<[1], [0], [0], [1], [0, 0, 1, 1], [], []>, transpose_lhs_hint = false} : vector<32x128xf32>, vector<128x128xf32>, vector<32x128xf32> -> vector<32x128xf32>
    %dot_general3A_11 = arith.constant dense<0.000000e+00> : vector<1000x128xf32>
    %dot_general3A_12 = tpu.matmul %convert_element_type3A_3, %dot_general3A_10, %dot_general3A_11 {dimension_numbers = #tpu.dot_dimension_numbers<[1], [0], [0], [1], [0, 0, 1, 1], [], []>, transpose_lhs_hint = false} : vector<1000x32xf32>, vector<32x128xf32>, vector<1000x128xf32> -> vector<1000x128xf32>
    %swap3A = arith.constant 0 : index
    %swap3A_13 = arith.constant 0 : index
    %swap3A_14 = vector.load %arg4[%swap3A, %swap3A_13] : memref<1000x128xf32, #tpu.memory_space<vmem>>, vector<1000x128xf32>
    tpu.vector_store %arg4[%swap3A, %swap3A_13], %dot_general3A_12 {strides = array<i32>} : memref<1000x128xf32, #tpu.memory_space<vmem>>, vector<1000x128xf32>,
    return
  }
  func.func @transform_0(%arg0: i32) -> (i32, i32) {
    %c0_i32 = arith.constant 0 : i32
    %c0_i32_0 = arith.constant 0 : i32
    return %arg0, %c0_i32 : i32, i32
  }
  func.func @transform_1(%arg0: i32) -> (i32, i32) {
    %c0_i32 = arith.constant 0 : i32
    %c0_i32_0 = arith.constant 0 : i32
    %c0_i32_1 = arith.constant 0 : i32
    return %c0_i32, %c0_i32_0 : i32, i32
  }
  func.func @transform_2(%arg0: i32) -> (i32, i32) {
    %c0_i32 = arith.constant 0 : i32
    %c0_i32_0 = arith.constant 0 : i32
    %c0_i32_1 = arith.constant 0 : i32
    return %c0_i32, %c0_i32_0 : i32, i32
  }
  func.func @transform_3(%arg0: i32) -> (i32, i32) {
    %c0_i32 = arith.constant 0 : i32
    %c0_i32_0 = arith.constant 0 : i32
    return %arg0, %c0_i32 : i32, i32
  }
}

module attributes {stable_mosaic.version = 14 : i64} {
  func.func @_combine_tc(%arg0: i32, %arg1: memref<2x1000x128xf32, #tpu.memory_space<vmem>>, %arg2: memref<128x128xf32, #tpu.memory_space<vmem>>, %arg3: memref<10000x128xf32, #tpu.memory_space<any>>, %arg4: memref<1000x128xf32, #tpu.memory_space<vmem>>) attributes {dimension_semantics = [#tpu.dimension_semantics<arbitrary>], iteration_bounds = array<i64: 10>, scalar_prefetch = 0 : i64, scratch_operands = 0 : i64, tpu.core_type = #tpu.core_type<tc>, window_params = [{transform_indices = @transform_0, window_bounds = array<i64: 2, 1000, 128>}, {pipeline_mode = #tpu.pipeline_mode<synchronous>, transform_indices = @transform_1, window_bounds = array<i64: 128, 128>}, {}, {transform_indices = @transform_3, window_bounds = array<i64: 1000, 128>}]} {
    %get3A = arith.constant 0 : index
    %get3A_0 = arith.constant 0 : index
    %get3A_1 = arith.constant 0 : index
    %get3A_2 = vector.load %arg1[%get3A, %get3A_0, %get3A_1] : memref<2x1000x128xf32, #tpu.memory_space<vmem>>, vector<1x1000x128xf32>
    %get3A_3 = vector.shape_cast %get3A_2 : vector<1x1000x128xf32> to vector<1000x128xf32>
    %get3A_4 = arith.constant 1 : index
    %get3A_5 = arith.constant 0 : index
    %get3A_6 = arith.constant 0 : index
    %get3A_7 = vector.load %arg1[%get3A_4, %get3A_5, %get3A_6] : memref<2x1000x128xf32, #tpu.memory_space<vmem>>, vector<1x1000x128xf32>
    %get3A_8 = vector.shape_cast %get3A_7 : vector<1x1000x128xf32> to vector<1000x128xf32>
    %add3A = arith.addf %get3A_3, %get3A_8 : vector<1000x128xf32>
    %max3A = arith.constant 0.000000e+00 : f32
    %max3A_9 = vector.broadcast %max3A : f32 to vector<1000x128xf32>
    %max3A_10 = arith.maximumf %add3A, %max3A_9 : vector<1000x128xf32>
    %get3A_11 = arith.constant 0 : index
    %get3A_12 = arith.constant 0 : index
    %get3A_13 = vector.load %arg2[%get3A_11, %get3A_12] : memref<128x128xf32, #tpu.memory_space<vmem>>, vector<128x128xf32>
    %dot_general3A = arith.constant dense<0.000000e+00> : vector<1000x128xf32>
    %dot_general3A_14 = tpu.matmul %max3A_10, %get3A_13, %dot_general3A {dimension_numbers = #tpu.dot_dimension_numbers<[1], [0], [0], [1], [0, 0, 1, 1], [], []>, transpose_lhs_hint = false} : vector<1000x128xf32>, vector<128x128xf32>, vector<1000x128xf32> -> vector<1000x128xf32>
    %swap3A = arith.constant 0 : index
    %swap3A_15 = arith.constant 0 : index
    %swap3A_16 = vector.load %arg4[%swap3A, %swap3A_15] : memref<1000x128xf32, #tpu.memory_space<vmem>>, vector<1000x128xf32>
    tpu.vector_store %arg4[%swap3A, %swap3A_15], %dot_general3A_14 {strides = array<i32>} : memref<1000x128xf32, #tpu.memory_space<vmem>>, vector<1000x128xf32>,
    return
  }
  func.func @transform_0(%arg0: i32) -> (i32, i32, i32) {
    %c0_i32 = arith.constant 0 : i32
    %c0_i32_0 = arith.constant 0 : i32
    %c0_i32_1 = arith.constant 0 : i32
    return %c0_i32, %arg0, %c0_i32_0 : i32, i32, i32
  }
  func.func @transform_1(%arg0: i32) -> (i32, i32) {
    %c0_i32 = arith.constant 0 : i32
    %c0_i32_0 = arith.constant 0 : i32
    %c0_i32_1 = arith.constant 0 : i32
    return %c0_i32, %c0_i32_0 : i32, i32
  }
  func.func @transform_3(%arg0: i32) -> (i32, i32) {
    %c0_i32 = arith.constant 0 : i32
    %c0_i32_0 = arith.constant 0 : i32
    return %arg0, %c0_i32 : i32, i32
  }
}

module attributes {stable_mosaic.version = 14 : i64} {
  func.func @_final_tc(%arg0: i32, %arg1: memref<2x1000x128xf32, #tpu.memory_space<vmem>>, %arg2: memref<1x1x1000xi32, #tpu.memory_space<vmem>>, %arg3: memref<128x32xf32, #tpu.memory_space<vmem>>, %arg4: memref<1x32xf32, #tpu.memory_space<vmem>>, %arg5: memref<1x32xf32, #tpu.memory_space<vmem>>, %arg6: memref<1x1xf32, #tpu.memory_space<vmem>>, %arg7: memref<10000x128xf32, #tpu.memory_space<any>>, %arg8: memref<322560xi32, #tpu.memory_space<any>>, %arg9: memref<322560xi32, #tpu.memory_space<any>>, %arg10: memref<640x128xf32, #tpu.memory_space<any>>, %arg11: memref<2x10240x128xf32, #tpu.memory_space<any>>, %arg12: memref<1x256xf32, #tpu.memory_space<vmem>>, %arg13: memref<256x128xf32, #tpu.memory_space<vmem>>) attributes {dimension_semantics = [#tpu.dimension_semantics<arbitrary>], iteration_bounds = array<i64: 10>, scalar_prefetch = 0 : i64, scratch_operands = 1 : i64, tpu.core_type = #tpu.core_type<tc>, window_params = [{transform_indices = @transform_0, window_bounds = array<i64: 2, 1000, 128>}, {transform_indices = @transform_1, window_bounds = array<i64: 1, 1, 1000>}, {pipeline_mode = #tpu.pipeline_mode<synchronous>, transform_indices = @transform_2, window_bounds = array<i64: 128, 32>}, {pipeline_mode = #tpu.pipeline_mode<synchronous>, transform_indices = @transform_3, window_bounds = array<i64: 1, 32>}, {pipeline_mode = #tpu.pipeline_mode<synchronous>, transform_indices = @transform_4, window_bounds = array<i64: 1, 32>}, {pipeline_mode = #tpu.pipeline_mode<synchronous>, transform_indices = @transform_5, window_bounds = array<i64: 1, 1>}, {}, {}, {}, {}, {}, {pipeline_mode = #tpu.pipeline_mode<synchronous>, transform_indices = @transform_11, window_bounds = array<i64: 1, 256>}]} {
    %eq3A = arith.constant 0 : i32
    %eq3A_0 = arith.cmpi eq, %arg0, %eq3A : i32
    %convert_element_type3A = arith.extui %eq3A_0 : i1 to i32
    %cond3A = arith.constant 0 : i32
    %cond3A_1 = arith.cmpi ne, %convert_element_type3A, %cond3A : i32
    scf.if %cond3A_1 {
      %broadcast_in_dim3A_34 = arith.constant 0.000000e+00 : f32
      %broadcast_in_dim3A_35 = vector.broadcast %broadcast_in_dim3A_34 : f32 to vector<256x128xf32>
      %swap3A_36 = arith.constant 0 : index
      %swap3A_37 = arith.constant 0 : index
      %swap3A_38 = vector.load %arg13[%swap3A_36, %swap3A_37] : memref<256x128xf32, #tpu.memory_space<vmem>>, vector<256x128xf32>
      tpu.vector_store %arg13[%swap3A_36, %swap3A_37], %broadcast_in_dim3A_35 {strides = array<i32>} : memref<256x128xf32, #tpu.memory_space<vmem>>, vector<256x128xf32>,
    } else {
    }
    %get3A = arith.constant 0 : index
    %get3A_2 = arith.constant 0 : index
    %get3A_3 = arith.constant 0 : index
    %get3A_4 = vector.load %arg1[%get3A, %get3A_2, %get3A_3] : memref<2x1000x128xf32, #tpu.memory_space<vmem>>, vector<1x1000x128xf32>
    %get3A_5 = vector.shape_cast %get3A_4 : vector<1x1000x128xf32> to vector<1000x128xf32>
    %get3A_6 = arith.constant 1 : index
    %get3A_7 = arith.constant 0 : index
    %get3A_8 = arith.constant 0 : index
    %get3A_9 = vector.load %arg1[%get3A_6, %get3A_7, %get3A_8] : memref<2x1000x128xf32, #tpu.memory_space<vmem>>, vector<1x1000x128xf32>
    %get3A_10 = vector.shape_cast %get3A_9 : vector<1x1000x128xf32> to vector<1000x128xf32>
    %add3A = arith.addf %get3A_5, %get3A_10 : vector<1000x128xf32>
    %max3A = arith.constant 0.000000e+00 : f32
    %max3A_11 = vector.broadcast %max3A : f32 to vector<1000x128xf32>
    %max3A_12 = arith.maximumf %add3A, %max3A_11 : vector<1000x128xf32>
    %get3A_13 = arith.constant 0 : index
    %get3A_14 = arith.constant 0 : index
    %get3A_15 = arith.constant 0 : index
    %get3A_16 = vector.load %arg2[%get3A_13, %get3A_14, %get3A_15] : memref<1x1x1000xi32, #tpu.memory_space<vmem>>, vector<1x1x1000xi32>
    %get3A_17 = vector.shape_cast %get3A_16 : vector<1x1x1000xi32> to vector<1000xi32>
    %broadcast_in_dim3A = vector.shape_cast %get3A_17 : vector<1000xi32> to vector<1x1000xi32>
    %iota3A = tpu.iota {dimensions = array<i32: 0>} : vector<256x1000xi32>
    %eq3A_18 = vector.broadcast %broadcast_in_dim3A : vector<1x1000xi32> to vector<256x1000xi32>
    %eq3A_19 = arith.cmpi eq, %eq3A_18, %iota3A : vector<256x1000xi32>
    %convert_element_type3A_20 = arith.extui %eq3A_19 : vector<256x1000xi1> to vector<256x1000xi32>
    %convert_element_type3A_21 = arith.sitofp %convert_element_type3A_20 : vector<256x1000xi32> to vector<256x1000xf32>
    %get3A_22 = arith.constant 0 : index
    %get3A_23 = arith.constant 0 : index
    %get3A_24 = vector.load %arg13[%get3A_22, %get3A_23] : memref<256x128xf32, #tpu.memory_space<vmem>>, vector<256x128xf32>
    %dot_general3A = arith.constant dense<0.000000e+00> : vector<256x128xf32>
    %dot_general3A_25 = tpu.matmul %convert_element_type3A_21, %max3A_12, %dot_general3A {dimension_numbers = #tpu.dot_dimension_numbers<[1], [0], [0], [1], [0, 0, 1, 1], [], []>, transpose_lhs_hint = false} : vector<256x1000xf32>, vector<1000x128xf32>, vector<256x128xf32> -> vector<256x128xf32>
    %add3A_26 = arith.addf %get3A_24, %dot_general3A_25 : vector<256x128xf32>
    %swap3A = arith.constant 0 : index
    %swap3A_27 = arith.constant 0 : index
    %swap3A_28 = vector.load %arg13[%swap3A, %swap3A_27] : memref<256x128xf32, #tpu.memory_space<vmem>>, vector<256x128xf32>
    tpu.vector_store %arg13[%swap3A, %swap3A_27], %add3A_26 {strides = array<i32>} : memref<256x128xf32, #tpu.memory_space<vmem>>, vector<256x128xf32>,
    %eq3A_29 = arith.constant 9 : i32
    %eq3A_30 = arith.cmpi eq, %arg0, %eq3A_29 : i32
    %convert_element_type3A_31 = arith.extui %eq3A_30 : i1 to i32
    %cond3A_32 = arith.constant 0 : i32
    %cond3A_33 = arith.cmpi ne, %convert_element_type3A_31, %cond3A_32 : i32
    scf.if %cond3A_33 {
      %get3A_34 = arith.constant 0 : index
      %get3A_35 = arith.constant 0 : index
      %get3A_36 = vector.load %arg13[%get3A_34, %get3A_35] : memref<256x128xf32, #tpu.memory_space<vmem>>, vector<256x128xf32>
      %get3A_37 = arith.constant 0 : index
      %get3A_38 = arith.constant 0 : index
      %get3A_39 = vector.load %arg3[%get3A_37, %get3A_38] : memref<128x32xf32, #tpu.memory_space<vmem>>, vector<128x32xf32>
      %dot_general3A_40 = arith.constant dense<0.000000e+00> : vector<256x32xf32>
      %dot_general3A_41 = tpu.matmul %get3A_36, %get3A_39, %dot_general3A_40 {dimension_numbers = #tpu.dot_dimension_numbers<[1], [0], [0], [1], [0, 0, 1, 1], [], []>, transpose_lhs_hint = false} : vector<256x128xf32>, vector<128x32xf32>, vector<256x32xf32> -> vector<256x32xf32>
      %get3A_42 = arith.constant 0 : index
      %get3A_43 = arith.constant 0 : index
      %get3A_44 = vector.load %arg4[%get3A_42, %get3A_43] : memref<1x32xf32, #tpu.memory_space<vmem>>, vector<1x32xf32>
      %add3A_45 = vector.broadcast %get3A_44 : vector<1x32xf32> to vector<256x32xf32>
      %add3A_46 = arith.addf %dot_general3A_41, %add3A_45 : vector<256x32xf32>
      %max3A_47 = arith.constant 0.000000e+00 : f32
      %max3A_48 = vector.broadcast %max3A_47 : f32 to vector<256x32xf32>
      %max3A_49 = arith.maximumf %add3A_46, %max3A_48 : vector<256x32xf32>
      %get3A_50 = arith.constant 0 : index
      %get3A_51 = arith.constant 0 : index
      %get3A_52 = vector.load %arg5[%get3A_50, %get3A_51] : memref<1x32xf32, #tpu.memory_space<vmem>>, vector<1x32xf32>
      %mul3A = vector.broadcast %get3A_52 : vector<1x32xf32> to vector<256x32xf32>
      %mul3A_53 = arith.mulf %max3A_49, %mul3A : vector<256x32xf32>
      %reduce_sum3A = arith.constant dense<0.000000e+00> : vector<256xf32>
      %reduce_sum3A_54 = vector.multi_reduction <add>, %mul3A_53, %reduce_sum3A [1] : vector<256x32xf32> to vector<256xf32>
      %get3A_55 = arith.constant 0 : index
      %get3A_56 = arith.constant 0 : index
      %get3A_57 = vector.load %arg6[%get3A_55, %get3A_56] : memref<1x1xf32, #tpu.memory_space<vmem>>, vector<1x1xf32>
      %get3A_58 = vector.extract %get3A_57[0, 0] : f32 from vector<1x1xf32>
      %add3A_59 = vector.broadcast %get3A_58 : f32 to vector<256xf32>
      %add3A_60 = arith.addf %reduce_sum3A_54, %add3A_59 : vector<256xf32>
      %broadcast_in_dim3A_61 = vector.shape_cast %add3A_60 : vector<256xf32> to vector<1x256xf32>
      %swap3A_62 = arith.constant 0 : index
      %swap3A_63 = arith.constant 0 : index
      %swap3A_64 = vector.load %arg12[%swap3A_62, %swap3A_63] : memref<1x256xf32, #tpu.memory_space<vmem>>, vector<1x256xf32>
      tpu.vector_store %arg12[%swap3A_62, %swap3A_63], %broadcast_in_dim3A_61 {strides = array<i32>} : memref<1x256xf32, #tpu.memory_space<vmem>>, vector<1x256xf32>,
    } else {
    }
    return
  }
  func.func @transform_0(%arg0: i32) -> (i32, i32, i32) {
    %c0_i32 = arith.constant 0 : i32
    %c0_i32_0 = arith.constant 0 : i32
    %c0_i32_1 = arith.constant 0 : i32
    return %c0_i32, %arg0, %c0_i32_0 : i32, i32, i32
  }
  func.func @transform_1(%arg0: i32) -> (i32, i32, i32) {
    %c0_i32 = arith.constant 0 : i32
    %c0_i32_0 = arith.constant 0 : i32
    %c0_i32_1 = arith.constant 0 : i32
    return %arg0, %c0_i32, %c0_i32_0 : i32, i32, i32
  }
  func.func @transform_2(%arg0: i32) -> (i32, i32) {
    %c0_i32 = arith.constant 0 : i32
    %c0_i32_0 = arith.constant 0 : i32
    %c0_i32_1 = arith.constant 0 : i32
    return %c0_i32, %c0_i32_0 : i32, i32
  }
  func.func @transform_3(%arg0: i32) -> (i32, i32) {
    %c0_i32 = arith.constant 0 : i32
    %c0_i32_0 = arith.constant 0 : i32
    %c0_i32_1 = arith.constant 0 : i32
    return %c0_i32, %c0_i32_0 : i32, i32
  }
  func.func @transform_4(%arg0: i32) -> (i32, i32) {
    %c0_i32 = arith.constant 0 : i32
    %c0_i32_0 = arith.constant 0 : i32
    %c0_i32_1 = arith.constant 0 : i32
    return %c0_i32, %c0_i32_0 : i32, i32
  }
  func.func @transform_5(%arg0: i32) -> (i32, i32) {
    %c0_i32 = arith.constant 0 : i32
    %c0_i32_0 = arith.constant 0 : i32
    %c0_i32_1 = arith.constant 0 : i32
    return %c0_i32, %c0_i32_0 : i32, i32
  }
  func.func @transform_11(%arg0: i32) -> (i32, i32) {
    %c0_i32 = arith.constant 0 : i32
    %c0_i32_0 = arith.constant 0 : i32
    %c0_i32_1 = arith.constant 0 : i32
    return %c0_i32, %c0_i32_0 : i32, i32
  }
}

</mosaic_0001>

<sc_bundles>
// kernel: kernel.12.cloned.1.call-start
scs
__scs_entry_jumppad:
0x0: {  	(pc) =	sbr.rel $0x88, $3  }
0x1: {  	(tag) =	ssettag $0x0;
	lr =	simm.s32 $0x1  }
0x2: {  	[smem:$0x3F97] =	sst lr;
	_ =	strace $0xD0000000  }
0x3: {  	_ = 	snop  }
0x4: {  	_ = 	snop  }
0x5: {  	_ = 	snop  }
0x6: {  	_ = 	snop  }
0x7: {  	_ = 	snop  }
__scs_overlays_trampoline_lowered:
0x8: {  	[smem:$0x3FA6] =	sst s0  }
0x9: {  	[smem:$0x3FA7] =	sst s1  }
0xa: {  	[smem:$0x3FA8] =	sst s2  }
0xb: {  	[smem:$0x3FA9] =	sst s3  }
0xc: {  	[smem:$0x3FAA] =	sst s4  }
0xd: {  	[smem:$0x3FAB] =	sst s5  }
0xe: {  	[smem:$0x3FAC] =	sst s6  }
0xf: {  	[smem:$0x3FAD] =	sst s7  }
0x10: {  	[smem:$0x3FAE] =	sst s8  }
0x11: {  	[smem:$0x3FAF] =	sst s9;
	s0 =	simm.s32 @!p0 $0x0  }
0x12: {  	s1 =	sld [smem:$0x3F95];
	s0 =	simm.s32 @p0 $0x1  }
0x13: {  	[smem:$0x3FB0] =	sst s0;
	s0 =	simm.s32 @!p1 $0x0  }
0x14: {  	s2 =	sld [smem:$0x3F94];
	s0 =	simm.s32 @p1 $0x1  }
0x15: {  	[smem:$0x3FB1] =	sst s0;
	s0 =	simm.s32 @!p2 $0x0  }
0x16: {  	s3 =	sld [smem:$0x3FDB];
	s0 =	simm.s32 @p2 $0x1  }
0x17: {  	s4 =	simm.s32 $0x1BF5;
	[smem:$0x3FB3] =	sst s0  }
0x18: {  	s0 =	sld [smem:$0x3F96];
	_ =	swait.ge [sflag:s4], $0x0  }
0x19: {  	s7 =	sld [smem:$0x3F97]  }
0x1a: {  	s8 =	sadd.s32 $0xFFFFE003, lr  }
0x1b: {  	s9 =	sadd.s32 $0xFFFFFEF7, lr;
	s5 =	simm.s32 $0xFFFFFFFF;
	p2 =	slt.u32 s8, $0xFFFFF086  }
0x1c: {  	p1 =	slt.u32 s9, $0xF7A;
	s5 =	simm.s32 @!p2 $0x0  }
0x1d: {  	s5 =	simm.s32 @p1 $0x1;
	p0 =	seq.s32 s7, s2  }
0x1e: {  	s7 =	smul.u32 @!p0 $0xF7A, s2;
	p2 =	seq.s32 @!p0 s5, $0x0  }
0x1f: {  	s9 =	smul.u32 $0xF7A, s1;
	s8 =	simm.s32 @!p0 $0x1BF5;
	p2 =	por !p2, p0  }
0x20: {  	[sflag:s8] =	ssyncset.s32 @!p0 $0xFFFFF086;
	s6 =	sadd.s32 @!p0 s3, s7;
	s7 =	simm.s32 @!p0 $0x108  }
0x21: {  	s3 =	sadd.s32 s3, s9;
	s6 =	sadd.s32 @!p0 $0x88, s6;
	s7 =	simm.s32 @p2 $0x1082  }
0x22: {  	[simem:s7], [sflag:s8] =	dma.local @!p0 [hbm:s6], $0xF7A  }
0x23: {  	s9 =	sor.u32 $0xD0000000, s2;
	s6 =	simm.s32 $0x108;
	_ =	swait.ge @!p0 [sflag:s8], $0x0  }
0x24: {  	s3 =	sadd.s32 $0x88, s3;
	s6 =	simm.s32 @!p1 $0x1082;
	[sflag:s4] =	ssyncset.s32 $0xFFFFF086  }
0x25: {  	[simem:s6], [sflag:s4] =	dma.local [hbm:s3], $0xF7A  }
0x26: {  	[smem:$0x3F97] =	sst s1;
	(tag) =	ssettag s2;
	_ =	strace s9  }
0x27: {  	s1 =	sld [smem:$0x3FA7]  }
0x28: {  	s2 =	sld [smem:$0x3FA8]  }
0x29: {  	s4 =	sld [smem:$0x3FAA]  }
0x2a: {  	p0 =	seq.s32 s5, $0x0;
	s5 =	sld [smem:$0x3FAB]  }
0x2b: {  	s6 =	sld [smem:$0x3FAC]  }
0x2c: {  	s7 =	sld [smem:$0x3FAD]  }
0x2d: {  	s3 =	simm.s32 $0x108;
	s8 =	sld [smem:$0x3FAE]  }
0x2e: {  	s3 =	simm.s32 @!p0 $0x1082;
	s9 =	sld [smem:$0x3FAF]  }
0x2f: {  	lr =	sadd.s32 s0, s3;
	s0 =	sld [smem:$0x3FA6]  }
0x30: {  	s3 =	sld [smem:$0x3FA9]  }
0x31: {  	[smem:$0x3FB2] =	sst s10  }
0x32: {  	s10 =	sld [smem:$0x3FB0];
	_ =	sdelay $0x3  }
0x33: {  	p0 =	seq.s32 s10, $0x1;
	s10 =	sld [smem:$0x3FB2];
	_ =	sdelay $0x3  }
0x34: {  	[smem:$0x3FB2] =	sst s10  }
0x35: {  	s10 =	sld [smem:$0x3FB1];
	_ =	sdelay $0x3  }
0x36: {  	p1 =	seq.s32 s10, $0x1;
	s10 =	sld [smem:$0x3FB2];
	_ =	sdelay $0x3  }
0x37: {  	[smem:$0x3FB2] =	sst s10  }
0x38: {  	s10 =	sld [smem:$0x3FB3]  }
0x39: {  	_ = 	snop;
	(pc) =	sbr.ind lr, $3  }
0x3a: {  	_ = 	snop  }
0x3b: {  	_ = 	snop  }
0x3c: {  	p2 =	seq.s32 s10, $0x1;
	s10 =	sld [smem:$0x3FB2]  }
0x3d: {  	_ =	shalt  }
0x3e: {  	_ =	shalt  }
0x3f: {  	_ =	shalt  }
0x40: {  	_ =	shalt  }
0x41: {  	_ =	shalt  }
0x42: {  	_ =	shalt  }
0x43: {  	_ =	shalt  }
0x44: {  	_ =	shalt  }
0x45: {  	_ =	shalt  }
0x46: {  	_ =	shalt  }
0x47: {  	_ =	shalt  }
0x48: {  	_ =	shalt  }
0x49: {  	_ =	shalt  }
0x4a: {  	_ =	shalt  }
0x4b: {  	_ =	shalt  }
0x4c: {  	_ =	shalt  }
0x4d: {  	_ =	shalt  }
0x4e: {  	_ =	shalt  }
0x4f: {  	_ =	shalt  }
0x50: {  	_ =	shalt  }
0x51: {  	_ =	shalt  }
0x52: {  	_ =	shalt  }
0x53: {  	_ =	shalt  }
0x54: {  	_ =	shalt  }
0x55: {  	_ =	shalt  }
0x56: {  	_ =	shalt  }
0x57: {  	_ =	shalt  }
0x58: {  	_ =	shalt  }
0x59: {  	_ =	shalt  }
0x5a: {  	_ =	shalt  }
0x5b: {  	_ =	shalt  }
0x5c: {  	_ =	shalt  }
0x5d: {  	_ =	shalt  }
0x5e: {  	_ =	shalt  }
0x5f: {  	_ =	shalt  }
0x60: {  	_ =	shalt  }
0x61: {  	_ =	shalt  }
0x62: {  	_ =	shalt  }
0x63: {  	_ =	shalt  }
0x64: {  	_ =	shalt  }
0x65: {  	_ =	shalt  }
0x66: {  	_ =	shalt  }
0x67: {  	_ =	shalt  }
0x68: {  	_ =	shalt  }
0x69: {  	_ =	shalt  }
0x6a: {  	_ =	shalt  }
0x6b: {  	_ =	shalt  }
0x6c: {  	_ =	shalt  }
0x6d: {  	_ =	shalt  }
0x6e: {  	_ =	shalt  }
0x6f: {  	_ =	shalt  }
0x70: {  	_ =	shalt  }
0x71: {  	_ =	shalt  }
0x72: {  	_ =	shalt  }
0x73: {  	_ =	shalt  }
0x74: {  	_ =	shalt  }
0x75: {  	_ =	shalt  }
0x76: {  	_ =	shalt  }
0x77: {  	_ =	shalt  }
0x78: {  	_ =	shalt  }
0x79: {  	_ =	shalt  }
0x7a: {  	_ =	shalt  }
0x7b: {  	_ =	shalt  }
0x7c: {  	_ =	shalt  }
0x7d: {  	_ =	shalt  }
0x7e: {  	_ =	shalt  }
0x7f: {  	_ =	shalt  }
0x80: {  	_ =	shalt  }
0x81: {  	_ =	shalt  }
0x82: {  	_ =	shalt  }
0x83: {  	_ =	shalt  }
0x84: {  	_ =	shalt  }
0x85: {  	_ =	shalt  }
0x86: {  	_ =	shalt  }
0x87: {  	_ =	shalt  }
.Lfunc_end0:
.L_simem_size_0:
called_computation.1_lowered:
.L_overlay_start_0:
0x88: {  	s2 =	sld [smem:$0x3FD9]  }
0x89: {  	s3 =	sld [smem:$0x3FFE];
	_ =	sdelay $0x1  }
0x8a: {  	s1 =	srdreg.scid  }
0x8b: {  	s0 =	sand.u32 $0x1, s1  }
0x8c: {  	s16 =	sshll.u32 s0, $0xA;
	s2 =	sadd.s32 s3, s2  }
0x8d: {  	s2 =	sadd.s32 s2, s16  }
0x8e: {  	[smem:$0x3FBE] =	sst s2  }
0x8f: {  	_ = 	snop  }
0x90: {  	(tm) =	ssettm $0x1  }
0x91: {  	s17 =	sld [smem:$0x3FFB];
	_ =	sdelay $0x3  }
0x92: {  	_ =	strace s17  }
0x93: {  	s2 =	sld [smem:$0x3FFC];
	_ =	sdelay $0x3  }
0x94: {  	_ =	strace s2  }
0x95: {  	s2 =	sld [smem:$0x3FFD];
	_ =	sdelay $0x3  }
0x96: {  	_ =	strace s2  }
0x97: {  	_ =	strace $0x8FFFFFFF  }
0x98: {  	s18 =	sld [smem:$0x3FDB];
	_ =	sdelay $0x1  }
0x99: {  	s19 =	simm.s32 $_scs_section_size  }
0x9a: {  	s4 =	simm.s32 $_size__tile_overlayer_lowered;
	s5 =	simm.s32 $_tile_overlayer_lowered  }
0x9b: {  	s22 =	simm.s32 $0x1BFF;
	s21 =	sshll.u32 s5, $0x1;
	s2 =	sadd.s32 s19, s18  }
0x9c: {  	s6 =	simm.s32 $0x0;
	s20 =	sshll.u32 s4, $0x1;
	s4 =	sadd.s32 s21, s2  }
0x9d: {  	[timem:s6], [sflag:s22] =	dma.local [hbm:s4], s20  }
0x9e: {  	_ =	swait.ge [sflag:s22], s20  }
0x9f: {  	s3 =	ssub.s32 $0x0, s20;
	[sflag:s22] =	ssyncset.done $0x0  }
0xa0: {  	[sflag:s22] =	ssyncadd.s32 s3;
	_ =	sdelay $0x1  }
0xa1: {  	s23 =	simm.s32 $0x1B8B  }
0xa2: {  	_ =	swait.ge [sflag:s23], $0x1  }
0xa3: {  	[sflag:s23] =	ssyncset.done $0x0  }
0xa4: {  	s25 =	simm.s32 $0x1B8E;
	s24 =	sld [smem:$0x3FFE];
	[sflag:s23] =	ssyncadd.s32 $0xFFFFFFFF  }
0xa5: {  	s26 =	simm.s32 $execute0_lowered;
	[smem:$0x3FD2] =	sst s25  }
0xa6: {  	s4 =	sshll.u32 s26, $0x1;
	_ =	strace $0x80000049;
	[dreg:$0x1] =	wrdreg $0xFFFFFFFF  }
0xa7: {  	s28 =	simm.s32 $_size_execute0_lowered;
	s2 =	sadd.s32 s2, s4;
	[dreg:$0x0] =	wrdreg $0x0  }
0xa8: {  	s4 =	sshll.u32 s28, $0x1;
	[dreg:$0x2] =	wrdreg s2  }
0xa9: {  	[dreg:$0x3] =	wrdreg s4  }
0xaa: {  	[dreg:$0x4] =	wrdreg $0xC0  }
0xab: {  	_ =	task [dreg:s6], $0x5FFFF  }
0xac: {  	[dreg:$0x1] =	wrdreg $0xFFFFFFFF  }
0xad: {  	[dreg:$0x0] =	wrdreg $0x60  }
0xae: {  	[dreg:$0x2] =	wrdreg s24  }
0xaf: {  	[dreg:$0x3] =	wrdreg $0xBF000  }
0xb0: {  	[dreg:$0x4] =	wrdreg $0x9  }
0xb1: {  	_ =	task.clear_ibuf [dreg:s6], $0x5FFFF;
	_ =	strace $0x90000049  }
0xb2: {  	s29 =	simm.s32 $0x9;
	_ =	strace $0x8000004B  }
0xb3: {  	_ =	swait.ge [sflag:s29], $0x1  }
0xb4: {  	[sflag:s29] =	ssyncadd.s32 $0xFFFFFFFF  }
0xb5: {  	_ =	strace $0x9000004B  }
0xb6: {  	_ =	sfence  }
0xb7: {  	s30 =	sld [smem:$0x0];
	_ =	sdelay $0x2  }
0xb8: {  	s31 =	sshll.u32 s1, $0xD;
	s1 =	sshrl.u32 s1, $0x2  }
0xb9: {  	s3 =	sand.u32 $0x4000, s31;
	s1 =	sadd.s32 s1, s30  }
0xba: {  	s0 =	sor.u32 s3, s0;
	s1 =	sshll.u32 s1, $0x11  }
0xbb: {  	s0 =	sor.u32 s1, s0  }
0xbc: {  	s0 =	sadd.s32 $0x8F2B, s0  }
0xbd: {  	[sflag:s0] =	ssyncadd.remote.s32 $0x1  }
0xbe: {  	_ =	sfence.sel $0xFFFF  }
0xbf: {  	[dreg:$0x0] =	wrdreg $0xFFFFFFFF;
	(pc) =	sbr.abs _section_cstart, $3  }
0xc0: {  	[dreg:$0x1] =	wrdreg $0xFFFFFFFF  }
0xc1: {  	_ =	task.clear_ibuf [dreg:s6], $0x2FFFF;
	_ =	strace $0x9FFFFFFF  }
0xc2: {  	(tm) =	ssettm $0x7FFFFFFF  }
0xc3: {  	_ =	shalt  }
tec
execute0_lowered:
.L_overlay_start_1:
0x0: {  	(tag) =	ssettag $0x1  }
0x1: {  	s0 =	rddreg [dreg:$0x0];
	s5 =	stileid.u32  }
0x2: {  	s1 =	rddreg [dreg:$0x1];
	s7 =	smul.u32 $0x14000, s5  }
0x3: {  	s2 =	srdreg.scid;
	s3 =	simm.s32 $0x0;
	s17 =	smul.u32 $0x50000, s5  }
0x4: {  	s29 =	simm.s32 $0x9700;
	s30 =	simm.s32 $0x4;
	s11 =	smul.u32 $0x4560, s5  }
0x5: {  	s31 =	simm.s32 $0x1;
	s2 =	sand.u32 $0x1, s2;
	s13 =	smul.u32 $0x960, s5  }
0x6: {  	[smem:$0x7FF] =	sst s3;
	s4 =	sadd.s32 $0x17000, s0;
	s26 =	smul.u32 $0x8AC, s5  }
0x7: {  	s8 =	sadd.s32 $0x3400, s0;
	s9 =	sadd.s32 $0xD200, s0;
	s28 =	smul.u32 $0x12C, s5  }
0x8: {  	s10 =	sadd.s32 $0x3E200, s0;
	s12 =	sshll.u32 s5, $0x6;
	s6 =	smul.u32 $0x140000, s2  }
0x9: {  	_ =	strace $0x8000004A;
	[dreg:$0x3] =	wrdreg s10;
	s16 =	ssub.s32 $0x2, s2  }
0xa: {  	p0 =	seq.s32 s2, $0x1;
	s18 =	sshrl.u32 s16, $0x1;
	s10 =	sshrl.u32 s17, $0x2  }
0xb: {  	s19 =	sshrl.u32 s11, $0x3;
	s20 =	sshrl.u32 s13, $0x3;
	s17 =	sadd.s32 s26, s9  }
0xc: {  	s26 =	simm.s32 $0x4680;
	s13 =	simm.s32 $0x0;
	s6 =	sadd.s32 s7, s6  }
0xd: {  	s7 =	ssub.s32 s16, s18;
	s10 =	sadd.s32 s10, s1;
	s21 =	sadd.s32 s8, s19  }
0xe: {  	s22 =	sadd.s32 s9, s19;
	s23 =	sadd.s32 $0x8AC0, s20;
	s25 =	sadd.s32 s9, s20  }
0xf: {  	s18 =	sadd.s32 s28, s9;
	s20 =	simm.s32 $0xA;
	[dreg:$0x4] =	wrdreg s21  }
0x10: {  	s6 =	sshrl.u32 s6, $0x3;
	s24 =	sadd.s32 $0xA, s22;
	[dreg:$0x5] =	wrdreg s22  }
0x11: {  	s8 =	sadd.s32 s8, s23;
	s2 =	sadd.s32 s9, s23;
	s11 =	sadd.s32 $0x8ACA, s25  }
0x12: {  	s16 =	smax.u32 s7, $0x1;
	s19 =	sshrl.u32 s10, $0x3;
	s21 =	simm.s32 $0x4580  }
0x13: {  	s23 =	simm.s32 $0x4700;
	s7 =	simm.s32 $0x6;
	[dreg:$0x6] =	wrdreg s24  }
0x14: {  	s9 =	simm.s32 $0x3;
	s10 =	simm.s32 $0x7;
	[dreg:$0x8] =	wrdreg s8  }
0x15: {  	s0 =	sadd.s32 s6, s0;
	s6 =	sor.u32 $0x1C0A, s12;
	[dreg:$0x9] =	wrdreg s2  }
.Ltmp0:
0x16: {  	s12 =	sadd.s32 $0x14, s22;
	[dreg:$0xa] =	wrdreg s11;
	(pc) =	sbr.rel .LBB2_1-.Ltmp0, $4  }
0x17: {  	s2 =	sadd.s32 $0x8AD4, s25;
	s22 =	simm.s32 $0x50;
	s24 =	simm.s32 $0x4600  }
0x18: {  	s25 =	simm.s32 $0x6F00;
	s11 =	simm.s32 $0x8;
	[dreg:$0x7] =	wrdreg s12  }
0x19: {  	[dreg:$0xb] =	wrdreg s2;
	s0 =	sadd.s32 $0x90A00, s0;
	s2 =	simm.s32 $0x2  }
0x1a: {  	s12 =	simm.s32 $0x9;
	[dreg:$0xc] =	wrdreg s0;
	s0 =	simm.s32 $0x5  }
.LBB2_7:
0x1b: {  	[tilespmem:s29], [sflag:$0x3] =	stream.indirect.gather [hbm4b:s4+s22], $0x80, s14, s22, $0xb8;
	[tilespmem:$0x1FF00] =	vst v63  }
.LBB2_8:
0x1c: {  	_ =	swait.ge [sflag:s30], $0x50  }
0x1d: {  	[sflag:s30] =	ssyncset.done $0x0  }
0x1e: {  	[sflag:s30] =	ssyncadd.s32 $0xFFFFFFB0  }
0x1f: {  	_ =	swait.ge [sflag:s31], $0x2800  }
0x20: {  	[sflag:s31] =	ssyncset.done $0x0  }
0x21: {  	[sflag:s31] =	ssyncadd.s32 $0xFFFFD800  }
0x22: {  	[spmem:s1] =	stream.indirect.scatter.add.f32 [tilespmem:s23], [sflag:$0x7], $0x80, s21, s22, $0xb8;
	[tilespmem:$0x1FF00] =	vst v63  }
0x23: {  	_ =	swait.ge [sflag:s0], $0x50  }
0x24: {  	[sflag:s0] =	ssyncset.done $0x0  }
0x25: {  	[sflag:s0] =	ssyncadd.s32 $0xFFFFFFB0  }
0x26: {  	_ =	swait.ge [sflag:s2], $0x2800  }
0x27: {  	[sflag:s2] =	ssyncset.done $0x0  }
0x28: {  	[sflag:s2] =	ssyncadd.s32 $0xFFFFD800  }
0x29: {  	[spmem:s1] =	stream.indirect.scatter.add.f32 [tilespmem:s25], [sflag:$0x8], $0x80, s24, s22, $0xb8;
	[tilespmem:$0x1FF00] =	vst v63  }
0x2a: {  	_ =	swait.ge [sflag:s7], $0x50  }
0x2b: {  	[sflag:s7] =	ssyncset.done $0x0  }
0x2c: {  	[sflag:s7] =	ssyncadd.s32 $0xFFFFFFB0  }
0x2d: {  	_ =	swait.ge [sflag:s9], $0x2800  }
0x2e: {  	[sflag:s9] =	ssyncset.done $0x0  }
0x2f: {  	[sflag:s9] =	ssyncadd.s32 $0xFFFFD800  }
0x30: {  	[spmem:s1] =	stream.indirect.scatter.add.f32 [tilespmem:s29], [sflag:$0x9], $0x80, s26, s22, $0xb8;
	[tilespmem:$0x1FF00] =	vst v63  }
0x31: {  	_ =	swait.ge [sflag:s10], $0x2800  }
0x32: {  	[sflag:s10] =	ssyncset.done $0x0  }
0x33: {  	[sflag:s10] =	ssyncadd.s32 $0xFFFFD800  }
0x34: {  	_ =	swait.ge [sflag:s11], $0x2800  }
0x35: {  	[sflag:s11] =	ssyncset.done $0x0  }
0x36: {  	[sflag:s11] =	ssyncadd.s32 $0xFFFFD800  }
0x37: {  	_ =	swait.ge [sflag:s12], $0x2800  }
0x38: {  	[sflag:s12] =	ssyncset.done $0x0  }
0x39: {  	s13 =	sadd.s32 $0x1, s13;
	[sflag:s12] =	ssyncadd.s32 $0xFFFFD800  }
0x3a: {  	p1 =	sne.s32 s13, s16;
	[bflag:$0x0] =	sbarrier.arrive $0xFFFF  }
.Ltmp1:
0x3b: {  	s5 =	rddreg [dreg:$0xc];
	(pc) =	sbr.rel @!p1 .LBB2_9-.Ltmp1, $4  }
0x3c: {  	[hbm:s5], [sflag:s6] =	dma.local [spmem:s19], $0x2800  }
0x3d: {  	_ =	swait.ge [sflag:s20], $0x2800  }
0x3e: {  	[sflag:s20] =	ssyncset.done $0x0  }
0x3f: {  	[sflag:s20] =	ssyncadd.s32 $0xFFFFD800  }
.LBB2_1:
0x40: {  	s5 =	rddreg [dreg:$0x3]  }
0x41: {  	[spmem:s19], [sflag:s6] =	dma.local [hbm:s5], $0x2800  }
.Ltmp2:
0x42: {  	_ =	swait.ge [sflag:s20], $0x2800;
	(pc) =	sbr.rel @!p0 .LBB2_2-.Ltmp2, $3  }
0x43: {  	[sflag:s20] =	ssyncset.done $0x0  }
0x44: {  	[sflag:s20] =	ssyncadd.s32 $0xFFFFD800  }
0x45: {  	[bflag:$0x0] =	sbarrier.arrive $0xFFFF;
	_ =	sdelay $0x1  }
0x46: {  	s5 =	simm.s32 $0x0;
	s8 =	rddreg [dreg:$0x8]  }
0x47: {  	[tilespmem:s5], [sflag:$0xA] =	stream.linear.gather [hbm4b:s8+s5], $0x960, $0x38;
	[tilespmem:$0x1FF00] =	vst v63  }
0x48: {  	_ =	swait.ge [sflag:s20], $0x960  }
0x49: {  	[sflag:s20] =	ssyncset.done $0x0  }
0x4a: {  	s15 =	rddreg [dreg:$0x9];
	[sflag:s20] =	ssyncadd.s32 $0xFFFFF6A0  }
0x4b: {  	[tilespmem:s21], [sflag:$0x4] =	stream.linear.gather [hbm4b:s15+s5], $0x50, $0x38;
	[tilespmem:$0x1FF00] =	vst v63  }
0x4c: {  	_ = 	snop  }
0x4d: {  	[tilespmem:s23], [sflag:$0x1] =	stream.indirect.gather [hbm4b:s4+s22], $0x80, s5, s22, $0xb8;
	[tilespmem:$0x1FF00] =	vst v63  }
0x4e: {  	s14 =	rddreg [dreg:$0xa]  }
0x4f: {  	[tilespmem:s24], [sflag:$0x5] =	stream.linear.gather [hbm4b:s14+s5], $0x50, $0x38;
	[tilespmem:$0x1FF00] =	vst v63  }
0x50: {  	_ = 	snop  }
0x51: {  	[tilespmem:s25], [sflag:$0x2] =	stream.indirect.gather [hbm4b:s4+s22], $0x80, s22, s22, $0xb8;
	[tilespmem:$0x1FF00] =	vst v63  }
0x52: {  	s15 =	rddreg [dreg:$0xb]  }
0x53: {  	[tilespmem:s26], [sflag:$0x6] =	stream.linear.gather [hbm4b:s15+s5], $0x50, $0x38;
	[tilespmem:$0x1FF00] =	vst v63  }
0x54: {  	s8 =	simm.s32 $0xA0  }
0x55: {  	[tilespmem:s29], [sflag:$0x3] =	stream.indirect.gather [hbm4b:s4+s22], $0x80, s8, s22, $0xb8;
	[tilespmem:$0x1FF00] =	vst v63  }
0x56: {  	_ =	swait.ge [sflag:s30], $0x50  }
0x57: {  	[sflag:s30] =	ssyncset.done $0x0  }
0x58: {  	[sflag:s30] =	ssyncadd.s32 $0xFFFFFFB0  }
0x59: {  	_ =	swait.ge [sflag:s31], $0x2800  }
0x5a: {  	[sflag:s31] =	ssyncset.done $0x0  }
0x5b: {  	[sflag:s31] =	ssyncadd.s32 $0xFFFFD800  }
0x5c: {  	[spmem:s1] =	stream.indirect.scatter.add.f32 [tilespmem:s23], [sflag:$0x7], $0x80, s21, s22, $0xb8;
	[tilespmem:$0x1FF00] =	vst v63  }
0x5d: {  	_ =	swait.ge [sflag:s0], $0x50  }
0x5e: {  	[sflag:s0] =	ssyncset.done $0x0  }
0x5f: {  	[sflag:s0] =	ssyncadd.s32 $0xFFFFFFB0  }
0x60: {  	_ =	swait.ge [sflag:s2], $0x2800  }
0x61: {  	[sflag:s2] =	ssyncset.done $0x0  }
0x62: {  	[sflag:s2] =	ssyncadd.s32 $0xFFFFD800  }
0x63: {  	[spmem:s1] =	stream.indirect.scatter.add.f32 [tilespmem:s25], [sflag:$0x8], $0x80, s24, s22, $0xb8;
	[tilespmem:$0x1FF00] =	vst v63  }
0x64: {  	_ =	swait.ge [sflag:s7], $0x50  }
0x65: {  	[sflag:s7] =	ssyncset.done $0x0  }
0x66: {  	[sflag:s7] =	ssyncadd.s32 $0xFFFFFFB0  }
0x67: {  	_ =	swait.ge [sflag:s9], $0x2800  }
0x68: {  	[sflag:s9] =	ssyncset.done $0x0  }
0x69: {  	[sflag:s9] =	ssyncadd.s32 $0xFFFFD800  }
0x6a: {  	[spmem:s1] =	stream.indirect.scatter.add.f32 [tilespmem:s29], [sflag:$0x9], $0x80, s26, s22, $0xb8;
	[tilespmem:$0x1FF00] =	vst v63  }
0x6b: {  	_ =	swait.ge [sflag:s10], $0x2800  }
0x6c: {  	s5 =	sadd.s32 $0x0, s18;
	[sflag:s10] =	ssyncset.done $0x0  }
0x6d: {  	s14 =	sadd.s32 $0x8ADE, s5;
	[sflag:s10] =	ssyncadd.s32 $0xFFFFD800  }
0x6e: {  	[tilespmem:s21], [sflag:$0x4] =	stream.linear.gather [hbm4b:s14+s3], $0x50, $0x38;
	[tilespmem:$0x1FF00] =	vst v63  }
0x6f: {  	s15 =	simm.s32 $0xF0  }
0x70: {  	[tilespmem:s23], [sflag:$0x1] =	stream.indirect.gather [hbm4b:s4+s22], $0x80, s15, s22, $0xb8;
	[tilespmem:$0x1FF00] =	vst v63  }
0x71: {  	_ =	swait.ge [sflag:s11], $0x2800  }
0x72: {  	[sflag:s11] =	ssyncset.done $0x0  }
0x73: {  	s14 =	sadd.s32 $0x8AE8, s5;
	[sflag:s11] =	ssyncadd.s32 $0xFFFFD800  }
0x74: {  	[tilespmem:s24], [sflag:$0x5] =	stream.linear.gather [hbm4b:s14+s3], $0x50, $0x38;
	[tilespmem:$0x1FF00] =	vst v63  }
0x75: {  	s15 =	simm.s32 $0x140  }
0x76: {  	[tilespmem:s25], [sflag:$0x2] =	stream.indirect.gather [hbm4b:s4+s22], $0x80, s15, s22, $0xb8;
	[tilespmem:$0x1FF00] =	vst v63  }
0x77: {  	_ =	swait.ge [sflag:s12], $0x2800  }
0x78: {  	s28 =	simm.s32 $0x1E;
	s8 =	simm.s32 $0x280;
	[sflag:s12] =	ssyncset.done $0x0  }
0x79: {  	s5 =	sadd.s32 $0x8AF2, s5;
	s14 =	simm.s32 $0x190;
	[sflag:s12] =	ssyncadd.s32 $0xFFFFD800  }
0x7a: {  	[tilespmem:s26], [sflag:$0x6] =	stream.linear.gather [hbm4b:s5+s3], $0x50, $0x38;
	[tilespmem:$0x1FF00] =	vst v63  }
.LBB2_6:
0x7b: {  	[tilespmem:s29], [sflag:$0x3] =	stream.indirect.gather [hbm4b:s4+s22], $0x80, s14, s22, $0xb8;
	[tilespmem:$0x1FF00] =	vst v63  }
0x7c: {  	s5 =	smov.u32 s28;
	s14 =	smov.u32 s8  }
0x7d: {  	p1 =	sne.s32 s28, $0xF0;
	s28 =	sadd.s32 $0x1E, s28;
	_ =	swait.ge [sflag:s30], $0x50  }
0x7e: {  	[sflag:s30] =	ssyncset.done $0x0  }
0x7f: {  	[sflag:s30] =	ssyncadd.s32 $0xFFFFFFB0  }
0x80: {  	_ =	swait.ge [sflag:s31], $0x2800  }
0x81: {  	[sflag:s31] =	ssyncset.done $0x0  }
0x82: {  	[sflag:s31] =	ssyncadd.s32 $0xFFFFD800  }
0x83: {  	[spmem:s1] =	stream.indirect.scatter.add.f32 [tilespmem:s23], [sflag:$0x7], $0x80, s21, s22, $0xb8;
	[tilespmem:$0x1FF00] =	vst v63  }
0x84: {  	_ =	swait.ge [sflag:s0], $0x50  }
0x85: {  	[sflag:s0] =	ssyncset.done $0x0  }
0x86: {  	[sflag:s0] =	ssyncadd.s32 $0xFFFFFFB0  }
0x87: {  	_ =	swait.ge [sflag:s2], $0x2800  }
0x88: {  	[sflag:s2] =	ssyncset.done $0x0  }
0x89: {  	[sflag:s2] =	ssyncadd.s32 $0xFFFFD800  }
0x8a: {  	[spmem:s1] =	stream.indirect.scatter.add.f32 [tilespmem:s25], [sflag:$0x8], $0x80, s24, s22, $0xb8;
	[tilespmem:$0x1FF00] =	vst v63  }
0x8b: {  	_ =	swait.ge [sflag:s7], $0x50  }
0x8c: {  	[sflag:s7] =	ssyncset.done $0x0  }
0x8d: {  	[sflag:s7] =	ssyncadd.s32 $0xFFFFFFB0  }
0x8e: {  	_ =	swait.ge [sflag:s9], $0x2800  }
0x8f: {  	[sflag:s9] =	ssyncset.done $0x0  }
0x90: {  	[sflag:s9] =	ssyncadd.s32 $0xFFFFD800  }
0x91: {  	[spmem:s1] =	stream.indirect.scatter.add.f32 [tilespmem:s29], [sflag:$0x9], $0x80, s26, s22, $0xb8;
	[tilespmem:$0x1FF00] =	vst v63  }
0x92: {  	_ =	swait.ge [sflag:s10], $0x2800  }
0x93: {  	s5 =	sadd.s32 s5, s18;
	[sflag:s10] =	ssyncset.done $0x0  }
0x94: {  	s15 =	sadd.s32 $0x8ADE, s5;
	[sflag:s10] =	ssyncadd.s32 $0xFFFFD800  }
0x95: {  	[tilespmem:s21], [sflag:$0x4] =	stream.linear.gather [hbm4b:s15+s3], $0x50, $0x38;
	[tilespmem:$0x1FF00] =	vst v63  }
0x96: {  	s15 =	sadd.s32 $0xFFFFFF60, s8  }
0x97: {  	[tilespmem:s23], [sflag:$0x1] =	stream.indirect.gather [hbm4b:s4+s22], $0x80, s15, s22, $0xb8;
	[tilespmem:$0x1FF00] =	vst v63  }
0x98: {  	_ =	swait.ge [sflag:s11], $0x2800  }
0x99: {  	[sflag:s11] =	ssyncset.done $0x0  }
0x9a: {  	s15 =	sadd.s32 $0x8AE8, s5;
	[sflag:s11] =	ssyncadd.s32 $0xFFFFD800  }
0x9b: {  	[tilespmem:s24], [sflag:$0x5] =	stream.linear.gather [hbm4b:s15+s3], $0x50, $0x38;
	[tilespmem:$0x1FF00] =	vst v63  }
0x9c: {  	s15 =	sadd.s32 $0xFFFFFFB0, s8  }
0x9d: {  	[tilespmem:s25], [sflag:$0x2] =	stream.indirect.gather [hbm4b:s4+s22], $0x80, s15, s22, $0xb8;
	[tilespmem:$0x1FF00] =	vst v63  }
.Ltmp3:
0x9e: {  	_ =	swait.ge [sflag:s12], $0x2800;
	(pc) =	sbr.rel @p1 .LBB2_6-.Ltmp3, $4  }
0x9f: {  	[sflag:s12] =	ssyncset.done $0x0  }
0xa0: {  	s5 =	sadd.s32 $0x8AF2, s5;
	[sflag:s12] =	ssyncadd.s32 $0xFFFFD800  }
0xa1: {  	[tilespmem:s26], [sflag:$0x6] =	stream.linear.gather [hbm4b:s5+s3], $0x50, $0x38;
	[tilespmem:$0x1FF00] =	vst v63  }
0xa2: {  	s8 =	sadd.s32 $0xF0, s8  }
.Ltmp4:
0xa3: {  	_ = 	snop;
	(pc) =	sbr.rel .LBB2_7-.Ltmp4, $1  }
0xa4: {  	_ =	sdelay $0x3  }
.LBB2_2:
0xa5: {  	s8 =	simm.s32 $0x0;
	s5 =	rddreg [dreg:$0x4]  }
0xa6: {  	[tilespmem:s8], [sflag:$0xA] =	stream.linear.gather [hbm4b:s5+s8], $0x4560, $0x38;
	[tilespmem:$0x1FF00] =	vst v63  }
0xa7: {  	_ =	swait.ge [sflag:s20], $0x4560  }
0xa8: {  	[sflag:s20] =	ssyncset.done $0x0  }
0xa9: {  	s15 =	rddreg [dreg:$0x5];
	[sflag:s20] =	ssyncadd.s32 $0xFFFFBAA0  }
0xaa: {  	[tilespmem:s21], [sflag:$0x4] =	stream.linear.gather [hbm4b:s15+s8], $0x50, $0x38;
	[tilespmem:$0x1FF00] =	vst v63  }
0xab: {  	_ = 	snop  }
0xac: {  	[tilespmem:s23], [sflag:$0x1] =	stream.indirect.gather [hbm4b:s4+s22], $0x80, s8, s22, $0xb8;
	[tilespmem:$0x1FF00] =	vst v63  }
0xad: {  	s14 =	rddreg [dreg:$0x6]  }
0xae: {  	[tilespmem:s24], [sflag:$0x5] =	stream.linear.gather [hbm4b:s14+s8], $0x50, $0x38;
	[tilespmem:$0x1FF00] =	vst v63  }
0xaf: {  	_ = 	snop  }
0xb0: {  	[tilespmem:s25], [sflag:$0x2] =	stream.indirect.gather [hbm4b:s4+s22], $0x80, s22, s22, $0xb8;
	[tilespmem:$0x1FF00] =	vst v63  }
0xb1: {  	s15 =	rddreg [dreg:$0x7]  }
0xb2: {  	[tilespmem:s26], [sflag:$0x6] =	stream.linear.gather [hbm4b:s15+s8], $0x50, $0x38;
	[tilespmem:$0x1FF00] =	vst v63  }
0xb3: {  	s14 =	simm.s32 $0xA0  }
0xb4: {  	[tilespmem:s29], [sflag:$0x3] =	stream.indirect.gather [hbm4b:s4+s22], $0x80, s14, s22, $0xb8;
	[tilespmem:$0x1FF00] =	vst v63  }
0xb5: {  	_ =	swait.ge [sflag:s30], $0x50  }
0xb6: {  	[sflag:s30] =	ssyncset.done $0x0  }
0xb7: {  	[sflag:s30] =	ssyncadd.s32 $0xFFFFFFB0  }
0xb8: {  	_ =	swait.ge [sflag:s31], $0x2800  }
0xb9: {  	[sflag:s31] =	ssyncset.done $0x0  }
0xba: {  	[sflag:s31] =	ssyncadd.s32 $0xFFFFD800  }
0xbb: {  	[spmem:s1] =	stream.indirect.scatter.add.f32 [tilespmem:s23], [sflag:$0x7], $0x80, s21, s22, $0xb8;
	[tilespmem:$0x1FF00] =	vst v63  }
0xbc: {  	_ =	swait.ge [sflag:s0], $0x50  }
0xbd: {  	[sflag:s0] =	ssyncset.done $0x0  }
0xbe: {  	[sflag:s0] =	ssyncadd.s32 $0xFFFFFFB0  }
0xbf: {  	_ =	swait.ge [sflag:s2], $0x2800  }
0xc0: {  	[sflag:s2] =	ssyncset.done $0x0  }
0xc1: {  	[sflag:s2] =	ssyncadd.s32 $0xFFFFD800  }
0xc2: {  	[spmem:s1] =	stream.indirect.scatter.add.f32 [tilespmem:s25], [sflag:$0x8], $0x80, s24, s22, $0xb8;
	[tilespmem:$0x1FF00] =	vst v63  }
0xc3: {  	_ =	swait.ge [sflag:s7], $0x50  }
0xc4: {  	[sflag:s7] =	ssyncset.done $0x0  }
0xc5: {  	[sflag:s7] =	ssyncadd.s32 $0xFFFFFFB0  }
0xc6: {  	_ =	swait.ge [sflag:s9], $0x2800  }
0xc7: {  	[sflag:s9] =	ssyncset.done $0x0  }
0xc8: {  	[sflag:s9] =	ssyncadd.s32 $0xFFFFD800  }
0xc9: {  	[spmem:s1] =	stream.indirect.scatter.add.f32 [tilespmem:s29], [sflag:$0x9], $0x80, s26, s22, $0xb8;
	[tilespmem:$0x1FF00] =	vst v63  }
0xca: {  	_ =	swait.ge [sflag:s10], $0x2800  }
0xcb: {  	s8 =	sadd.s32 $0x0, s17;
	[sflag:s10] =	ssyncset.done $0x0  }
0xcc: {  	s14 =	sadd.s32 $0x1E, s8;
	[sflag:s10] =	ssyncadd.s32 $0xFFFFD800  }
0xcd: {  	[tilespmem:s21], [sflag:$0x4] =	stream.linear.gather [hbm4b:s14+s3], $0x50, $0x38;
	[tilespmem:$0x1FF00] =	vst v63  }
0xce: {  	s15 =	simm.s32 $0xF0  }
0xcf: {  	[tilespmem:s23], [sflag:$0x1] =	stream.indirect.gather [hbm4b:s4+s22], $0x80, s15, s22, $0xb8;
	[tilespmem:$0x1FF00] =	vst v63  }
0xd0: {  	_ =	swait.ge [sflag:s11], $0x2800  }
0xd1: {  	[sflag:s11] =	ssyncset.done $0x0  }
0xd2: {  	s5 =	sadd.s32 $0x28, s8;
	[sflag:s11] =	ssyncadd.s32 $0xFFFFD800  }
0xd3: {  	[tilespmem:s24], [sflag:$0x5] =	stream.linear.gather [hbm4b:s5+s3], $0x50, $0x38;
	[tilespmem:$0x1FF00] =	vst v63  }
0xd4: {  	s15 =	simm.s32 $0x140  }
0xd5: {  	[tilespmem:s25], [sflag:$0x2] =	stream.indirect.gather [hbm4b:s4+s22], $0x80, s15, s22, $0xb8;
	[tilespmem:$0x1FF00] =	vst v63  }
0xd6: {  	_ =	swait.ge [sflag:s12], $0x2800  }
0xd7: {  	[sflag:s12] =	ssyncset.done $0x0  }
0xd8: {  	s8 =	sadd.s32 $0x32, s8;
	[sflag:s12] =	ssyncadd.s32 $0xFFFFD800  }
0xd9: {  	[tilespmem:s26], [sflag:$0x6] =	stream.linear.gather [hbm4b:s8+s3], $0x50, $0x38;
	[tilespmem:$0x1FF00] =	vst v63  }
0xda: {  	s28 =	simm.s32 $0x1E;
	s14 =	simm.s32 $0x190;
	s8 =	simm.s32 $0x280  }
.LBB2_3:
0xdb: {  	[tilespmem:s29], [sflag:$0x3] =	stream.indirect.gather [hbm4b:s4+s22], $0x80, s14, s22, $0xb8;
	[tilespmem:$0x1FF00] =	vst v63  }
0xdc: {  	s5 =	smov.u32 s28;
	s14 =	smov.u32 s8  }
0xdd: {  	p1 =	seq.s32 s28, $0x870;
	s28 =	sadd.s32 $0x1E, s28;
	_ =	swait.ge [sflag:s30], $0x50  }
0xde: {  	[sflag:s30] =	ssyncset.done $0x0  }
0xdf: {  	[sflag:s30] =	ssyncadd.s32 $0xFFFFFFB0  }
0xe0: {  	_ =	swait.ge [sflag:s31], $0x2800  }
0xe1: {  	[sflag:s31] =	ssyncset.done $0x0  }
0xe2: {  	[sflag:s31] =	ssyncadd.s32 $0xFFFFD800  }
0xe3: {  	[spmem:s1] =	stream.indirect.scatter.add.f32 [tilespmem:s23], [sflag:$0x7], $0x80, s21, s22, $0xb8;
	[tilespmem:$0x1FF00] =	vst v63  }
0xe4: {  	_ =	swait.ge [sflag:s0], $0x50  }
0xe5: {  	[sflag:s0] =	ssyncset.done $0x0  }
0xe6: {  	[sflag:s0] =	ssyncadd.s32 $0xFFFFFFB0  }
0xe7: {  	_ =	swait.ge [sflag:s2], $0x2800  }
0xe8: {  	[sflag:s2] =	ssyncset.done $0x0  }
0xe9: {  	[sflag:s2] =	ssyncadd.s32 $0xFFFFD800  }
0xea: {  	[spmem:s1] =	stream.indirect.scatter.add.f32 [tilespmem:s25], [sflag:$0x8], $0x80, s24, s22, $0xb8;
	[tilespmem:$0x1FF00] =	vst v63  }
0xeb: {  	_ =	swait.ge [sflag:s7], $0x50  }
0xec: {  	[sflag:s7] =	ssyncset.done $0x0  }
0xed: {  	[sflag:s7] =	ssyncadd.s32 $0xFFFFFFB0  }
0xee: {  	_ =	swait.ge [sflag:s9], $0x2800  }
0xef: {  	[sflag:s9] =	ssyncset.done $0x0  }
0xf0: {  	[sflag:s9] =	ssyncadd.s32 $0xFFFFD800  }
0xf1: {  	[spmem:s1] =	stream.indirect.scatter.add.f32 [tilespmem:s29], [sflag:$0x9], $0x80, s26, s22, $0xb8;
	[tilespmem:$0x1FF00] =	vst v63  }
0xf2: {  	_ =	swait.ge [sflag:s10], $0x2800  }
0xf3: {  	s5 =	sadd.s32 s5, s17;
	[sflag:s10] =	ssyncset.done $0x0  }
0xf4: {  	s15 =	sadd.s32 $0x1E, s5;
	[sflag:s10] =	ssyncadd.s32 $0xFFFFD800  }
0xf5: {  	[tilespmem:s21], [sflag:$0x4] =	stream.linear.gather [hbm4b:s15+s3], $0x50, $0x38;
	[tilespmem:$0x1FF00] =	vst v63  }
0xf6: {  	s15 =	sadd.s32 $0xFFFFFF60, s8  }
0xf7: {  	[tilespmem:s23], [sflag:$0x1] =	stream.indirect.gather [hbm4b:s4+s22], $0x80, s15, s22, $0xb8;
	[tilespmem:$0x1FF00] =	vst v63  }
0xf8: {  	_ =	swait.ge [sflag:s11], $0x2800  }
0xf9: {  	[sflag:s11] =	ssyncset.done $0x0  }
0xfa: {  	s15 =	sadd.s32 $0x28, s5;
	[sflag:s11] =	ssyncadd.s32 $0xFFFFD800  }
0xfb: {  	[tilespmem:s24], [sflag:$0x5] =	stream.linear.gather [hbm4b:s15+s3], $0x50, $0x38;
	[tilespmem:$0x1FF00] =	vst v63  }
0xfc: {  	s15 =	sadd.s32 $0xFFFFFFB0, s8  }
0xfd: {  	[tilespmem:s25], [sflag:$0x2] =	stream.indirect.gather [hbm4b:s4+s22], $0x80, s15, s22, $0xb8;
	[tilespmem:$0x1FF00] =	vst v63  }
.Ltmp5:
0xfe: {  	_ =	swait.ge [sflag:s12], $0x2800;
	(pc) =	sbr.rel @!p1 .LBB2_3-.Ltmp5, $4  }
0xff: {  	[sflag:s12] =	ssyncset.done $0x0  }
0x100: {  	s5 =	sadd.s32 $0x32, s5;
	[sflag:s12] =	ssyncadd.s32 $0xFFFFD800  }
0x101: {  	[tilespmem:s26], [sflag:$0x6] =	stream.linear.gather [hbm4b:s5+s3], $0x50, $0x38;
	[tilespmem:$0x1FF00] =	vst v63  }
0x102: {  	s8 =	sadd.s32 $0xF0, s8  }
.Ltmp6:
0x103: {  	(pc) =	sbr.rel .LBB2_8-.Ltmp6, $2  }
0x104: {  	_ =	sdelay $0x2  }
0x105: {  	[tilespmem:s29], [sflag:$0x3] =	stream.indirect.gather [hbm4b:s4+s22], $0x80, s14, s22, $0xb8;
	[tilespmem:$0x1FF00] =	vst v63  }
.LBB2_9:
0x106: {  	_ =	sfence.sel $0x180000  }
0x107: {  	[bflag:$0x0] =	sbarrier.arrive $0xFFFF  }
0x108: {  	_ =	strace $0x9000004A  }
0x109: {  	s0 =	stileid.u32;
	[bflag:$0x2] =	sbarrier.arrive $0xFFFF  }
0x10a: {  	p0 =	sne.s32 s0, $0x0;
	s0 =	rddreg [dreg:$0x2]  }
0x10b: {  	s0 =	sadd.s32 @!p0 $0x100000, s0  }
0x10c: {  	[sflag:s0] =	ssyncadd.tile.s32 @!p0 $0x1;
	_ =	shalt  }
.Lfunc_end2:
_tile_overlayer_lowered:
.L_overlay_start_2:
0x10d: {  	(tag) =	ssettag $0x2  }
0x10e: {  	s0 =	rddreg [dreg:$0x0];
	s2 =	stileid.u32  }
0x10f: {  	s1 =	rddreg [dreg:$0x1];
	p0 =	sne.s32 s2, $0x0  }
0x110: {  	s3 =	rddreg [dreg:$0x2];
	[bflag:$0x3] =	sbarrier.arrive $0xFFFF;
	s2 =	simm.s32 @!p0 $0x1C0A  }
0x111: {  	[timem:s3], [sflag:s2] =	dma.local @!p0 [hbm:s0], s1  }
0x112: {  	s0 =	simm.s32 @!p0 $0xA  }
0x113: {  	_ =	swait.ge @!p0 [sflag:s0], s1  }
0x114: {  	s1 =	ssub.s32 @!p0 $0x0, s1;
	[sflag:s0] =	ssyncset.done @!p0 $0x0  }
0x115: {  	[sflag:s0] =	ssyncadd.s32 @!p0 s1  }
0x116: {  	[bflag:$0x3] =	sbarrier.arrive $0xFFFF  }
0x117: {  	_ =	shalt  }

// kernel: kernel.15.cloned.1.call-start
scs
__scs_entry_jumppad:
0x0: {  	(pc) =	sbr.rel $0x88, $3  }
0x1: {  	(tag) =	ssettag $0x0;
	lr =	simm.s32 $0x1  }
0x2: {  	[smem:$0x3F97] =	sst lr;
	_ =	strace $0xD0000000  }
0x3: {  	_ = 	snop  }
0x4: {  	_ = 	snop  }
0x5: {  	_ = 	snop  }
0x6: {  	_ = 	snop  }
0x7: {  	_ = 	snop  }
__scs_overlays_trampoline_lowered:
0x8: {  	[smem:$0x3FA6] =	sst s0  }
0x9: {  	[smem:$0x3FA7] =	sst s1  }
0xa: {  	[smem:$0x3FA8] =	sst s2  }
0xb: {  	[smem:$0x3FA9] =	sst s3  }
0xc: {  	[smem:$0x3FAA] =	sst s4  }
0xd: {  	[smem:$0x3FAB] =	sst s5  }
0xe: {  	[smem:$0x3FAC] =	sst s6  }
0xf: {  	[smem:$0x3FAD] =	sst s7  }
0x10: {  	[smem:$0x3FAE] =	sst s8  }
0x11: {  	[smem:$0x3FAF] =	sst s9;
	s0 =	simm.s32 @!p0 $0x0  }
0x12: {  	s1 =	sld [smem:$0x3F95];
	s0 =	simm.s32 @p0 $0x1  }
0x13: {  	[smem:$0x3FB0] =	sst s0;
	s0 =	simm.s32 @!p1 $0x0  }
0x14: {  	s2 =	sld [smem:$0x3F94];
	s0 =	simm.s32 @p1 $0x1  }
0x15: {  	[smem:$0x3FB1] =	sst s0;
	s0 =	simm.s32 @!p2 $0x0  }
0x16: {  	s3 =	sld [smem:$0x3FDB];
	s0 =	simm.s32 @p2 $0x1  }
0x17: {  	s4 =	simm.s32 $0x1BF5;
	[smem:$0x3FB3] =	sst s0  }
0x18: {  	s0 =	sld [smem:$0x3F96];
	_ =	swait.ge [sflag:s4], $0x0  }
0x19: {  	s7 =	sld [smem:$0x3F97]  }
0x1a: {  	s8 =	sadd.s32 $0xFFFFE003, lr  }
0x1b: {  	s9 =	sadd.s32 $0xFFFFFEF7, lr;
	s5 =	simm.s32 $0xFFFFFFFF;
	p2 =	slt.u32 s8, $0xFFFFF086  }
0x1c: {  	p1 =	slt.u32 s9, $0xF7A;
	s5 =	simm.s32 @!p2 $0x0  }
0x1d: {  	s5 =	simm.s32 @p1 $0x1;
	p0 =	seq.s32 s7, s2  }
0x1e: {  	s7 =	smul.u32 @!p0 $0xF7A, s2;
	p2 =	seq.s32 @!p0 s5, $0x0  }
0x1f: {  	s9 =	smul.u32 $0xF7A, s1;
	s8 =	simm.s32 @!p0 $0x1BF5;
	p2 =	por !p2, p0  }
0x20: {  	[sflag:s8] =	ssyncset.s32 @!p0 $0xFFFFF086;
	s6 =	sadd.s32 @!p0 s3, s7;
	s7 =	simm.s32 @!p0 $0x108  }
0x21: {  	s3 =	sadd.s32 s3, s9;
	s6 =	sadd.s32 @!p0 $0x88, s6;
	s7 =	simm.s32 @p2 $0x1082  }
0x22: {  	[simem:s7], [sflag:s8] =	dma.local @!p0 [hbm:s6], $0xF7A  }
0x23: {  	s9 =	sor.u32 $0xD0000000, s2;
	s6 =	simm.s32 $0x108;
	_ =	swait.ge @!p0 [sflag:s8], $0x0  }
0x24: {  	s3 =	sadd.s32 $0x88, s3;
	s6 =	simm.s32 @!p1 $0x1082;
	[sflag:s4] =	ssyncset.s32 $0xFFFFF086  }
0x25: {  	[simem:s6], [sflag:s4] =	dma.local [hbm:s3], $0xF7A  }
0x26: {  	[smem:$0x3F97] =	sst s1;
	(tag) =	ssettag s2;
	_ =	strace s9  }
0x27: {  	s1 =	sld [smem:$0x3FA7]  }
0x28: {  	s2 =	sld [smem:$0x3FA8]  }
0x29: {  	s4 =	sld [smem:$0x3FAA]  }
0x2a: {  	p0 =	seq.s32 s5, $0x0;
	s5 =	sld [smem:$0x3FAB]  }
0x2b: {  	s6 =	sld [smem:$0x3FAC]  }
0x2c: {  	s7 =	sld [smem:$0x3FAD]  }
0x2d: {  	s3 =	simm.s32 $0x108;
	s8 =	sld [smem:$0x3FAE]  }
0x2e: {  	s3 =	simm.s32 @!p0 $0x1082;
	s9 =	sld [smem:$0x3FAF]  }
0x2f: {  	lr =	sadd.s32 s0, s3;
	s0 =	sld [smem:$0x3FA6]  }
0x30: {  	s3 =	sld [smem:$0x3FA9]  }
0x31: {  	[smem:$0x3FB2] =	sst s10  }
0x32: {  	s10 =	sld [smem:$0x3FB0];
	_ =	sdelay $0x3  }
0x33: {  	p0 =	seq.s32 s10, $0x1;
	s10 =	sld [smem:$0x3FB2];
	_ =	sdelay $0x3  }
0x34: {  	[smem:$0x3FB2] =	sst s10  }
0x35: {  	s10 =	sld [smem:$0x3FB1];
	_ =	sdelay $0x3  }
0x36: {  	p1 =	seq.s32 s10, $0x1;
	s10 =	sld [smem:$0x3FB2];
	_ =	sdelay $0x3  }
0x37: {  	[smem:$0x3FB2] =	sst s10  }
0x38: {  	s10 =	sld [smem:$0x3FB3]  }
0x39: {  	_ = 	snop;
	(pc) =	sbr.ind lr, $3  }
0x3a: {  	_ = 	snop  }
0x3b: {  	_ = 	snop  }
0x3c: {  	p2 =	seq.s32 s10, $0x1;
	s10 =	sld [smem:$0x3FB2]  }
0x3d: {  	_ =	shalt  }
0x3e: {  	_ =	shalt  }
0x3f: {  	_ =	shalt  }
0x40: {  	_ =	shalt  }
0x41: {  	_ =	shalt  }
0x42: {  	_ =	shalt  }
0x43: {  	_ =	shalt  }
0x44: {  	_ =	shalt  }
0x45: {  	_ =	shalt  }
0x46: {  	_ =	shalt  }
0x47: {  	_ =	shalt  }
0x48: {  	_ =	shalt  }
0x49: {  	_ =	shalt  }
0x4a: {  	_ =	shalt  }
0x4b: {  	_ =	shalt  }
0x4c: {  	_ =	shalt  }
0x4d: {  	_ =	shalt  }
0x4e: {  	_ =	shalt  }
0x4f: {  	_ =	shalt  }
0x50: {  	_ =	shalt  }
0x51: {  	_ =	shalt  }
0x52: {  	_ =	shalt  }
0x53: {  	_ =	shalt  }
0x54: {  	_ =	shalt  }
0x55: {  	_ =	shalt  }
0x56: {  	_ =	shalt  }
0x57: {  	_ =	shalt  }
0x58: {  	_ =	shalt  }
0x59: {  	_ =	shalt  }
0x5a: {  	_ =	shalt  }
0x5b: {  	_ =	shalt  }
0x5c: {  	_ =	shalt  }
0x5d: {  	_ =	shalt  }
0x5e: {  	_ =	shalt  }
0x5f: {  	_ =	shalt  }
0x60: {  	_ =	shalt  }
0x61: {  	_ =	shalt  }
0x62: {  	_ =	shalt  }
0x63: {  	_ =	shalt  }
0x64: {  	_ =	shalt  }
0x65: {  	_ =	shalt  }
0x66: {  	_ =	shalt  }
0x67: {  	_ =	shalt  }
0x68: {  	_ =	shalt  }
0x69: {  	_ =	shalt  }
0x6a: {  	_ =	shalt  }
0x6b: {  	_ =	shalt  }
0x6c: {  	_ =	shalt  }
0x6d: {  	_ =	shalt  }
0x6e: {  	_ =	shalt  }
0x6f: {  	_ =	shalt  }
0x70: {  	_ =	shalt  }
0x71: {  	_ =	shalt  }
0x72: {  	_ =	shalt  }
0x73: {  	_ =	shalt  }
0x74: {  	_ =	shalt  }
0x75: {  	_ =	shalt  }
0x76: {  	_ =	shalt  }
0x77: {  	_ =	shalt  }
0x78: {  	_ =	shalt  }
0x79: {  	_ =	shalt  }
0x7a: {  	_ =	shalt  }
0x7b: {  	_ =	shalt  }
0x7c: {  	_ =	shalt  }
0x7d: {  	_ =	shalt  }
0x7e: {  	_ =	shalt  }
0x7f: {  	_ =	shalt  }
0x80: {  	_ =	shalt  }
0x81: {  	_ =	shalt  }
0x82: {  	_ =	shalt  }
0x83: {  	_ =	shalt  }
0x84: {  	_ =	shalt  }
0x85: {  	_ =	shalt  }
0x86: {  	_ =	shalt  }
0x87: {  	_ =	shalt  }
.Lfunc_end0:
.L_simem_size_0:
called_computation.2_lowered:
.L_overlay_start_0:
0x88: {  	s2 =	sld [smem:$0x3FD9]  }
0x89: {  	s3 =	sld [smem:$0x3FFE];
	_ =	sdelay $0x1  }
0x8a: {  	s1 =	srdreg.scid  }
0x8b: {  	s0 =	sand.u32 $0x1, s1  }
0x8c: {  	s16 =	sshll.u32 s0, $0xA;
	s2 =	sadd.s32 s3, s2  }
0x8d: {  	s2 =	sadd.s32 s2, s16  }
0x8e: {  	[smem:$0x3FBE] =	sst s2  }
0x8f: {  	_ = 	snop  }
0x90: {  	(tm) =	ssettm $0x1  }
0x91: {  	s17 =	sld [smem:$0x3FFB];
	_ =	sdelay $0x3  }
0x92: {  	_ =	strace s17  }
0x93: {  	s2 =	sld [smem:$0x3FFC];
	_ =	sdelay $0x3  }
0x94: {  	_ =	strace s2  }
0x95: {  	s2 =	sld [smem:$0x3FFD];
	_ =	sdelay $0x3  }
0x96: {  	_ =	strace s2  }
0x97: {  	_ =	strace $0x8FFFFFFF  }
0x98: {  	s18 =	sld [smem:$0x3FDB];
	_ =	sdelay $0x1  }
0x99: {  	s19 =	simm.s32 $_scs_section_size  }
0x9a: {  	s4 =	simm.s32 $_size__tile_overlayer_lowered;
	s5 =	simm.s32 $_tile_overlayer_lowered  }
0x9b: {  	s22 =	simm.s32 $0x1BFF;
	s21 =	sshll.u32 s5, $0x1;
	s2 =	sadd.s32 s19, s18  }
0x9c: {  	s6 =	simm.s32 $0x0;
	s20 =	sshll.u32 s4, $0x1;
	s4 =	sadd.s32 s21, s2  }
0x9d: {  	[timem:s6], [sflag:s22] =	dma.local [hbm:s4], s20  }
0x9e: {  	_ =	swait.ge [sflag:s22], s20  }
0x9f: {  	s3 =	ssub.s32 $0x0, s20;
	[sflag:s22] =	ssyncset.done $0x0  }
0xa0: {  	[sflag:s22] =	ssyncadd.s32 s3;
	_ =	sdelay $0x1  }
0xa1: {  	s23 =	simm.s32 $0x1B8B  }
0xa2: {  	_ =	swait.ge [sflag:s23], $0x1  }
0xa3: {  	[sflag:s23] =	ssyncset.done $0x0  }
0xa4: {  	s25 =	simm.s32 $0x1B8E;
	s24 =	sld [smem:$0x3FFE];
	[sflag:s23] =	ssyncadd.s32 $0xFFFFFFFF  }
0xa5: {  	s26 =	simm.s32 $execute0_lowered;
	[smem:$0x3FD2] =	sst s25  }
0xa6: {  	s4 =	sshll.u32 s26, $0x1;
	_ =	strace $0x8000004C;
	[dreg:$0x1] =	wrdreg $0xFFFFFFFF  }
0xa7: {  	s28 =	simm.s32 $_size_execute0_lowered;
	s2 =	sadd.s32 s2, s4;
	[dreg:$0x0] =	wrdreg $0x0  }
0xa8: {  	s4 =	sshll.u32 s28, $0x1;
	[dreg:$0x2] =	wrdreg s2  }
0xa9: {  	[dreg:$0x3] =	wrdreg s4  }
0xaa: {  	[dreg:$0x4] =	wrdreg $0xC0  }
0xab: {  	_ =	task [dreg:s6], $0x5FFFF  }
0xac: {  	[dreg:$0x1] =	wrdreg $0xFFFFFFFF  }
0xad: {  	[dreg:$0x0] =	wrdreg $0x60  }
0xae: {  	[dreg:$0x2] =	wrdreg s24  }
0xaf: {  	[dreg:$0x3] =	wrdreg $0xBF000  }
0xb0: {  	[dreg:$0x4] =	wrdreg $0x9  }
0xb1: {  	_ =	task.clear_ibuf [dreg:s6], $0x5FFFF;
	_ =	strace $0x9000004C  }
0xb2: {  	s29 =	simm.s32 $0x9;
	_ =	strace $0x8000004E  }
0xb3: {  	_ =	swait.ge [sflag:s29], $0x1  }
0xb4: {  	[sflag:s29] =	ssyncadd.s32 $0xFFFFFFFF  }
0xb5: {  	_ =	strace $0x9000004E  }
0xb6: {  	_ =	sfence  }
0xb7: {  	s30 =	sld [smem:$0x0];
	_ =	sdelay $0x2  }
0xb8: {  	s31 =	sshll.u32 s1, $0xD;
	s1 =	sshrl.u32 s1, $0x2  }
0xb9: {  	s3 =	sand.u32 $0x4000, s31;
	s1 =	sadd.s32 s1, s30  }
0xba: {  	s0 =	sor.u32 s3, s0;
	s1 =	sshll.u32 s1, $0x11  }
0xbb: {  	s0 =	sor.u32 s1, s0  }
0xbc: {  	s0 =	sadd.s32 $0x8F2B, s0  }
0xbd: {  	[sflag:s0] =	ssyncadd.remote.s32 $0x1  }
0xbe: {  	_ =	sfence.sel $0xFFFF  }
0xbf: {  	[dreg:$0x0] =	wrdreg $0xFFFFFFFF;
	(pc) =	sbr.abs _section_cstart, $3  }
0xc0: {  	[dreg:$0x1] =	wrdreg $0xFFFFFFFF  }
0xc1: {  	_ =	task.clear_ibuf [dreg:s6], $0x2FFFF;
	_ =	strace $0x9FFFFFFF  }
0xc2: {  	(tm) =	ssettm $0x7FFFFFFF  }
0xc3: {  	_ =	shalt  }
tec
execute0_lowered:
.L_overlay_start_1:
0x0: {  	(tag) =	ssettag $0x1  }
0x1: {  	s0 =	rddreg [dreg:$0x0];
	s5 =	stileid.u32  }
0x2: {  	s1 =	rddreg [dreg:$0x1];
	s7 =	smul.u32 $0x14000, s5  }
0x3: {  	s2 =	srdreg.scid;
	s3 =	simm.s32 $0x0;
	s17 =	smul.u32 $0x50000, s5  }
0x4: {  	s29 =	simm.s32 $0x9700;
	s30 =	simm.s32 $0x4;
	s11 =	smul.u32 $0x4560, s5  }
0x5: {  	s31 =	simm.s32 $0x1;
	s2 =	sand.u32 $0x1, s2;
	s13 =	smul.u32 $0x960, s5  }
0x6: {  	[smem:$0x7FF] =	sst s3;
	s4 =	sadd.s32 $0x17000, s0;
	s26 =	smul.u32 $0x8AC, s5  }
0x7: {  	s8 =	sadd.s32 $0x3400, s0;
	s9 =	sadd.s32 $0xD200, s0;
	s28 =	smul.u32 $0x12C, s5  }
0x8: {  	s10 =	sadd.s32 $0x3E200, s0;
	s12 =	sshll.u32 s5, $0x6;
	s6 =	smul.u32 $0x140000, s2  }
0x9: {  	_ =	strace $0x8000004D;
	[dreg:$0x3] =	wrdreg s10;
	s16 =	ssub.s32 $0x2, s2  }
0xa: {  	p0 =	seq.s32 s2, $0x1;
	s18 =	sshrl.u32 s16, $0x1;
	s10 =	sshrl.u32 s17, $0x2  }
0xb: {  	s19 =	sshrl.u32 s11, $0x3;
	s20 =	sshrl.u32 s13, $0x3;
	s17 =	sadd.s32 s26, s9  }
0xc: {  	s26 =	simm.s32 $0x4680;
	s13 =	simm.s32 $0x0;
	s6 =	sadd.s32 s7, s6  }
0xd: {  	s7 =	ssub.s32 s16, s18;
	s10 =	sadd.s32 s10, s1;
	s21 =	sadd.s32 s8, s19  }
0xe: {  	s22 =	sadd.s32 s9, s19;
	s23 =	sadd.s32 $0x8AC0, s20;
	s25 =	sadd.s32 s9, s20  }
0xf: {  	s18 =	sadd.s32 s28, s9;
	s20 =	simm.s32 $0xA;
	[dreg:$0x4] =	wrdreg s21  }
0x10: {  	s6 =	sshrl.u32 s6, $0x3;
	s24 =	sadd.s32 $0xA, s22;
	[dreg:$0x5] =	wrdreg s22  }
0x11: {  	s8 =	sadd.s32 s8, s23;
	s2 =	sadd.s32 s9, s23;
	s11 =	sadd.s32 $0x8ACA, s25  }
0x12: {  	s16 =	smax.u32 s7, $0x1;
	s19 =	sshrl.u32 s10, $0x3;
	s21 =	simm.s32 $0x4580  }
0x13: {  	s23 =	simm.s32 $0x4700;
	s7 =	simm.s32 $0x6;
	[dreg:$0x6] =	wrdreg s24  }
0x14: {  	s9 =	simm.s32 $0x3;
	s10 =	simm.s32 $0x7;
	[dreg:$0x8] =	wrdreg s8  }
0x15: {  	s0 =	sadd.s32 s6, s0;
	s6 =	sor.u32 $0x1C0A, s12;
	[dreg:$0x9] =	wrdreg s2  }
.Ltmp0:
0x16: {  	s12 =	sadd.s32 $0x14, s22;
	[dreg:$0xa] =	wrdreg s11;
	(pc) =	sbr.rel .LBB2_1-.Ltmp0, $4  }
0x17: {  	s2 =	sadd.s32 $0x8AD4, s25;
	s22 =	simm.s32 $0x50;
	s24 =	simm.s32 $0x4600  }
0x18: {  	s25 =	simm.s32 $0x6F00;
	s11 =	simm.s32 $0x8;
	[dreg:$0x7] =	wrdreg s12  }
0x19: {  	[dreg:$0xb] =	wrdreg s2;
	s0 =	sadd.s32 $0x90A00, s0;
	s2 =	simm.s32 $0x2  }
0x1a: {  	s12 =	simm.s32 $0x9;
	[dreg:$0xc] =	wrdreg s0;
	s0 =	simm.s32 $0x5  }
.LBB2_7:
0x1b: {  	[tilespmem:s29], [sflag:$0x3] =	stream.indirect.gather [hbm4b:s4+s22], $0x80, s14, s22, $0xb8;
	[tilespmem:$0x1FF00] =	vst v63  }
.LBB2_8:
0x1c: {  	_ =	swait.ge [sflag:s30], $0x50  }
0x1d: {  	[sflag:s30] =	ssyncset.done $0x0  }
0x1e: {  	[sflag:s30] =	ssyncadd.s32 $0xFFFFFFB0  }
0x1f: {  	_ =	swait.ge [sflag:s31], $0x2800  }
0x20: {  	[sflag:s31] =	ssyncset.done $0x0  }
0x21: {  	[sflag:s31] =	ssyncadd.s32 $0xFFFFD800  }
0x22: {  	[spmem:s1] =	stream.indirect.scatter.add.f32 [tilespmem:s23], [sflag:$0x7], $0x80, s21, s22, $0xb8;
	[tilespmem:$0x1FF00] =	vst v63  }
0x23: {  	_ =	swait.ge [sflag:s0], $0x50  }
0x24: {  	[sflag:s0] =	ssyncset.done $0x0  }
0x25: {  	[sflag:s0] =	ssyncadd.s32 $0xFFFFFFB0  }
0x26: {  	_ =	swait.ge [sflag:s2], $0x2800  }
0x27: {  	[sflag:s2] =	ssyncset.done $0x0  }
0x28: {  	[sflag:s2] =	ssyncadd.s32 $0xFFFFD800  }
0x29: {  	[spmem:s1] =	stream.indirect.scatter.add.f32 [tilespmem:s25], [sflag:$0x8], $0x80, s24, s22, $0xb8;
	[tilespmem:$0x1FF00] =	vst v63  }
0x2a: {  	_ =	swait.ge [sflag:s7], $0x50  }
0x2b: {  	[sflag:s7] =	ssyncset.done $0x0  }
0x2c: {  	[sflag:s7] =	ssyncadd.s32 $0xFFFFFFB0  }
0x2d: {  	_ =	swait.ge [sflag:s9], $0x2800  }
0x2e: {  	[sflag:s9] =	ssyncset.done $0x0  }
0x2f: {  	[sflag:s9] =	ssyncadd.s32 $0xFFFFD800  }
0x30: {  	[spmem:s1] =	stream.indirect.scatter.add.f32 [tilespmem:s29], [sflag:$0x9], $0x80, s26, s22, $0xb8;
	[tilespmem:$0x1FF00] =	vst v63  }
0x31: {  	_ =	swait.ge [sflag:s10], $0x2800  }
0x32: {  	[sflag:s10] =	ssyncset.done $0x0  }
0x33: {  	[sflag:s10] =	ssyncadd.s32 $0xFFFFD800  }
0x34: {  	_ =	swait.ge [sflag:s11], $0x2800  }
0x35: {  	[sflag:s11] =	ssyncset.done $0x0  }
0x36: {  	[sflag:s11] =	ssyncadd.s32 $0xFFFFD800  }
0x37: {  	_ =	swait.ge [sflag:s12], $0x2800  }
0x38: {  	[sflag:s12] =	ssyncset.done $0x0  }
0x39: {  	s13 =	sadd.s32 $0x1, s13;
	[sflag:s12] =	ssyncadd.s32 $0xFFFFD800  }
0x3a: {  	p1 =	sne.s32 s13, s16;
	[bflag:$0x0] =	sbarrier.arrive $0xFFFF  }
.Ltmp1:
0x3b: {  	s5 =	rddreg [dreg:$0xc];
	(pc) =	sbr.rel @!p1 .LBB2_9-.Ltmp1, $4  }
0x3c: {  	[hbm:s5], [sflag:s6] =	dma.local [spmem:s19], $0x2800  }
0x3d: {  	_ =	swait.ge [sflag:s20], $0x2800  }
0x3e: {  	[sflag:s20] =	ssyncset.done $0x0  }
0x3f: {  	[sflag:s20] =	ssyncadd.s32 $0xFFFFD800  }
.LBB2_1:
0x40: {  	s5 =	rddreg [dreg:$0x3]  }
0x41: {  	[spmem:s19], [sflag:s6] =	dma.local [hbm:s5], $0x2800  }
.Ltmp2:
0x42: {  	_ =	swait.ge [sflag:s20], $0x2800;
	(pc) =	sbr.rel @!p0 .LBB2_2-.Ltmp2, $3  }
0x43: {  	[sflag:s20] =	ssyncset.done $0x0  }
0x44: {  	[sflag:s20] =	ssyncadd.s32 $0xFFFFD800  }
0x45: {  	[bflag:$0x0] =	sbarrier.arrive $0xFFFF;
	_ =	sdelay $0x1  }
0x46: {  	s5 =	simm.s32 $0x0;
	s8 =	rddreg [dreg:$0x8]  }
0x47: {  	[tilespmem:s5], [sflag:$0xA] =	stream.linear.gather [hbm4b:s8+s5], $0x960, $0x38;
	[tilespmem:$0x1FF00] =	vst v63  }
0x48: {  	_ =	swait.ge [sflag:s20], $0x960  }
0x49: {  	[sflag:s20] =	ssyncset.done $0x0  }
0x4a: {  	s15 =	rddreg [dreg:$0x9];
	[sflag:s20] =	ssyncadd.s32 $0xFFFFF6A0  }
0x4b: {  	[tilespmem:s21], [sflag:$0x4] =	stream.linear.gather [hbm4b:s15+s5], $0x50, $0x38;
	[tilespmem:$0x1FF00] =	vst v63  }
0x4c: {  	_ = 	snop  }
0x4d: {  	[tilespmem:s23], [sflag:$0x1] =	stream.indirect.gather [hbm4b:s4+s22], $0x80, s5, s22, $0xb8;
	[tilespmem:$0x1FF00] =	vst v63  }
0x4e: {  	s14 =	rddreg [dreg:$0xa]  }
0x4f: {  	[tilespmem:s24], [sflag:$0x5] =	stream.linear.gather [hbm4b:s14+s5], $0x50, $0x38;
	[tilespmem:$0x1FF00] =	vst v63  }
0x50: {  	_ = 	snop  }
0x51: {  	[tilespmem:s25], [sflag:$0x2] =	stream.indirect.gather [hbm4b:s4+s22], $0x80, s22, s22, $0xb8;
	[tilespmem:$0x1FF00] =	vst v63  }
0x52: {  	s15 =	rddreg [dreg:$0xb]  }
0x53: {  	[tilespmem:s26], [sflag:$0x6] =	stream.linear.gather [hbm4b:s15+s5], $0x50, $0x38;
	[tilespmem:$0x1FF00] =	vst v63  }
0x54: {  	s8 =	simm.s32 $0xA0  }
0x55: {  	[tilespmem:s29], [sflag:$0x3] =	stream.indirect.gather [hbm4b:s4+s22], $0x80, s8, s22, $0xb8;
	[tilespmem:$0x1FF00] =	vst v63  }
0x56: {  	_ =	swait.ge [sflag:s30], $0x50  }
0x57: {  	[sflag:s30] =	ssyncset.done $0x0  }
0x58: {  	[sflag:s30] =	ssyncadd.s32 $0xFFFFFFB0  }
0x59: {  	_ =	swait.ge [sflag:s31], $0x2800  }
0x5a: {  	[sflag:s31] =	ssyncset.done $0x0  }
0x5b: {  	[sflag:s31] =	ssyncadd.s32 $0xFFFFD800  }
0x5c: {  	[spmem:s1] =	stream.indirect.scatter.add.f32 [tilespmem:s23], [sflag:$0x7], $0x80, s21, s22, $0xb8;
	[tilespmem:$0x1FF00] =	vst v63  }
0x5d: {  	_ =	swait.ge [sflag:s0], $0x50  }
0x5e: {  	[sflag:s0] =	ssyncset.done $0x0  }
0x5f: {  	[sflag:s0] =	ssyncadd.s32 $0xFFFFFFB0  }
0x60: {  	_ =	swait.ge [sflag:s2], $0x2800  }
0x61: {  	[sflag:s2] =	ssyncset.done $0x0  }
0x62: {  	[sflag:s2] =	ssyncadd.s32 $0xFFFFD800  }
0x63: {  	[spmem:s1] =	stream.indirect.scatter.add.f32 [tilespmem:s25], [sflag:$0x8], $0x80, s24, s22, $0xb8;
	[tilespmem:$0x1FF00] =	vst v63  }
0x64: {  	_ =	swait.ge [sflag:s7], $0x50  }
0x65: {  	[sflag:s7] =	ssyncset.done $0x0  }
0x66: {  	[sflag:s7] =	ssyncadd.s32 $0xFFFFFFB0  }
0x67: {  	_ =	swait.ge [sflag:s9], $0x2800  }
0x68: {  	[sflag:s9] =	ssyncset.done $0x0  }
0x69: {  	[sflag:s9] =	ssyncadd.s32 $0xFFFFD800  }
0x6a: {  	[spmem:s1] =	stream.indirect.scatter.add.f32 [tilespmem:s29], [sflag:$0x9], $0x80, s26, s22, $0xb8;
	[tilespmem:$0x1FF00] =	vst v63  }
0x6b: {  	_ =	swait.ge [sflag:s10], $0x2800  }
0x6c: {  	s5 =	sadd.s32 $0x0, s18;
	[sflag:s10] =	ssyncset.done $0x0  }
0x6d: {  	s14 =	sadd.s32 $0x8ADE, s5;
	[sflag:s10] =	ssyncadd.s32 $0xFFFFD800  }
0x6e: {  	[tilespmem:s21], [sflag:$0x4] =	stream.linear.gather [hbm4b:s14+s3], $0x50, $0x38;
	[tilespmem:$0x1FF00] =	vst v63  }
0x6f: {  	s15 =	simm.s32 $0xF0  }
0x70: {  	[tilespmem:s23], [sflag:$0x1] =	stream.indirect.gather [hbm4b:s4+s22], $0x80, s15, s22, $0xb8;
	[tilespmem:$0x1FF00] =	vst v63  }
0x71: {  	_ =	swait.ge [sflag:s11], $0x2800  }
0x72: {  	[sflag:s11] =	ssyncset.done $0x0  }
0x73: {  	s14 =	sadd.s32 $0x8AE8, s5;
	[sflag:s11] =	ssyncadd.s32 $0xFFFFD800  }
0x74: {  	[tilespmem:s24], [sflag:$0x5] =	stream.linear.gather [hbm4b:s14+s3], $0x50, $0x38;
	[tilespmem:$0x1FF00] =	vst v63  }
0x75: {  	s15 =	simm.s32 $0x140  }
0x76: {  	[tilespmem:s25], [sflag:$0x2] =	stream.indirect.gather [hbm4b:s4+s22], $0x80, s15, s22, $0xb8;
	[tilespmem:$0x1FF00] =	vst v63  }
0x77: {  	_ =	swait.ge [sflag:s12], $0x2800  }
0x78: {  	s28 =	simm.s32 $0x1E;
	s8 =	simm.s32 $0x280;
	[sflag:s12] =	ssyncset.done $0x0  }
0x79: {  	s5 =	sadd.s32 $0x8AF2, s5;
	s14 =	simm.s32 $0x190;
	[sflag:s12] =	ssyncadd.s32 $0xFFFFD800  }
0x7a: {  	[tilespmem:s26], [sflag:$0x6] =	stream.linear.gather [hbm4b:s5+s3], $0x50, $0x38;
	[tilespmem:$0x1FF00] =	vst v63  }
.LBB2_6:
0x7b: {  	[tilespmem:s29], [sflag:$0x3] =	stream.indirect.gather [hbm4b:s4+s22], $0x80, s14, s22, $0xb8;
	[tilespmem:$0x1FF00] =	vst v63  }
0x7c: {  	s5 =	smov.u32 s28;
	s14 =	smov.u32 s8  }
0x7d: {  	p1 =	sne.s32 s28, $0xF0;
	s28 =	sadd.s32 $0x1E, s28;
	_ =	swait.ge [sflag:s30], $0x50  }
0x7e: {  	[sflag:s30] =	ssyncset.done $0x0  }
0x7f: {  	[sflag:s30] =	ssyncadd.s32 $0xFFFFFFB0  }
0x80: {  	_ =	swait.ge [sflag:s31], $0x2800  }
0x81: {  	[sflag:s31] =	ssyncset.done $0x0  }
0x82: {  	[sflag:s31] =	ssyncadd.s32 $0xFFFFD800  }
0x83: {  	[spmem:s1] =	stream.indirect.scatter.add.f32 [tilespmem:s23], [sflag:$0x7], $0x80, s21, s22, $0xb8;
	[tilespmem:$0x1FF00] =	vst v63  }
0x84: {  	_ =	swait.ge [sflag:s0], $0x50  }
0x85: {  	[sflag:s0] =	ssyncset.done $0x0  }
0x86: {  	[sflag:s0] =	ssyncadd.s32 $0xFFFFFFB0  }
0x87: {  	_ =	swait.ge [sflag:s2], $0x2800  }
0x88: {  	[sflag:s2] =	ssyncset.done $0x0  }
0x89: {  	[sflag:s2] =	ssyncadd.s32 $0xFFFFD800  }
0x8a: {  	[spmem:s1] =	stream.indirect.scatter.add.f32 [tilespmem:s25], [sflag:$0x8], $0x80, s24, s22, $0xb8;
	[tilespmem:$0x1FF00] =	vst v63  }
0x8b: {  	_ =	swait.ge [sflag:s7], $0x50  }
0x8c: {  	[sflag:s7] =	ssyncset.done $0x0  }
0x8d: {  	[sflag:s7] =	ssyncadd.s32 $0xFFFFFFB0  }
0x8e: {  	_ =	swait.ge [sflag:s9], $0x2800  }
0x8f: {  	[sflag:s9] =	ssyncset.done $0x0  }
0x90: {  	[sflag:s9] =	ssyncadd.s32 $0xFFFFD800  }
0x91: {  	[spmem:s1] =	stream.indirect.scatter.add.f32 [tilespmem:s29], [sflag:$0x9], $0x80, s26, s22, $0xb8;
	[tilespmem:$0x1FF00] =	vst v63  }
0x92: {  	_ =	swait.ge [sflag:s10], $0x2800  }
0x93: {  	s5 =	sadd.s32 s5, s18;
	[sflag:s10] =	ssyncset.done $0x0  }
0x94: {  	s15 =	sadd.s32 $0x8ADE, s5;
	[sflag:s10] =	ssyncadd.s32 $0xFFFFD800  }
0x95: {  	[tilespmem:s21], [sflag:$0x4] =	stream.linear.gather [hbm4b:s15+s3], $0x50, $0x38;
	[tilespmem:$0x1FF00] =	vst v63  }
0x96: {  	s15 =	sadd.s32 $0xFFFFFF60, s8  }
0x97: {  	[tilespmem:s23], [sflag:$0x1] =	stream.indirect.gather [hbm4b:s4+s22], $0x80, s15, s22, $0xb8;
	[tilespmem:$0x1FF00] =	vst v63  }
0x98: {  	_ =	swait.ge [sflag:s11], $0x2800  }
0x99: {  	[sflag:s11] =	ssyncset.done $0x0  }
0x9a: {  	s15 =	sadd.s32 $0x8AE8, s5;
	[sflag:s11] =	ssyncadd.s32 $0xFFFFD800  }
0x9b: {  	[tilespmem:s24], [sflag:$0x5] =	stream.linear.gather [hbm4b:s15+s3], $0x50, $0x38;
	[tilespmem:$0x1FF00] =	vst v63  }
0x9c: {  	s15 =	sadd.s32 $0xFFFFFFB0, s8  }
0x9d: {  	[tilespmem:s25], [sflag:$0x2] =	stream.indirect.gather [hbm4b:s4+s22], $0x80, s15, s22, $0xb8;
	[tilespmem:$0x1FF00] =	vst v63  }
.Ltmp3:
0x9e: {  	_ =	swait.ge [sflag:s12], $0x2800;
	(pc) =	sbr.rel @p1 .LBB2_6-.Ltmp3, $4  }
0x9f: {  	[sflag:s12] =	ssyncset.done $0x0  }
0xa0: {  	s5 =	sadd.s32 $0x8AF2, s5;
	[sflag:s12] =	ssyncadd.s32 $0xFFFFD800  }
0xa1: {  	[tilespmem:s26], [sflag:$0x6] =	stream.linear.gather [hbm4b:s5+s3], $0x50, $0x38;
	[tilespmem:$0x1FF00] =	vst v63  }
0xa2: {  	s8 =	sadd.s32 $0xF0, s8  }
.Ltmp4:
0xa3: {  	_ = 	snop;
	(pc) =	sbr.rel .LBB2_7-.Ltmp4, $1  }
0xa4: {  	_ =	sdelay $0x3  }
.LBB2_2:
0xa5: {  	s8 =	simm.s32 $0x0;
	s5 =	rddreg [dreg:$0x4]  }
0xa6: {  	[tilespmem:s8], [sflag:$0xA] =	stream.linear.gather [hbm4b:s5+s8], $0x4560, $0x38;
	[tilespmem:$0x1FF00] =	vst v63  }
0xa7: {  	_ =	swait.ge [sflag:s20], $0x4560  }
0xa8: {  	[sflag:s20] =	ssyncset.done $0x0  }
0xa9: {  	s15 =	rddreg [dreg:$0x5];
	[sflag:s20] =	ssyncadd.s32 $0xFFFFBAA0  }
0xaa: {  	[tilespmem:s21], [sflag:$0x4] =	stream.linear.gather [hbm4b:s15+s8], $0x50, $0x38;
	[tilespmem:$0x1FF00] =	vst v63  }
0xab: {  	_ = 	snop  }
0xac: {  	[tilespmem:s23], [sflag:$0x1] =	stream.indirect.gather [hbm4b:s4+s22], $0x80, s8, s22, $0xb8;
	[tilespmem:$0x1FF00] =	vst v63  }
0xad: {  	s14 =	rddreg [dreg:$0x6]  }
0xae: {  	[tilespmem:s24], [sflag:$0x5] =	stream.linear.gather [hbm4b:s14+s8], $0x50, $0x38;
	[tilespmem:$0x1FF00] =	vst v63  }
0xaf: {  	_ = 	snop  }
0xb0: {  	[tilespmem:s25], [sflag:$0x2] =	stream.indirect.gather [hbm4b:s4+s22], $0x80, s22, s22, $0xb8;
	[tilespmem:$0x1FF00] =	vst v63  }
0xb1: {  	s15 =	rddreg [dreg:$0x7]  }
0xb2: {  	[tilespmem:s26], [sflag:$0x6] =	stream.linear.gather [hbm4b:s15+s8], $0x50, $0x38;
	[tilespmem:$0x1FF00] =	vst v63  }
0xb3: {  	s14 =	simm.s32 $0xA0  }
0xb4: {  	[tilespmem:s29], [sflag:$0x3] =	stream.indirect.gather [hbm4b:s4+s22], $0x80, s14, s22, $0xb8;
	[tilespmem:$0x1FF00] =	vst v63  }
0xb5: {  	_ =	swait.ge [sflag:s30], $0x50  }
0xb6: {  	[sflag:s30] =	ssyncset.done $0x0  }
0xb7: {  	[sflag:s30] =	ssyncadd.s32 $0xFFFFFFB0  }
0xb8: {  	_ =	swait.ge [sflag:s31], $0x2800  }
0xb9: {  	[sflag:s31] =	ssyncset.done $0x0  }
0xba: {  	[sflag:s31] =	ssyncadd.s32 $0xFFFFD800  }
0xbb: {  	[spmem:s1] =	stream.indirect.scatter.add.f32 [tilespmem:s23], [sflag:$0x7], $0x80, s21, s22, $0xb8;
	[tilespmem:$0x1FF00] =	vst v63  }
0xbc: {  	_ =	swait.ge [sflag:s0], $0x50  }
0xbd: {  	[sflag:s0] =	ssyncset.done $0x0  }
0xbe: {  	[sflag:s0] =	ssyncadd.s32 $0xFFFFFFB0  }
0xbf: {  	_ =	swait.ge [sflag:s2], $0x2800  }
0xc0: {  	[sflag:s2] =	ssyncset.done $0x0  }
0xc1: {  	[sflag:s2] =	ssyncadd.s32 $0xFFFFD800  }
0xc2: {  	[spmem:s1] =	stream.indirect.scatter.add.f32 [tilespmem:s25], [sflag:$0x8], $0x80, s24, s22, $0xb8;
	[tilespmem:$0x1FF00] =	vst v63  }
0xc3: {  	_ =	swait.ge [sflag:s7], $0x50  }
0xc4: {  	[sflag:s7] =	ssyncset.done $0x0  }
0xc5: {  	[sflag:s7] =	ssyncadd.s32 $0xFFFFFFB0  }
0xc6: {  	_ =	swait.ge [sflag:s9], $0x2800  }
0xc7: {  	[sflag:s9] =	ssyncset.done $0x0  }
0xc8: {  	[sflag:s9] =	ssyncadd.s32 $0xFFFFD800  }
0xc9: {  	[spmem:s1] =	stream.indirect.scatter.add.f32 [tilespmem:s29], [sflag:$0x9], $0x80, s26, s22, $0xb8;
	[tilespmem:$0x1FF00] =	vst v63  }
0xca: {  	_ =	swait.ge [sflag:s10], $0x2800  }
0xcb: {  	s8 =	sadd.s32 $0x0, s17;
	[sflag:s10] =	ssyncset.done $0x0  }
0xcc: {  	s14 =	sadd.s32 $0x1E, s8;
	[sflag:s10] =	ssyncadd.s32 $0xFFFFD800  }
0xcd: {  	[tilespmem:s21], [sflag:$0x4] =	stream.linear.gather [hbm4b:s14+s3], $0x50, $0x38;
	[tilespmem:$0x1FF00] =	vst v63  }
0xce: {  	s15 =	simm.s32 $0xF0  }
0xcf: {  	[tilespmem:s23], [sflag:$0x1] =	stream.indirect.gather [hbm4b:s4+s22], $0x80, s15, s22, $0xb8;
	[tilespmem:$0x1FF00] =	vst v63  }
0xd0: {  	_ =	swait.ge [sflag:s11], $0x2800  }
0xd1: {  	[sflag:s11] =	ssyncset.done $0x0  }
0xd2: {  	s5 =	sadd.s32 $0x28, s8;
	[sflag:s11] =	ssyncadd.s32 $0xFFFFD800  }
0xd3: {  	[tilespmem:s24], [sflag:$0x5] =	stream.linear.gather [hbm4b:s5+s3], $0x50, $0x38;
	[tilespmem:$0x1FF00] =	vst v63  }
0xd4: {  	s15 =	simm.s32 $0x140  }
0xd5: {  	[tilespmem:s25], [sflag:$0x2] =	stream.indirect.gather [hbm4b:s4+s22], $0x80, s15, s22, $0xb8;
	[tilespmem:$0x1FF00] =	vst v63  }
0xd6: {  	_ =	swait.ge [sflag:s12], $0x2800  }
0xd7: {  	[sflag:s12] =	ssyncset.done $0x0  }
0xd8: {  	s8 =	sadd.s32 $0x32, s8;
	[sflag:s12] =	ssyncadd.s32 $0xFFFFD800  }
0xd9: {  	[tilespmem:s26], [sflag:$0x6] =	stream.linear.gather [hbm4b:s8+s3], $0x50, $0x38;
	[tilespmem:$0x1FF00] =	vst v63  }
0xda: {  	s28 =	simm.s32 $0x1E;
	s14 =	simm.s32 $0x190;
	s8 =	simm.s32 $0x280  }
.LBB2_3:
0xdb: {  	[tilespmem:s29], [sflag:$0x3] =	stream.indirect.gather [hbm4b:s4+s22], $0x80, s14, s22, $0xb8;
	[tilespmem:$0x1FF00] =	vst v63  }
0xdc: {  	s5 =	smov.u32 s28;
	s14 =	smov.u32 s8  }
0xdd: {  	p1 =	seq.s32 s28, $0x870;
	s28 =	sadd.s32 $0x1E, s28;
	_ =	swait.ge [sflag:s30], $0x50  }
0xde: {  	[sflag:s30] =	ssyncset.done $0x0  }
0xdf: {  	[sflag:s30] =	ssyncadd.s32 $0xFFFFFFB0  }
0xe0: {  	_ =	swait.ge [sflag:s31], $0x2800  }
0xe1: {  	[sflag:s31] =	ssyncset.done $0x0  }
0xe2: {  	[sflag:s31] =	ssyncadd.s32 $0xFFFFD800  }
0xe3: {  	[spmem:s1] =	stream.indirect.scatter.add.f32 [tilespmem:s23], [sflag:$0x7], $0x80, s21, s22, $0xb8;
	[tilespmem:$0x1FF00] =	vst v63  }
0xe4: {  	_ =	swait.ge [sflag:s0], $0x50  }
0xe5: {  	[sflag:s0] =	ssyncset.done $0x0  }
0xe6: {  	[sflag:s0] =	ssyncadd.s32 $0xFFFFFFB0  }
0xe7: {  	_ =	swait.ge [sflag:s2], $0x2800  }
0xe8: {  	[sflag:s2] =	ssyncset.done $0x0  }
0xe9: {  	[sflag:s2] =	ssyncadd.s32 $0xFFFFD800  }
0xea: {  	[spmem:s1] =	stream.indirect.scatter.add.f32 [tilespmem:s25], [sflag:$0x8], $0x80, s24, s22, $0xb8;
	[tilespmem:$0x1FF00] =	vst v63  }
0xeb: {  	_ =	swait.ge [sflag:s7], $0x50  }
0xec: {  	[sflag:s7] =	ssyncset.done $0x0  }
0xed: {  	[sflag:s7] =	ssyncadd.s32 $0xFFFFFFB0  }
0xee: {  	_ =	swait.ge [sflag:s9], $0x2800  }
0xef: {  	[sflag:s9] =	ssyncset.done $0x0  }
0xf0: {  	[sflag:s9] =	ssyncadd.s32 $0xFFFFD800  }
0xf1: {  	[spmem:s1] =	stream.indirect.scatter.add.f32 [tilespmem:s29], [sflag:$0x9], $0x80, s26, s22, $0xb8;
	[tilespmem:$0x1FF00] =	vst v63  }
0xf2: {  	_ =	swait.ge [sflag:s10], $0x2800  }
0xf3: {  	s5 =	sadd.s32 s5, s17;
	[sflag:s10] =	ssyncset.done $0x0  }
0xf4: {  	s15 =	sadd.s32 $0x1E, s5;
	[sflag:s10] =	ssyncadd.s32 $0xFFFFD800  }
0xf5: {  	[tilespmem:s21], [sflag:$0x4] =	stream.linear.gather [hbm4b:s15+s3], $0x50, $0x38;
	[tilespmem:$0x1FF00] =	vst v63  }
0xf6: {  	s15 =	sadd.s32 $0xFFFFFF60, s8  }
0xf7: {  	[tilespmem:s23], [sflag:$0x1] =	stream.indirect.gather [hbm4b:s4+s22], $0x80, s15, s22, $0xb8;
	[tilespmem:$0x1FF00] =	vst v63  }
0xf8: {  	_ =	swait.ge [sflag:s11], $0x2800  }
0xf9: {  	[sflag:s11] =	ssyncset.done $0x0  }
0xfa: {  	s15 =	sadd.s32 $0x28, s5;
	[sflag:s11] =	ssyncadd.s32 $0xFFFFD800  }
0xfb: {  	[tilespmem:s24], [sflag:$0x5] =	stream.linear.gather [hbm4b:s15+s3], $0x50, $0x38;
	[tilespmem:$0x1FF00] =	vst v63  }
0xfc: {  	s15 =	sadd.s32 $0xFFFFFFB0, s8  }
0xfd: {  	[tilespmem:s25], [sflag:$0x2] =	stream.indirect.gather [hbm4b:s4+s22], $0x80, s15, s22, $0xb8;
	[tilespmem:$0x1FF00] =	vst v63  }
.Ltmp5:
0xfe: {  	_ =	swait.ge [sflag:s12], $0x2800;
	(pc) =	sbr.rel @!p1 .LBB2_3-.Ltmp5, $4  }
0xff: {  	[sflag:s12] =	ssyncset.done $0x0  }
0x100: {  	s5 =	sadd.s32 $0x32, s5;
	[sflag:s12] =	ssyncadd.s32 $0xFFFFD800  }
0x101: {  	[tilespmem:s26], [sflag:$0x6] =	stream.linear.gather [hbm4b:s5+s3], $0x50, $0x38;
	[tilespmem:$0x1FF00] =	vst v63  }
0x102: {  	s8 =	sadd.s32 $0xF0, s8  }
.Ltmp6:
0x103: {  	(pc) =	sbr.rel .LBB2_8-.Ltmp6, $2  }
0x104: {  	_ =	sdelay $0x2  }
0x105: {  	[tilespmem:s29], [sflag:$0x3] =	stream.indirect.gather [hbm4b:s4+s22], $0x80, s14, s22, $0xb8;
	[tilespmem:$0x1FF00] =	vst v63  }
.LBB2_9:
0x106: {  	_ =	sfence.sel $0x180000  }
0x107: {  	[bflag:$0x0] =	sbarrier.arrive $0xFFFF  }
0x108: {  	_ =	strace $0x9000004D  }
0x109: {  	s0 =	stileid.u32;
	[bflag:$0x2] =	sbarrier.arrive $0xFFFF  }
0x10a: {  	p0 =	sne.s32 s0, $0x0;
	s0 =	rddreg [dreg:$0x2]  }
0x10b: {  	s0 =	sadd.s32 @!p0 $0x100000, s0  }
0x10c: {  	[sflag:s0] =	ssyncadd.tile.s32 @!p0 $0x1;
	_ =	shalt  }
.Lfunc_end2:
_tile_overlayer_lowered:
.L_overlay_start_2:
0x10d: {  	(tag) =	ssettag $0x2  }
0x10e: {  	s0 =	rddreg [dreg:$0x0];
	s2 =	stileid.u32  }
0x10f: {  	s1 =	rddreg [dreg:$0x1];
	p0 =	sne.s32 s2, $0x0  }
0x110: {  	s3 =	rddreg [dreg:$0x2];
	[bflag:$0x3] =	sbarrier.arrive $0xFFFF;
	s2 =	simm.s32 @!p0 $0x1C0A  }
0x111: {  	[timem:s3], [sflag:s2] =	dma.local @!p0 [hbm:s0], s1  }
0x112: {  	s0 =	simm.s32 @!p0 $0xA  }
0x113: {  	_ =	swait.ge @!p0 [sflag:s0], s1  }
0x114: {  	s1 =	ssub.s32 @!p0 $0x0, s1;
	[sflag:s0] =	ssyncset.done @!p0 $0x0  }
0x115: {  	[sflag:s0] =	ssyncadd.s32 @!p0 s1  }
0x116: {  	[bflag:$0x3] =	sbarrier.arrive $0xFFFF  }
0x117: {  	_ =	shalt  }

// kernel: kernel.9.cloned.1.call-start
scs
__scs_entry_jumppad:
0x0: {  	(pc) =	sbr.rel $0x88, $3  }
0x1: {  	(tag) =	ssettag $0x0;
	lr =	simm.s32 $0x1  }
0x2: {  	[smem:$0x3F97] =	sst lr;
	_ =	strace $0xD0000000  }
0x3: {  	_ = 	snop  }
0x4: {  	_ = 	snop  }
0x5: {  	_ = 	snop  }
0x6: {  	_ = 	snop  }
0x7: {  	_ = 	snop  }
__scs_overlays_trampoline_lowered:
0x8: {  	[smem:$0x3FA6] =	sst s0  }
0x9: {  	[smem:$0x3FA7] =	sst s1  }
0xa: {  	[smem:$0x3FA8] =	sst s2  }
0xb: {  	[smem:$0x3FA9] =	sst s3  }
0xc: {  	[smem:$0x3FAA] =	sst s4  }
0xd: {  	[smem:$0x3FAB] =	sst s5  }
0xe: {  	[smem:$0x3FAC] =	sst s6  }
0xf: {  	[smem:$0x3FAD] =	sst s7  }
0x10: {  	[smem:$0x3FAE] =	sst s8  }
0x11: {  	[smem:$0x3FAF] =	sst s9;
	s0 =	simm.s32 @!p0 $0x0  }
0x12: {  	s1 =	sld [smem:$0x3F95];
	s0 =	simm.s32 @p0 $0x1  }
0x13: {  	[smem:$0x3FB0] =	sst s0;
	s0 =	simm.s32 @!p1 $0x0  }
0x14: {  	s2 =	sld [smem:$0x3F94];
	s0 =	simm.s32 @p1 $0x1  }
0x15: {  	[smem:$0x3FB1] =	sst s0;
	s0 =	simm.s32 @!p2 $0x0  }
0x16: {  	s3 =	sld [smem:$0x3FDB];
	s0 =	simm.s32 @p2 $0x1  }
0x17: {  	s4 =	simm.s32 $0x1BF5;
	[smem:$0x3FB3] =	sst s0  }
0x18: {  	s0 =	sld [smem:$0x3F96];
	_ =	swait.ge [sflag:s4], $0x0  }
0x19: {  	s7 =	sld [smem:$0x3F97]  }
0x1a: {  	s8 =	sadd.s32 $0xFFFFE003, lr  }
0x1b: {  	s9 =	sadd.s32 $0xFFFFFEF7, lr;
	s5 =	simm.s32 $0xFFFFFFFF;
	p2 =	slt.u32 s8, $0xFFFFF086  }
0x1c: {  	p1 =	slt.u32 s9, $0xF7A;
	s5 =	simm.s32 @!p2 $0x0  }
0x1d: {  	s5 =	simm.s32 @p1 $0x1;
	p0 =	seq.s32 s7, s2  }
0x1e: {  	s7 =	smul.u32 @!p0 $0xF7A, s2;
	p2 =	seq.s32 @!p0 s5, $0x0  }
0x1f: {  	s9 =	smul.u32 $0xF7A, s1;
	s8 =	simm.s32 @!p0 $0x1BF5;
	p2 =	por !p2, p0  }
0x20: {  	[sflag:s8] =	ssyncset.s32 @!p0 $0xFFFFF086;
	s6 =	sadd.s32 @!p0 s3, s7;
	s7 =	simm.s32 @!p0 $0x108  }
0x21: {  	s3 =	sadd.s32 s3, s9;
	s6 =	sadd.s32 @!p0 $0x88, s6;
	s7 =	simm.s32 @p2 $0x1082  }
0x22: {  	[simem:s7], [sflag:s8] =	dma.local @!p0 [hbm:s6], $0xF7A  }
0x23: {  	s9 =	sor.u32 $0xD0000000, s2;
	s6 =	simm.s32 $0x108;
	_ =	swait.ge @!p0 [sflag:s8], $0x0  }
0x24: {  	s3 =	sadd.s32 $0x88, s3;
	s6 =	simm.s32 @!p1 $0x1082;
	[sflag:s4] =	ssyncset.s32 $0xFFFFF086  }
0x25: {  	[simem:s6], [sflag:s4] =	dma.local [hbm:s3], $0xF7A  }
0x26: {  	[smem:$0x3F97] =	sst s1;
	(tag) =	ssettag s2;
	_ =	strace s9  }
0x27: {  	s1 =	sld [smem:$0x3FA7]  }
0x28: {  	s2 =	sld [smem:$0x3FA8]  }
0x29: {  	s4 =	sld [smem:$0x3FAA]  }
0x2a: {  	p0 =	seq.s32 s5, $0x0;
	s5 =	sld [smem:$0x3FAB]  }
0x2b: {  	s6 =	sld [smem:$0x3FAC]  }
0x2c: {  	s7 =	sld [smem:$0x3FAD]  }
0x2d: {  	s3 =	simm.s32 $0x108;
	s8 =	sld [smem:$0x3FAE]  }
0x2e: {  	s3 =	simm.s32 @!p0 $0x1082;
	s9 =	sld [smem:$0x3FAF]  }
0x2f: {  	lr =	sadd.s32 s0, s3;
	s0 =	sld [smem:$0x3FA6]  }
0x30: {  	s3 =	sld [smem:$0x3FA9]  }
0x31: {  	[smem:$0x3FB2] =	sst s10  }
0x32: {  	s10 =	sld [smem:$0x3FB0];
	_ =	sdelay $0x3  }
0x33: {  	p0 =	seq.s32 s10, $0x1;
	s10 =	sld [smem:$0x3FB2];
	_ =	sdelay $0x3  }
0x34: {  	[smem:$0x3FB2] =	sst s10  }
0x35: {  	s10 =	sld [smem:$0x3FB1];
	_ =	sdelay $0x3  }
0x36: {  	p1 =	seq.s32 s10, $0x1;
	s10 =	sld [smem:$0x3FB2];
	_ =	sdelay $0x3  }
0x37: {  	[smem:$0x3FB2] =	sst s10  }
0x38: {  	s10 =	sld [smem:$0x3FB3]  }
0x39: {  	_ = 	snop;
	(pc) =	sbr.ind lr, $3  }
0x3a: {  	_ = 	snop  }
0x3b: {  	_ = 	snop  }
0x3c: {  	p2 =	seq.s32 s10, $0x1;
	s10 =	sld [smem:$0x3FB2]  }
0x3d: {  	_ =	shalt  }
0x3e: {  	_ =	shalt  }
0x3f: {  	_ =	shalt  }
0x40: {  	_ =	shalt  }
0x41: {  	_ =	shalt  }
0x42: {  	_ =	shalt  }
0x43: {  	_ =	shalt  }
0x44: {  	_ =	shalt  }
0x45: {  	_ =	shalt  }
0x46: {  	_ =	shalt  }
0x47: {  	_ =	shalt  }
0x48: {  	_ =	shalt  }
0x49: {  	_ =	shalt  }
0x4a: {  	_ =	shalt  }
0x4b: {  	_ =	shalt  }
0x4c: {  	_ =	shalt  }
0x4d: {  	_ =	shalt  }
0x4e: {  	_ =	shalt  }
0x4f: {  	_ =	shalt  }
0x50: {  	_ =	shalt  }
0x51: {  	_ =	shalt  }
0x52: {  	_ =	shalt  }
0x53: {  	_ =	shalt  }
0x54: {  	_ =	shalt  }
0x55: {  	_ =	shalt  }
0x56: {  	_ =	shalt  }
0x57: {  	_ =	shalt  }
0x58: {  	_ =	shalt  }
0x59: {  	_ =	shalt  }
0x5a: {  	_ =	shalt  }
0x5b: {  	_ =	shalt  }
0x5c: {  	_ =	shalt  }
0x5d: {  	_ =	shalt  }
0x5e: {  	_ =	shalt  }
0x5f: {  	_ =	shalt  }
0x60: {  	_ =	shalt  }
0x61: {  	_ =	shalt  }
0x62: {  	_ =	shalt  }
0x63: {  	_ =	shalt  }
0x64: {  	_ =	shalt  }
0x65: {  	_ =	shalt  }
0x66: {  	_ =	shalt  }
0x67: {  	_ =	shalt  }
0x68: {  	_ =	shalt  }
0x69: {  	_ =	shalt  }
0x6a: {  	_ =	shalt  }
0x6b: {  	_ =	shalt  }
0x6c: {  	_ =	shalt  }
0x6d: {  	_ =	shalt  }
0x6e: {  	_ =	shalt  }
0x6f: {  	_ =	shalt  }
0x70: {  	_ =	shalt  }
0x71: {  	_ =	shalt  }
0x72: {  	_ =	shalt  }
0x73: {  	_ =	shalt  }
0x74: {  	_ =	shalt  }
0x75: {  	_ =	shalt  }
0x76: {  	_ =	shalt  }
0x77: {  	_ =	shalt  }
0x78: {  	_ =	shalt  }
0x79: {  	_ =	shalt  }
0x7a: {  	_ =	shalt  }
0x7b: {  	_ =	shalt  }
0x7c: {  	_ =	shalt  }
0x7d: {  	_ =	shalt  }
0x7e: {  	_ =	shalt  }
0x7f: {  	_ =	shalt  }
0x80: {  	_ =	shalt  }
0x81: {  	_ =	shalt  }
0x82: {  	_ =	shalt  }
0x83: {  	_ =	shalt  }
0x84: {  	_ =	shalt  }
0x85: {  	_ =	shalt  }
0x86: {  	_ =	shalt  }
0x87: {  	_ =	shalt  }
.Lfunc_end0:
.L_simem_size_0:
called_computation_lowered:
.L_overlay_start_0:
0x88: {  	s2 =	sld [smem:$0x3FD9]  }
0x89: {  	s3 =	sld [smem:$0x3FFE];
	_ =	sdelay $0x1  }
0x8a: {  	s1 =	srdreg.scid  }
0x8b: {  	s0 =	sand.u32 $0x1, s1  }
0x8c: {  	s16 =	sshll.u32 s0, $0xA;
	s2 =	sadd.s32 s3, s2  }
0x8d: {  	s2 =	sadd.s32 s2, s16  }
0x8e: {  	[smem:$0x3FBE] =	sst s2  }
0x8f: {  	_ = 	snop  }
0x90: {  	(tm) =	ssettm $0x1  }
0x91: {  	s17 =	sld [smem:$0x3FFB];
	_ =	sdelay $0x3  }
0x92: {  	_ =	strace s17  }
0x93: {  	s2 =	sld [smem:$0x3FFC];
	_ =	sdelay $0x3  }
0x94: {  	_ =	strace s2  }
0x95: {  	s2 =	sld [smem:$0x3FFD];
	_ =	sdelay $0x3  }
0x96: {  	_ =	strace s2  }
0x97: {  	_ =	strace $0x8FFFFFFF  }
0x98: {  	s18 =	sld [smem:$0x3FDB];
	_ =	sdelay $0x1  }
0x99: {  	s19 =	simm.s32 $_scs_section_size  }
0x9a: {  	s4 =	simm.s32 $_size__tile_overlayer_lowered;
	s5 =	simm.s32 $_tile_overlayer_lowered  }
0x9b: {  	s22 =	simm.s32 $0x1BFF;
	s21 =	sshll.u32 s5, $0x1;
	s2 =	sadd.s32 s19, s18  }
0x9c: {  	s6 =	simm.s32 $0x0;
	s20 =	sshll.u32 s4, $0x1;
	s4 =	sadd.s32 s21, s2  }
0x9d: {  	[timem:s6], [sflag:s22] =	dma.local [hbm:s4], s20  }
0x9e: {  	_ =	swait.ge [sflag:s22], s20  }
0x9f: {  	s3 =	ssub.s32 $0x0, s20;
	[sflag:s22] =	ssyncset.done $0x0  }
0xa0: {  	[sflag:s22] =	ssyncadd.s32 s3;
	_ =	sdelay $0x1  }
0xa1: {  	s23 =	simm.s32 $0x1B8B  }
0xa2: {  	_ =	swait.ge [sflag:s23], $0x1  }
0xa3: {  	[sflag:s23] =	ssyncset.done $0x0  }
0xa4: {  	s25 =	simm.s32 $0x1B8E;
	s24 =	sld [smem:$0x3FFE];
	[sflag:s23] =	ssyncadd.s32 $0xFFFFFFFF  }
0xa5: {  	s26 =	simm.s32 $execute0_lowered;
	[smem:$0x3FD2] =	sst s25  }
0xa6: {  	s4 =	sshll.u32 s26, $0x1;
	_ =	strace $0x80000046;
	[dreg:$0x1] =	wrdreg $0xFFFFFFFF  }
0xa7: {  	s28 =	simm.s32 $_size_execute0_lowered;
	s2 =	sadd.s32 s2, s4;
	[dreg:$0x0] =	wrdreg $0x0  }
0xa8: {  	s4 =	sshll.u32 s28, $0x1;
	[dreg:$0x2] =	wrdreg s2  }
0xa9: {  	[dreg:$0x3] =	wrdreg s4  }
0xaa: {  	[dreg:$0x4] =	wrdreg $0xC0  }
0xab: {  	_ =	task [dreg:s6], $0x5FFFF  }
0xac: {  	[dreg:$0x1] =	wrdreg $0xFFFFFFFF  }
0xad: {  	[dreg:$0x0] =	wrdreg $0x60  }
0xae: {  	[dreg:$0x2] =	wrdreg s24  }
0xaf: {  	[dreg:$0x3] =	wrdreg $0xBF000  }
0xb0: {  	[dreg:$0x4] =	wrdreg $0x9  }
0xb1: {  	_ =	task.clear_ibuf [dreg:s6], $0x5FFFF;
	_ =	strace $0x90000046  }
0xb2: {  	s29 =	simm.s32 $0x9;
	_ =	strace $0x80000048  }
0xb3: {  	_ =	swait.ge [sflag:s29], $0x1  }
0xb4: {  	[sflag:s29] =	ssyncadd.s32 $0xFFFFFFFF  }
0xb5: {  	_ =	strace $0x90000048  }
0xb6: {  	_ =	sfence  }
0xb7: {  	s30 =	sld [smem:$0x0];
	_ =	sdelay $0x2  }
0xb8: {  	s31 =	sshll.u32 s1, $0xD;
	s1 =	sshrl.u32 s1, $0x2  }
0xb9: {  	s3 =	sand.u32 $0x4000, s31;
	s1 =	sadd.s32 s1, s30  }
0xba: {  	s0 =	sor.u32 s3, s0;
	s1 =	sshll.u32 s1, $0x11  }
0xbb: {  	s0 =	sor.u32 s1, s0  }
0xbc: {  	s0 =	sadd.s32 $0x8F2B, s0  }
0xbd: {  	[sflag:s0] =	ssyncadd.remote.s32 $0x1  }
0xbe: {  	_ =	sfence.sel $0xFFFF  }
0xbf: {  	[dreg:$0x0] =	wrdreg $0xFFFFFFFF;
	(pc) =	sbr.abs _section_cstart, $3  }
0xc0: {  	[dreg:$0x1] =	wrdreg $0xFFFFFFFF  }
0xc1: {  	_ =	task.clear_ibuf [dreg:s6], $0x2FFFF;
	_ =	strace $0x9FFFFFFF  }
0xc2: {  	(tm) =	ssettm $0x7FFFFFFF  }
0xc3: {  	_ =	shalt  }
tec
execute0_lowered:
.L_overlay_start_1:
0x0: {  	(tag) =	ssettag $0x1  }
0x1: {  	s0 =	rddreg [dreg:$0x0];
	s5 =	stileid.u32  }
0x2: {  	s1 =	rddreg [dreg:$0x1];
	s7 =	smul.u32 $0x14000, s5  }
0x3: {  	s2 =	srdreg.scid;
	s3 =	simm.s32 $0x0;
	s17 =	smul.u32 $0x50000, s5  }
0x4: {  	s29 =	simm.s32 $0x9700;
	s30 =	simm.s32 $0x4;
	s11 =	smul.u32 $0x4560, s5  }
0x5: {  	s31 =	simm.s32 $0x1;
	s2 =	sand.u32 $0x1, s2;
	s13 =	smul.u32 $0x960, s5  }
0x6: {  	[smem:$0x7FF] =	sst s3;
	s4 =	sadd.s32 $0x17000, s0;
	s26 =	smul.u32 $0x8AC, s5  }
0x7: {  	s8 =	sadd.s32 $0x3400, s0;
	s9 =	sadd.s32 $0xD200, s0;
	s28 =	smul.u32 $0x12C, s5  }
0x8: {  	s10 =	sadd.s32 $0x3E200, s0;
	s12 =	sshll.u32 s5, $0x6;
	s6 =	smul.u32 $0x140000, s2  }
0x9: {  	_ =	strace $0x80000047;
	[dreg:$0x3] =	wrdreg s10;
	s16 =	ssub.s32 $0x2, s2  }
0xa: {  	p0 =	seq.s32 s2, $0x1;
	s18 =	sshrl.u32 s16, $0x1;
	s10 =	sshrl.u32 s17, $0x2  }
0xb: {  	s19 =	sshrl.u32 s11, $0x3;
	s20 =	sshrl.u32 s13, $0x3;
	s17 =	sadd.s32 s26, s9  }
0xc: {  	s26 =	simm.s32 $0x4680;
	s13 =	simm.s32 $0x0;
	s6 =	sadd.s32 s7, s6  }
0xd: {  	s7 =	ssub.s32 s16, s18;
	s10 =	sadd.s32 s10, s1;
	s21 =	sadd.s32 s8, s19  }
0xe: {  	s22 =	sadd.s32 s9, s19;
	s23 =	sadd.s32 $0x8AC0, s20;
	s25 =	sadd.s32 s9, s20  }
0xf: {  	s18 =	sadd.s32 s28, s9;
	s20 =	simm.s32 $0xA;
	[dreg:$0x4] =	wrdreg s21  }
0x10: {  	s6 =	sshrl.u32 s6, $0x3;
	s24 =	sadd.s32 $0xA, s22;
	[dreg:$0x5] =	wrdreg s22  }
0x11: {  	s8 =	sadd.s32 s8, s23;
	s2 =	sadd.s32 s9, s23;
	s11 =	sadd.s32 $0x8ACA, s25  }
0x12: {  	s16 =	smax.u32 s7, $0x1;
	s19 =	sshrl.u32 s10, $0x3;
	s21 =	simm.s32 $0x4580  }
0x13: {  	s23 =	simm.s32 $0x4700;
	s7 =	simm.s32 $0x6;
	[dreg:$0x6] =	wrdreg s24  }
0x14: {  	s9 =	simm.s32 $0x3;
	s10 =	simm.s32 $0x7;
	[dreg:$0x8] =	wrdreg s8  }
0x15: {  	s0 =	sadd.s32 s6, s0;
	s6 =	sor.u32 $0x1C0A, s12;
	[dreg:$0x9] =	wrdreg s2  }
.Ltmp0:
0x16: {  	s12 =	sadd.s32 $0x14, s22;
	[dreg:$0xa] =	wrdreg s11;
	(pc) =	sbr.rel .LBB2_1-.Ltmp0, $4  }
0x17: {  	s2 =	sadd.s32 $0x8AD4, s25;
	s22 =	simm.s32 $0x50;
	s24 =	simm.s32 $0x4600  }
0x18: {  	s25 =	simm.s32 $0x6F00;
	s11 =	simm.s32 $0x8;
	[dreg:$0x7] =	wrdreg s12  }
0x19: {  	[dreg:$0xb] =	wrdreg s2;
	s0 =	sadd.s32 $0x40A00, s0;
	s2 =	simm.s32 $0x2  }
0x1a: {  	s12 =	simm.s32 $0x9;
	[dreg:$0xc] =	wrdreg s0;
	s0 =	simm.s32 $0x5  }
.LBB2_7:
0x1b: {  	[tilespmem:s29], [sflag:$0x3] =	stream.indirect.gather [hbm4b:s4+s22], $0x80, s14, s22, $0xb8;
	[tilespmem:$0x1FF00] =	vst v63  }
.LBB2_8:
0x1c: {  	_ =	swait.ge [sflag:s30], $0x50  }
0x1d: {  	[sflag:s30] =	ssyncset.done $0x0  }
0x1e: {  	[sflag:s30] =	ssyncadd.s32 $0xFFFFFFB0  }
0x1f: {  	_ =	swait.ge [sflag:s31], $0x2800  }
0x20: {  	[sflag:s31] =	ssyncset.done $0x0  }
0x21: {  	[sflag:s31] =	ssyncadd.s32 $0xFFFFD800  }
0x22: {  	[spmem:s1] =	stream.indirect.scatter.add.f32 [tilespmem:s23], [sflag:$0x7], $0x80, s21, s22, $0xb8;
	[tilespmem:$0x1FF00] =	vst v63  }
0x23: {  	_ =	swait.ge [sflag:s0], $0x50  }
0x24: {  	[sflag:s0] =	ssyncset.done $0x0  }
0x25: {  	[sflag:s0] =	ssyncadd.s32 $0xFFFFFFB0  }
0x26: {  	_ =	swait.ge [sflag:s2], $0x2800  }
0x27: {  	[sflag:s2] =	ssyncset.done $0x0  }
0x28: {  	[sflag:s2] =	ssyncadd.s32 $0xFFFFD800  }
0x29: {  	[spmem:s1] =	stream.indirect.scatter.add.f32 [tilespmem:s25], [sflag:$0x8], $0x80, s24, s22, $0xb8;
	[tilespmem:$0x1FF00] =	vst v63  }
0x2a: {  	_ =	swait.ge [sflag:s7], $0x50  }
0x2b: {  	[sflag:s7] =	ssyncset.done $0x0  }
0x2c: {  	[sflag:s7] =	ssyncadd.s32 $0xFFFFFFB0  }
0x2d: {  	_ =	swait.ge [sflag:s9], $0x2800  }
0x2e: {  	[sflag:s9] =	ssyncset.done $0x0  }
0x2f: {  	[sflag:s9] =	ssyncadd.s32 $0xFFFFD800  }
0x30: {  	[spmem:s1] =	stream.indirect.scatter.add.f32 [tilespmem:s29], [sflag:$0x9], $0x80, s26, s22, $0xb8;
	[tilespmem:$0x1FF00] =	vst v63  }
0x31: {  	_ =	swait.ge [sflag:s10], $0x2800  }
0x32: {  	[sflag:s10] =	ssyncset.done $0x0  }
0x33: {  	[sflag:s10] =	ssyncadd.s32 $0xFFFFD800  }
0x34: {  	_ =	swait.ge [sflag:s11], $0x2800  }
0x35: {  	[sflag:s11] =	ssyncset.done $0x0  }
0x36: {  	[sflag:s11] =	ssyncadd.s32 $0xFFFFD800  }
0x37: {  	_ =	swait.ge [sflag:s12], $0x2800  }
0x38: {  	[sflag:s12] =	ssyncset.done $0x0  }
0x39: {  	s13 =	sadd.s32 $0x1, s13;
	[sflag:s12] =	ssyncadd.s32 $0xFFFFD800  }
0x3a: {  	p1 =	sne.s32 s13, s16;
	[bflag:$0x0] =	sbarrier.arrive $0xFFFF  }
.Ltmp1:
0x3b: {  	s5 =	rddreg [dreg:$0xc];
	(pc) =	sbr.rel @!p1 .LBB2_9-.Ltmp1, $4  }
0x3c: {  	[hbm:s5], [sflag:s6] =	dma.local [spmem:s19], $0x2800  }
0x3d: {  	_ =	swait.ge [sflag:s20], $0x2800  }
0x3e: {  	[sflag:s20] =	ssyncset.done $0x0  }
0x3f: {  	[sflag:s20] =	ssyncadd.s32 $0xFFFFD800  }
.LBB2_1:
0x40: {  	s5 =	rddreg [dreg:$0x3]  }
0x41: {  	[spmem:s19], [sflag:s6] =	dma.local [hbm:s5], $0x2800  }
.Ltmp2:
0x42: {  	_ =	swait.ge [sflag:s20], $0x2800;
	(pc) =	sbr.rel @!p0 .LBB2_2-.Ltmp2, $3  }
0x43: {  	[sflag:s20] =	ssyncset.done $0x0  }
0x44: {  	[sflag:s20] =	ssyncadd.s32 $0xFFFFD800  }
0x45: {  	[bflag:$0x0] =	sbarrier.arrive $0xFFFF;
	_ =	sdelay $0x1  }
0x46: {  	s5 =	simm.s32 $0x0;
	s8 =	rddreg [dreg:$0x8]  }
0x47: {  	[tilespmem:s5], [sflag:$0xA] =	stream.linear.gather [hbm4b:s8+s5], $0x960, $0x38;
	[tilespmem:$0x1FF00] =	vst v63  }
0x48: {  	_ =	swait.ge [sflag:s20], $0x960  }
0x49: {  	[sflag:s20] =	ssyncset.done $0x0  }
0x4a: {  	s15 =	rddreg [dreg:$0x9];
	[sflag:s20] =	ssyncadd.s32 $0xFFFFF6A0  }
0x4b: {  	[tilespmem:s21], [sflag:$0x4] =	stream.linear.gather [hbm4b:s15+s5], $0x50, $0x38;
	[tilespmem:$0x1FF00] =	vst v63  }
0x4c: {  	_ = 	snop  }
0x4d: {  	[tilespmem:s23], [sflag:$0x1] =	stream.indirect.gather [hbm4b:s4+s22], $0x80, s5, s22, $0xb8;
	[tilespmem:$0x1FF00] =	vst v63  }
0x4e: {  	s14 =	rddreg [dreg:$0xa]  }
0x4f: {  	[tilespmem:s24], [sflag:$0x5] =	stream.linear.gather [hbm4b:s14+s5], $0x50, $0x38;
	[tilespmem:$0x1FF00] =	vst v63  }
0x50: {  	_ = 	snop  }
0x51: {  	[tilespmem:s25], [sflag:$0x2] =	stream.indirect.gather [hbm4b:s4+s22], $0x80, s22, s22, $0xb8;
	[tilespmem:$0x1FF00] =	vst v63  }
0x52: {  	s15 =	rddreg [dreg:$0xb]  }
0x53: {  	[tilespmem:s26], [sflag:$0x6] =	stream.linear.gather [hbm4b:s15+s5], $0x50, $0x38;
	[tilespmem:$0x1FF00] =	vst v63  }
0x54: {  	s8 =	simm.s32 $0xA0  }
0x55: {  	[tilespmem:s29], [sflag:$0x3] =	stream.indirect.gather [hbm4b:s4+s22], $0x80, s8, s22, $0xb8;
	[tilespmem:$0x1FF00] =	vst v63  }
0x56: {  	_ =	swait.ge [sflag:s30], $0x50  }
0x57: {  	[sflag:s30] =	ssyncset.done $0x0  }
0x58: {  	[sflag:s30] =	ssyncadd.s32 $0xFFFFFFB0  }
0x59: {  	_ =	swait.ge [sflag:s31], $0x2800  }
0x5a: {  	[sflag:s31] =	ssyncset.done $0x0  }
0x5b: {  	[sflag:s31] =	ssyncadd.s32 $0xFFFFD800  }
0x5c: {  	[spmem:s1] =	stream.indirect.scatter.add.f32 [tilespmem:s23], [sflag:$0x7], $0x80, s21, s22, $0xb8;
	[tilespmem:$0x1FF00] =	vst v63  }
0x5d: {  	_ =	swait.ge [sflag:s0], $0x50  }
0x5e: {  	[sflag:s0] =	ssyncset.done $0x0  }
0x5f: {  	[sflag:s0] =	ssyncadd.s32 $0xFFFFFFB0  }
0x60: {  	_ =	swait.ge [sflag:s2], $0x2800  }
0x61: {  	[sflag:s2] =	ssyncset.done $0x0  }
0x62: {  	[sflag:s2] =	ssyncadd.s32 $0xFFFFD800  }
0x63: {  	[spmem:s1] =	stream.indirect.scatter.add.f32 [tilespmem:s25], [sflag:$0x8], $0x80, s24, s22, $0xb8;
	[tilespmem:$0x1FF00] =	vst v63  }
0x64: {  	_ =	swait.ge [sflag:s7], $0x50  }
0x65: {  	[sflag:s7] =	ssyncset.done $0x0  }
0x66: {  	[sflag:s7] =	ssyncadd.s32 $0xFFFFFFB0  }
0x67: {  	_ =	swait.ge [sflag:s9], $0x2800  }
0x68: {  	[sflag:s9] =	ssyncset.done $0x0  }
0x69: {  	[sflag:s9] =	ssyncadd.s32 $0xFFFFD800  }
0x6a: {  	[spmem:s1] =	stream.indirect.scatter.add.f32 [tilespmem:s29], [sflag:$0x9], $0x80, s26, s22, $0xb8;
	[tilespmem:$0x1FF00] =	vst v63  }
0x6b: {  	_ =	swait.ge [sflag:s10], $0x2800  }
0x6c: {  	s5 =	sadd.s32 $0x0, s18;
	[sflag:s10] =	ssyncset.done $0x0  }
0x6d: {  	s14 =	sadd.s32 $0x8ADE, s5;
	[sflag:s10] =	ssyncadd.s32 $0xFFFFD800  }
0x6e: {  	[tilespmem:s21], [sflag:$0x4] =	stream.linear.gather [hbm4b:s14+s3], $0x50, $0x38;
	[tilespmem:$0x1FF00] =	vst v63  }
0x6f: {  	s15 =	simm.s32 $0xF0  }
0x70: {  	[tilespmem:s23], [sflag:$0x1] =	stream.indirect.gather [hbm4b:s4+s22], $0x80, s15, s22, $0xb8;
	[tilespmem:$0x1FF00] =	vst v63  }
0x71: {  	_ =	swait.ge [sflag:s11], $0x2800  }
0x72: {  	[sflag:s11] =	ssyncset.done $0x0  }
0x73: {  	s14 =	sadd.s32 $0x8AE8, s5;
	[sflag:s11] =	ssyncadd.s32 $0xFFFFD800  }
0x74: {  	[tilespmem:s24], [sflag:$0x5] =	stream.linear.gather [hbm4b:s14+s3], $0x50, $0x38;
	[tilespmem:$0x1FF00] =	vst v63  }
0x75: {  	s15 =	simm.s32 $0x140  }
0x76: {  	[tilespmem:s25], [sflag:$0x2] =	stream.indirect.gather [hbm4b:s4+s22], $0x80, s15, s22, $0xb8;
	[tilespmem:$0x1FF00] =	vst v63  }
0x77: {  	_ =	swait.ge [sflag:s12], $0x2800  }
0x78: {  	s28 =	simm.s32 $0x1E;
	s8 =	simm.s32 $0x280;
	[sflag:s12] =	ssyncset.done $0x0  }
0x79: {  	s5 =	sadd.s32 $0x8AF2, s5;
	s14 =	simm.s32 $0x190;
	[sflag:s12] =	ssyncadd.s32 $0xFFFFD800  }
0x7a: {  	[tilespmem:s26], [sflag:$0x6] =	stream.linear.gather [hbm4b:s5+s3], $0x50, $0x38;
	[tilespmem:$0x1FF00] =	vst v63  }
.LBB2_6:
0x7b: {  	[tilespmem:s29], [sflag:$0x3] =	stream.indirect.gather [hbm4b:s4+s22], $0x80, s14, s22, $0xb8;
	[tilespmem:$0x1FF00] =	vst v63  }
0x7c: {  	s5 =	smov.u32 s28;
	s14 =	smov.u32 s8  }
0x7d: {  	p1 =	sne.s32 s28, $0xF0;
	s28 =	sadd.s32 $0x1E, s28;
	_ =	swait.ge [sflag:s30], $0x50  }
0x7e: {  	[sflag:s30] =	ssyncset.done $0x0  }
0x7f: {  	[sflag:s30] =	ssyncadd.s32 $0xFFFFFFB0  }
0x80: {  	_ =	swait.ge [sflag:s31], $0x2800  }
0x81: {  	[sflag:s31] =	ssyncset.done $0x0  }
0x82: {  	[sflag:s31] =	ssyncadd.s32 $0xFFFFD800  }
0x83: {  	[spmem:s1] =	stream.indirect.scatter.add.f32 [tilespmem:s23], [sflag:$0x7], $0x80, s21, s22, $0xb8;
	[tilespmem:$0x1FF00] =	vst v63  }
0x84: {  	_ =	swait.ge [sflag:s0], $0x50  }
0x85: {  	[sflag:s0] =	ssyncset.done $0x0  }
0x86: {  	[sflag:s0] =	ssyncadd.s32 $0xFFFFFFB0  }
0x87: {  	_ =	swait.ge [sflag:s2], $0x2800  }
0x88: {  	[sflag:s2] =	ssyncset.done $0x0  }
0x89: {  	[sflag:s2] =	ssyncadd.s32 $0xFFFFD800  }
0x8a: {  	[spmem:s1] =	stream.indirect.scatter.add.f32 [tilespmem:s25], [sflag:$0x8], $0x80, s24, s22, $0xb8;
	[tilespmem:$0x1FF00] =	vst v63  }
0x8b: {  	_ =	swait.ge [sflag:s7], $0x50  }
0x8c: {  	[sflag:s7] =	ssyncset.done $0x0  }
0x8d: {  	[sflag:s7] =	ssyncadd.s32 $0xFFFFFFB0  }
0x8e: {  	_ =	swait.ge [sflag:s9], $0x2800  }
0x8f: {  	[sflag:s9] =	ssyncset.done $0x0  }
0x90: {  	[sflag:s9] =	ssyncadd.s32 $0xFFFFD800  }
0x91: {  	[spmem:s1] =	stream.indirect.scatter.add.f32 [tilespmem:s29], [sflag:$0x9], $0x80, s26, s22, $0xb8;
	[tilespmem:$0x1FF00] =	vst v63  }
0x92: {  	_ =	swait.ge [sflag:s10], $0x2800  }
0x93: {  	s5 =	sadd.s32 s5, s18;
	[sflag:s10] =	ssyncset.done $0x0  }
0x94: {  	s15 =	sadd.s32 $0x8ADE, s5;
	[sflag:s10] =	ssyncadd.s32 $0xFFFFD800  }
0x95: {  	[tilespmem:s21], [sflag:$0x4] =	stream.linear.gather [hbm4b:s15+s3], $0x50, $0x38;
	[tilespmem:$0x1FF00] =	vst v63  }
0x96: {  	s15 =	sadd.s32 $0xFFFFFF60, s8  }
0x97: {  	[tilespmem:s23], [sflag:$0x1] =	stream.indirect.gather [hbm4b:s4+s22], $0x80, s15, s22, $0xb8;
	[tilespmem:$0x1FF00] =	vst v63  }
0x98: {  	_ =	swait.ge [sflag:s11], $0x2800  }
0x99: {  	[sflag:s11] =	ssyncset.done $0x0  }
0x9a: {  	s15 =	sadd.s32 $0x8AE8, s5;
	[sflag:s11] =	ssyncadd.s32 $0xFFFFD800  }
0x9b: {  	[tilespmem:s24], [sflag:$0x5] =	stream.linear.gather [hbm4b:s15+s3], $0x50, $0x38;
	[tilespmem:$0x1FF00] =	vst v63  }
0x9c: {  	s15 =	sadd.s32 $0xFFFFFFB0, s8  }
0x9d: {  	[tilespmem:s25], [sflag:$0x2] =	stream.indirect.gather [hbm4b:s4+s22], $0x80, s15, s22, $0xb8;
	[tilespmem:$0x1FF00] =	vst v63  }
.Ltmp3:
0x9e: {  	_ =	swait.ge [sflag:s12], $0x2800;
	(pc) =	sbr.rel @p1 .LBB2_6-.Ltmp3, $4  }
0x9f: {  	[sflag:s12] =	ssyncset.done $0x0  }
0xa0: {  	s5 =	sadd.s32 $0x8AF2, s5;
	[sflag:s12] =	ssyncadd.s32 $0xFFFFD800  }
0xa1: {  	[tilespmem:s26], [sflag:$0x6] =	stream.linear.gather [hbm4b:s5+s3], $0x50, $0x38;
	[tilespmem:$0x1FF00] =	vst v63  }
0xa2: {  	s8 =	sadd.s32 $0xF0, s8  }
.Ltmp4:
0xa3: {  	_ = 	snop;
	(pc) =	sbr.rel .LBB2_7-.Ltmp4, $1  }
0xa4: {  	_ =	sdelay $0x3  }
.LBB2_2:
0xa5: {  	s8 =	simm.s32 $0x0;
	s5 =	rddreg [dreg:$0x4]  }
0xa6: {  	[tilespmem:s8], [sflag:$0xA] =	stream.linear.gather [hbm4b:s5+s8], $0x4560, $0x38;
	[tilespmem:$0x1FF00] =	vst v63  }
0xa7: {  	_ =	swait.ge [sflag:s20], $0x4560  }
0xa8: {  	[sflag:s20] =	ssyncset.done $0x0  }
0xa9: {  	s15 =	rddreg [dreg:$0x5];
	[sflag:s20] =	ssyncadd.s32 $0xFFFFBAA0  }
0xaa: {  	[tilespmem:s21], [sflag:$0x4] =	stream.linear.gather [hbm4b:s15+s8], $0x50, $0x38;
	[tilespmem:$0x1FF00] =	vst v63  }
0xab: {  	_ = 	snop  }
0xac: {  	[tilespmem:s23], [sflag:$0x1] =	stream.indirect.gather [hbm4b:s4+s22], $0x80, s8, s22, $0xb8;
	[tilespmem:$0x1FF00] =	vst v63  }
0xad: {  	s14 =	rddreg [dreg:$0x6]  }
0xae: {  	[tilespmem:s24], [sflag:$0x5] =	stream.linear.gather [hbm4b:s14+s8], $0x50, $0x38;
	[tilespmem:$0x1FF00] =	vst v63  }
0xaf: {  	_ = 	snop  }
0xb0: {  	[tilespmem:s25], [sflag:$0x2] =	stream.indirect.gather [hbm4b:s4+s22], $0x80, s22, s22, $0xb8;
	[tilespmem:$0x1FF00] =	vst v63  }
0xb1: {  	s15 =	rddreg [dreg:$0x7]  }
0xb2: {  	[tilespmem:s26], [sflag:$0x6] =	stream.linear.gather [hbm4b:s15+s8], $0x50, $0x38;
	[tilespmem:$0x1FF00] =	vst v63  }
0xb3: {  	s14 =	simm.s32 $0xA0  }
0xb4: {  	[tilespmem:s29], [sflag:$0x3] =	stream.indirect.gather [hbm4b:s4+s22], $0x80, s14, s22, $0xb8;
	[tilespmem:$0x1FF00] =	vst v63  }
0xb5: {  	_ =	swait.ge [sflag:s30], $0x50  }
0xb6: {  	[sflag:s30] =	ssyncset.done $0x0  }
0xb7: {  	[sflag:s30] =	ssyncadd.s32 $0xFFFFFFB0  }
0xb8: {  	_ =	swait.ge [sflag:s31], $0x2800  }
0xb9: {  	[sflag:s31] =	ssyncset.done $0x0  }
0xba: {  	[sflag:s31] =	ssyncadd.s32 $0xFFFFD800  }
0xbb: {  	[spmem:s1] =	stream.indirect.scatter.add.f32 [tilespmem:s23], [sflag:$0x7], $0x80, s21, s22, $0xb8;
	[tilespmem:$0x1FF00] =	vst v63  }
0xbc: {  	_ =	swait.ge [sflag:s0], $0x50  }
0xbd: {  	[sflag:s0] =	ssyncset.done $0x0  }
0xbe: {  	[sflag:s0] =	ssyncadd.s32 $0xFFFFFFB0  }
0xbf: {  	_ =	swait.ge [sflag:s2], $0x2800  }
0xc0: {  	[sflag:s2] =	ssyncset.done $0x0  }
0xc1: {  	[sflag:s2] =	ssyncadd.s32 $0xFFFFD800  }
0xc2: {  	[spmem:s1] =	stream.indirect.scatter.add.f32 [tilespmem:s25], [sflag:$0x8], $0x80, s24, s22, $0xb8;
	[tilespmem:$0x1FF00] =	vst v63  }
0xc3: {  	_ =	swait.ge [sflag:s7], $0x50  }
0xc4: {  	[sflag:s7] =	ssyncset.done $0x0  }
0xc5: {  	[sflag:s7] =	ssyncadd.s32 $0xFFFFFFB0  }
0xc6: {  	_ =	swait.ge [sflag:s9], $0x2800  }
0xc7: {  	[sflag:s9] =	ssyncset.done $0x0  }
0xc8: {  	[sflag:s9] =	ssyncadd.s32 $0xFFFFD800  }
0xc9: {  	[spmem:s1] =	stream.indirect.scatter.add.f32 [tilespmem:s29], [sflag:$0x9], $0x80, s26, s22, $0xb8;
	[tilespmem:$0x1FF00] =	vst v63  }
0xca: {  	_ =	swait.ge [sflag:s10], $0x2800  }
0xcb: {  	s8 =	sadd.s32 $0x0, s17;
	[sflag:s10] =	ssyncset.done $0x0  }
0xcc: {  	s14 =	sadd.s32 $0x1E, s8;
	[sflag:s10] =	ssyncadd.s32 $0xFFFFD800  }
0xcd: {  	[tilespmem:s21], [sflag:$0x4] =	stream.linear.gather [hbm4b:s14+s3], $0x50, $0x38;
	[tilespmem:$0x1FF00] =	vst v63  }
0xce: {  	s15 =	simm.s32 $0xF0  }
0xcf: {  	[tilespmem:s23], [sflag:$0x1] =	stream.indirect.gather [hbm4b:s4+s22], $0x80, s15, s22, $0xb8;
	[tilespmem:$0x1FF00] =	vst v63  }
0xd0: {  	_ =	swait.ge [sflag:s11], $0x2800  }
0xd1: {  	[sflag:s11] =	ssyncset.done $0x0  }
0xd2: {  	s5 =	sadd.s32 $0x28, s8;
	[sflag:s11] =	ssyncadd.s32 $0xFFFFD800  }
0xd3: {  	[tilespmem:s24], [sflag:$0x5] =	stream.linear.gather [hbm4b:s5+s3], $0x50, $0x38;
	[tilespmem:$0x1FF00] =	vst v63  }
0xd4: {  	s15 =	simm.s32 $0x140  }
0xd5: {  	[tilespmem:s25], [sflag:$0x2] =	stream.indirect.gather [hbm4b:s4+s22], $0x80, s15, s22, $0xb8;
	[tilespmem:$0x1FF00] =	vst v63  }
0xd6: {  	_ =	swait.ge [sflag:s12], $0x2800  }
0xd7: {  	[sflag:s12] =	ssyncset.done $0x0  }
0xd8: {  	s8 =	sadd.s32 $0x32, s8;
	[sflag:s12] =	ssyncadd.s32 $0xFFFFD800  }
0xd9: {  	[tilespmem:s26], [sflag:$0x6] =	stream.linear.gather [hbm4b:s8+s3], $0x50, $0x38;
	[tilespmem:$0x1FF00] =	vst v63  }
0xda: {  	s28 =	simm.s32 $0x1E;
	s14 =	simm.s32 $0x190;
	s8 =	simm.s32 $0x280  }
.LBB2_3:
0xdb: {  	[tilespmem:s29], [sflag:$0x3] =	stream.indirect.gather [hbm4b:s4+s22], $0x80, s14, s22, $0xb8;
	[tilespmem:$0x1FF00] =	vst v63  }
0xdc: {  	s5 =	smov.u32 s28;
	s14 =	smov.u32 s8  }
0xdd: {  	p1 =	seq.s32 s28, $0x870;
	s28 =	sadd.s32 $0x1E, s28;
	_ =	swait.ge [sflag:s30], $0x50  }
0xde: {  	[sflag:s30] =	ssyncset.done $0x0  }
0xdf: {  	[sflag:s30] =	ssyncadd.s32 $0xFFFFFFB0  }
0xe0: {  	_ =	swait.ge [sflag:s31], $0x2800  }
0xe1: {  	[sflag:s31] =	ssyncset.done $0x0  }
0xe2: {  	[sflag:s31] =	ssyncadd.s32 $0xFFFFD800  }
0xe3: {  	[spmem:s1] =	stream.indirect.scatter.add.f32 [tilespmem:s23], [sflag:$0x7], $0x80, s21, s22, $0xb8;
	[tilespmem:$0x1FF00] =	vst v63  }
0xe4: {  	_ =	swait.ge [sflag:s0], $0x50  }
0xe5: {  	[sflag:s0] =	ssyncset.done $0x0  }
0xe6: {  	[sflag:s0] =	ssyncadd.s32 $0xFFFFFFB0  }
0xe7: {  	_ =	swait.ge [sflag:s2], $0x2800  }
0xe8: {  	[sflag:s2] =	ssyncset.done $0x0  }
0xe9: {  	[sflag:s2] =	ssyncadd.s32 $0xFFFFD800  }
0xea: {  	[spmem:s1] =	stream.indirect.scatter.add.f32 [tilespmem:s25], [sflag:$0x8], $0x80, s24, s22, $0xb8;
	[tilespmem:$0x1FF00] =	vst v63  }
0xeb: {  	_ =	swait.ge [sflag:s7], $0x50  }
0xec: {  	[sflag:s7] =	ssyncset.done $0x0  }
0xed: {  	[sflag:s7] =	ssyncadd.s32 $0xFFFFFFB0  }
0xee: {  	_ =	swait.ge [sflag:s9], $0x2800  }
0xef: {  	[sflag:s9] =	ssyncset.done $0x0  }
0xf0: {  	[sflag:s9] =	ssyncadd.s32 $0xFFFFD800  }
0xf1: {  	[spmem:s1] =	stream.indirect.scatter.add.f32 [tilespmem:s29], [sflag:$0x9], $0x80, s26, s22, $0xb8;
	[tilespmem:$0x1FF00] =	vst v63  }
0xf2: {  	_ =	swait.ge [sflag:s10], $0x2800  }
0xf3: {  	s5 =	sadd.s32 s5, s17;
	[sflag:s10] =	ssyncset.done $0x0  }
0xf4: {  	s15 =	sadd.s32 $0x1E, s5;
	[sflag:s10] =	ssyncadd.s32 $0xFFFFD800  }
0xf5: {  	[tilespmem:s21], [sflag:$0x4] =	stream.linear.gather [hbm4b:s15+s3], $0x50, $0x38;
	[tilespmem:$0x1FF00] =	vst v63  }
0xf6: {  	s15 =	sadd.s32 $0xFFFFFF60, s8  }
0xf7: {  	[tilespmem:s23], [sflag:$0x1] =	stream.indirect.gather [hbm4b:s4+s22], $0x80, s15, s22, $0xb8;
	[tilespmem:$0x1FF00] =	vst v63  }
0xf8: {  	_ =	swait.ge [sflag:s11], $0x2800  }
0xf9: {  	[sflag:s11] =	ssyncset.done $0x0  }
0xfa: {  	s15 =	sadd.s32 $0x28, s5;
	[sflag:s11] =	ssyncadd.s32 $0xFFFFD800  }
0xfb: {  	[tilespmem:s24], [sflag:$0x5] =	stream.linear.gather [hbm4b:s15+s3], $0x50, $0x38;
	[tilespmem:$0x1FF00] =	vst v63  }
0xfc: {  	s15 =	sadd.s32 $0xFFFFFFB0, s8  }
0xfd: {  	[tilespmem:s25], [sflag:$0x2] =	stream.indirect.gather [hbm4b:s4+s22], $0x80, s15, s22, $0xb8;
	[tilespmem:$0x1FF00] =	vst v63  }
.Ltmp5:
0xfe: {  	_ =	swait.ge [sflag:s12], $0x2800;
	(pc) =	sbr.rel @!p1 .LBB2_3-.Ltmp5, $4  }
0xff: {  	[sflag:s12] =	ssyncset.done $0x0  }
0x100: {  	s5 =	sadd.s32 $0x32, s5;
	[sflag:s12] =	ssyncadd.s32 $0xFFFFD800  }
0x101: {  	[tilespmem:s26], [sflag:$0x6] =	stream.linear.gather [hbm4b:s5+s3], $0x50, $0x38;
	[tilespmem:$0x1FF00] =	vst v63  }
0x102: {  	s8 =	sadd.s32 $0xF0, s8  }
.Ltmp6:
0x103: {  	(pc) =	sbr.rel .LBB2_8-.Ltmp6, $2  }
0x104: {  	_ =	sdelay $0x2  }
0x105: {  	[tilespmem:s29], [sflag:$0x3] =	stream.indirect.gather [hbm4b:s4+s22], $0x80, s14, s22, $0xb8;
	[tilespmem:$0x1FF00] =	vst v63  }
.LBB2_9:
0x106: {  	_ =	sfence.sel $0x180000  }
0x107: {  	[bflag:$0x0] =	sbarrier.arrive $0xFFFF  }
0x108: {  	_ =	strace $0x90000047  }
0x109: {  	s0 =	stileid.u32;
	[bflag:$0x2] =	sbarrier.arrive $0xFFFF  }
0x10a: {  	p0 =	sne.s32 s0, $0x0;
	s0 =	rddreg [dreg:$0x2]  }
0x10b: {  	s0 =	sadd.s32 @!p0 $0x100000, s0  }
0x10c: {  	[sflag:s0] =	ssyncadd.tile.s32 @!p0 $0x1;
	_ =	shalt  }
.Lfunc_end2:
_tile_overlayer_lowered:
.L_overlay_start_2:
0x10d: {  	(tag) =	ssettag $0x2  }
0x10e: {  	s0 =	rddreg [dreg:$0x0];
	s2 =	stileid.u32  }
0x10f: {  	s1 =	rddreg [dreg:$0x1];
	p0 =	sne.s32 s2, $0x0  }
0x110: {  	s3 =	rddreg [dreg:$0x2];
	[bflag:$0x3] =	sbarrier.arrive $0xFFFF;
	s2 =	simm.s32 @!p0 $0x1C0A  }
0x111: {  	[timem:s3], [sflag:s2] =	dma.local @!p0 [hbm:s0], s1  }
0x112: {  	s0 =	simm.s32 @!p0 $0xA  }
0x113: {  	_ =	swait.ge @!p0 [sflag:s0], s1  }
0x114: {  	s1 =	ssub.s32 @!p0 $0x0, s1;
	[sflag:s0] =	ssyncset.done @!p0 $0x0  }
0x115: {  	[sflag:s0] =	ssyncadd.s32 @!p0 s1  }
0x116: {  	[bflag:$0x3] =	sbarrier.arrive $0xFFFF  }
0x117: {  	_ =	shalt  }

</sc_bundles>
